<compile_context>
chip_gen: v7x
topology: tpu7x:2x2x1
jax: 0.10.2.dev20260603
libtpu: 0.0.44.dev20260713+nightly
codegen_flags: <defaults>
</compile_context>

<pallas_src>
import functools

import jax
import jax.numpy as jnp
from jax import lax
from jax.experimental import pallas as pl
from jax.experimental.pallas import tpu as pltpu
from jax.experimental.pallas import tpu_sc as plsc

_B = 128
_INPUT = 1024
_M = 4096
_W = 64
_R = 4
_C = 33
_IFACE = 323

_NC = 2
_NS = 16
_NW = _NC * _NS

_NIDX = _B * _C
_PER_W = ((_NIDX + _NW - 1) // _NW + 7) // 8 * 8
_NPAD = _PER_W * _NW


_HALF = _NPAD // 2
_CHUNK = 128


def _sc_gather(table, idx):
    mesh = plsc.ScalarSubcoreMesh(axis_name="core", num_cores=_NC)
    nchunks = _HALF // _CHUNK

    @functools.partial(
        pl.kernel,
        mesh=mesh,
        out_type=jax.ShapeDtypeStruct((_NPAD, _W), jnp.float32),
        scratch_types=[
            pltpu.SMEM((2, _CHUNK), jnp.int32),
            pltpu.SemaphoreType.DMA,
            pltpu.SemaphoreType.DMA,
            pltpu.SemaphoreType.DMA,
        ],
    )
    def gather_kernel(table_hbm, idx_hbm, out_hbm, idx_s, isem0, isem1, sem):
        base = lax.axis_index("core") * _HALF
        isems = (isem0, isem1)
        pltpu.async_copy(
            idx_hbm.at[pl.ds(base, _CHUNK)], idx_s.at[0], isem0).start()

        for ci in range(nchunks):
            j = ci * _CHUNK
            cur = ci % 2
            if ci + 1 < nchunks:
                pltpu.async_copy(
                    idx_hbm.at[pl.ds(base + j + _CHUNK, _CHUNK)],
                    idx_s.at[1 - cur], isems[1 - cur]).start()
            pltpu.make_async_copy(
                idx_hbm.at[pl.ds(base + j, _CHUNK)],
                idx_s.at[cur], isems[cur]).wait()

            @pl.loop(0, _CHUNK, step=4)
            def _(i, j=j, cur=cur):
                for u in range(4):
                    pltpu.make_async_copy(
                        table_hbm.at[idx_s[cur, i + u]],
                        out_hbm.at[base + j + i + u], sem).start()

        pltpu.make_async_copy(
            out_hbm.at[pl.ds(base, _HALF)],
            out_hbm.at[pl.ds(base, _HALF)], sem).wait()

    return gather_kernel(table, idx)


def _tc_iface(x_ref, w_ref, b_ref, lnw_ref, lnb_ref, rest_ref, st_ref):
    x = x_ref[...]
    wint = w_ref[...]
    xi = lax.dot_general(
        x, wint, (((1,), (1,)), ((), ())),
        precision=lax.Precision.HIGHEST,
    ) + b_ref[...]

    st_ref[...] = 1.0 + jax.nn.softplus(xi[:, _IFACE - 1:_IFACE])

    rest = xi[:, :_IFACE - 1]
    u = jnp.mean(rest, axis=-1, keepdims=True)
    s = jnp.mean((rest - u) ** 2, axis=-1, keepdims=True)
    rest_ref[...] = (lnw_ref[...] * (rest - u) / jnp.sqrt(s + 1e-12)
                     + lnb_ref[...])


def _tc_body(rest_ref, st_ref, vis_ref, out_ref):
    rest = rest_ref[...]
    strength = st_ref[...]
    rw_end = _R * _W
    wv = rest[:, rw_end:rw_end + _W][:, None, :]
    ig = jax.nn.sigmoid(rest[:, rw_end + _W:rw_end + _W + 1])
    wg = jax.nn.sigmoid(rest[:, rw_end + _W + 1:rw_end + _W + 2])

    vis = vis_ref[...]
    wvn = jnp.sqrt(jnp.sum(wv * wv, axis=-1, keepdims=True))
    visn = jnp.sqrt(jnp.sum(vis * vis, axis=-1, keepdims=True))
    cw = jnp.sum(vis * wv, axis=-1, keepdims=True) / (wvn * visn + 1e-6)

    t = cw * (1.0 + ig)[:, :, None] * 5.0
    m = jnp.max(t, axis=1, keepdims=True)
    e = jnp.exp(t - m)
    ww = e / jnp.sum(e, axis=1, keepdims=True) * wg[:, :, None]

    nv = vis * (1.0 - ww) + ww * wv
    nvn = jnp.sqrt(jnp.sum(nv * nv, axis=-1, keepdims=True))

    out_ref[:, _R:, :] = nv

    st = strength[:, :, None]
    for r in range(_R):
        rq = rest[:, r * _W:(r + 1) * _W][:, None, :]
        rqn = jnp.sqrt(jnp.sum(rq * rq, axis=-1, keepdims=True))
        cr = jnp.sum(nv * rq, axis=-1, keepdims=True) / (rqn * nvn + 1e-6)
        tr = cr * st
        mr = jnp.max(tr, axis=1, keepdims=True)
        er = jnp.exp(tr - mr)
        rw = er / jnp.sum(er, axis=1, keepdims=True)
        out_ref[:, r, :] = jnp.sum(rw * nv, axis=1)


def kernel(x, memory, read_positions, W_int, b_int, ln_w, ln_b):
    b, m, w = memory.shape
    c = read_positions.shape[1]

    table = memory.reshape(b * m, w)
    flat_idx = (read_positions
                + (jnp.arange(b, dtype=jnp.int32) * m)[:, None])
    flat_idx = jnp.concatenate(
        [flat_idx.reshape(-1),
         jnp.zeros((_NPAD - _NIDX,), dtype=jnp.int32)])
    rows = _sc_gather(table, flat_idx)
    vis = rows[:_NIDX].reshape(b, c, w)

    rest, strength = pl.pallas_call(
        _tc_iface,
        out_shape=(jax.ShapeDtypeStruct((b, _IFACE - 1), jnp.float32),
                   jax.ShapeDtypeStruct((b, 1), jnp.float32)),
    )(x, W_int, b_int.reshape(1, -1), ln_w.reshape(1, -1),
      ln_b.reshape(1, -1))

    out = pl.pallas_call(
        _tc_body,
        out_shape=jax.ShapeDtypeStruct((b, _R + c, w), jnp.float32),
    )(rest, strength, vis)
    return out

# --- scband reference (transcript-rebuilt; emitter-appended) ---
"""Pipeline reference for scband-sparse-memory-86526411145505 (READ-ONLY COPY).

The authoritative reference and input builder live on the scoring server;
editing this copy changes nothing except your own understanding.
"""

import jax, jax.numpy as jnp
import numpy as np

B = 128
INPUT = 1024
M = 4096
W = 64
R = 4
K = 8
C = K * R + 1  # 33 visible cells
IFACE = W * R + W + 1 + 1 + 1  # read queries + write vector + interp gate + write gate + read strength = 323


def _layernorm(x, w, b, eps=1e-12):
    u = x.mean(-1, keepdims=True)
    s = ((x - u) ** 2).mean(-1, keepdims=True)
    return w * (x - u) / jnp.sqrt(s + eps) + b


def _cosine(a, m, eps=1e-6):
    # a: [b, n, w], m: [b, c, w] -> [b, n, c]
    num = jnp.einsum('bnw,bcw->bnc', a, m)
    na = jnp.linalg.norm(a, axis=-1)[:, :, None]
    nm = jnp.linalg.norm(m, axis=-1)[:, None, :]
    return num / (na * nm + eps)


def setup_inputs(seed: int = 0) -> dict:
    key = jax.random.key(seed)
    ks = jax.random.split(key, 8)
    x = jax.random.normal(ks[0], (B, INPUT), dtype=jnp.float32)
    memory = jax.random.normal(ks[1], (B, M, W), dtype=jnp.float32) * 0.1
    read_positions = jax.random.randint(ks[2], (B, C), 0, M, dtype=jnp.int32)
    W_int = jax.random.normal(ks[3], (IFACE, INPUT), dtype=jnp.float32) * (1.0 / np.sqrt(INPUT))
    b_int = jnp.zeros((IFACE,), dtype=jnp.float32)
    ln_w = jnp.ones((IFACE - 1,), dtype=jnp.float32)
    ln_b = jnp.zeros((IFACE - 1,), dtype=jnp.float32)
    return {'x': x, 'memory': memory, 'read_positions': read_positions,
            'W_int': W_int, 'b_int': b_int, 'ln_w': ln_w, 'ln_b': ln_b}


def reference(x, memory, read_positions, W_int, b_int, ln_w, ln_b):
    b = x.shape[0]
    # interface projection (interface_weights Linear) + BertLayerNorm on all but read-strength
    xi = x @ W_int.T + b_int
    strength = 1.0 + jax.nn.softplus(xi[:, -1])  # oneplus read strength
    rest = _layernorm(xi[:, :-1], ln_w, ln_b)
    rq = rest[:, :R * W].reshape(b, R, W)                 # read queries
    wv = rest[:, R * W:R * W + W].reshape(b, 1, W)        # write vector
    ig = jax.nn.sigmoid(rest[:, R * W + W])               # interpolation gate
    wg = jax.nn.sigmoid(rest[:, R * W + W + 1])           # write gate
    batch_idx = jnp.arange(b)[:, None]
    # gather visible memory window (sparse read positions)
    visible = memory[batch_idx, read_positions]           # [b, c, w]
    # content-based write weights over visible window, gated
    cw = _cosine(wv, visible)[:, 0, :]                    # [b, c]
    ww = jax.nn.softmax(cw * (1.0 + ig[:, None]) * 5.0, axis=-1) * wg[:, None]
    new_visible = visible * (1.0 - ww[..., None]) + ww[..., None] * wv
    # scatter-overwrite visible window back into sparse memory (write_into_sparse_memory)
    new_memory = memory.at[batch_idx, read_positions].set(new_visible)
    # sparse content read against updated visible memory
    cr = _cosine(rq, new_visible)                         # [b, r, c]
    rw = jax.nn.softmax(cr * strength[:, None, None], axis=-1)
    read_vectors = jnp.einsum('brc,bcw->brw', rw, new_visible)  # [b, r, w]
    # re-gather written cells so the scatter participates in the output
    gathered = jnp.take_along_axis(new_memory, read_positions[..., None], axis=1)  # [b, c, w]
    return jnp.concatenate([read_vectors, gathered], axis=1)  # [b, r+c, w]

if __name__ == "__main__":
    import jax
    _d = setup_inputs()
    print(jax.jit(kernel)(*tuple(_d.values())))

</pallas_src>

<mosaic_0001>
#map = affine_map<(d0) -> (0, 0)>
#map1 = affine_map<(d0) -> (0)>
module attributes {stable_mosaic.version = 14 : i64} {
  func.func @gather_kernel(%arg0: i32, %arg1: memref<524288x64xf32, #tpu.memory_space<hbm>>, %arg2: memref<4352xi32, #tpu.memory_space<hbm>>, %arg3: memref<4352x64xf32, #tpu.memory_space<hbm>>, %arg4: memref<2x128xi32, #tpu.memory_space<smem>>, %arg5: memref<!tpu.dma_semaphore, #tpu.memory_space<semaphore_mem>>, %arg6: memref<!tpu.dma_semaphore, #tpu.memory_space<semaphore_mem>>, %arg7: memref<!tpu.dma_semaphore, #tpu.memory_space<semaphore_mem>>) attributes {dimension_semantics = [#tpu.dimension_semantics<core_parallel>], iteration_bounds = array<i64: 2>, scalar_prefetch = 0 : i64, scratch_operands = 4 : i64, tpu.core_type = #tpu.core_type<sc_scalar_subcore>, window_params = [{transform_indices = #map}, {transform_indices = #map1}, {transform_indices = #map}]} {
    %mul3A = arith.constant 2176 : i32
    %mul3A_0 = arith.muli %arg0, %mul3A : i32
    %dma_start3A = arith.constant 0 : i32
    %dma_start3A_1 = arith.constant 0 : i32
    %dma_start3A_2 = tpu.memref_slice %arg4[%dma_start3A, %dma_start3A_1] : memref<2x128xi32, #tpu.memory_space<smem>> -> memref<1x128xi32, #tpu.memory_space<smem>>
    %dma_start3A_3 = tpu.memref_squeeze %dma_start3A_2 : memref<1x128xi32, #tpu.memory_space<smem>> -> memref<128xi32, #tpu.memory_space<smem>>
    %dma_start3A_4 = tpu.memref_slice %arg2[%mul3A_0] : memref<4352xi32, #tpu.memory_space<hbm>> -> memref<128xi32, #tpu.memory_space<hbm>>
    tpu.enqueue_dma source(%dma_start3A_4 : memref<128xi32, #tpu.memory_space<hbm>>) target(%dma_start3A_3 : memref<128xi32, #tpu.memory_space<smem>>) target_semaphore(%arg5 : memref<!tpu.dma_semaphore, #tpu.memory_space<semaphore_mem>>)
    %dma_start3A_5 = arith.constant 0 : i32
    %dma_start3A_6 = arith.constant 0 : i32
    %dma_start3A_7 = tpu.memref_slice %arg4[%dma_start3A_5, %dma_start3A_6] : memref<2x128xi32, #tpu.memory_space<smem>> -> memref<1x128xi32, #tpu.memory_space<smem>>
    %dma_start3A_8 = tpu.memref_squeeze %dma_start3A_7 : memref<1x128xi32, #tpu.memory_space<smem>> -> memref<128xi32, #tpu.memory_space<smem>>
    %dma_start3A_9 = tpu.memref_slice %arg2[%mul3A_0] : memref<4352xi32, #tpu.memory_space<hbm>> -> memref<128xi32, #tpu.memory_space<hbm>>
    tpu.enqueue_dma source(%dma_start3A_9 : memref<128xi32, #tpu.memory_space<hbm>>) target(%dma_start3A_8 : memref<128xi32, #tpu.memory_space<smem>>) target_semaphore(%arg5 : memref<!tpu.dma_semaphore, #tpu.memory_space<semaphore_mem>>)
    %add3A = arith.constant 0 : i32
    %add3A_10 = arith.addi %mul3A_0, %add3A : i32
    %add3A_11 = arith.constant 128 : i32
    %add3A_12 = arith.addi %add3A_10, %add3A_11 : i32
    %dma_start3A_13 = arith.constant 1 : i32
    %dma_start3A_14 = arith.constant 0 : i32
    %dma_start3A_15 = tpu.memref_slice %arg4[%dma_start3A_13, %dma_start3A_14] : memref<2x128xi32, #tpu.memory_space<smem>> -> memref<1x128xi32, #tpu.memory_space<smem>>
    %dma_start3A_16 = tpu.memref_squeeze %dma_start3A_15 : memref<1x128xi32, #tpu.memory_space<smem>> -> memref<128xi32, #tpu.memory_space<smem>>
    %dma_start3A_17 = tpu.memref_slice %arg2[%add3A_12] : memref<4352xi32, #tpu.memory_space<hbm>> -> memref<128xi32, #tpu.memory_space<hbm>>
    tpu.enqueue_dma source(%dma_start3A_17 : memref<128xi32, #tpu.memory_space<hbm>>) target(%dma_start3A_16 : memref<128xi32, #tpu.memory_space<smem>>) target_semaphore(%arg6 : memref<!tpu.dma_semaphore, #tpu.memory_space<semaphore_mem>>)
    %dma_start3A_18 = arith.constant 1 : i32
    %dma_start3A_19 = arith.constant 0 : i32
    %dma_start3A_20 = tpu.memref_slice %arg4[%dma_start3A_18, %dma_start3A_19] : memref<2x128xi32, #tpu.memory_space<smem>> -> memref<1x128xi32, #tpu.memory_space<smem>>
    %dma_start3A_21 = tpu.memref_squeeze %dma_start3A_20 : memref<1x128xi32, #tpu.memory_space<smem>> -> memref<128xi32, #tpu.memory_space<smem>>
    %dma_start3A_22 = tpu.memref_slice %arg2[%add3A_12] : memref<4352xi32, #tpu.memory_space<hbm>> -> memref<128xi32, #tpu.memory_space<hbm>>
    tpu.enqueue_dma source(%dma_start3A_22 : memref<128xi32, #tpu.memory_space<hbm>>) target(%dma_start3A_21 : memref<128xi32, #tpu.memory_space<smem>>) target_semaphore(%arg6 : memref<!tpu.dma_semaphore, #tpu.memory_space<semaphore_mem>>)
    %add3A_23 = arith.constant 0 : i32
    %add3A_24 = arith.addi %mul3A_0, %add3A_23 : i32
    %dma_wait3A = arith.constant 0 : i32
    %dma_wait3A_25 = arith.constant 0 : i32
    %dma_wait3A_26 = tpu.memref_slice %arg4[%dma_wait3A, %dma_wait3A_25] : memref<2x128xi32, #tpu.memory_space<smem>> -> memref<1x128xi32, #tpu.memory_space<smem>>
    %dma_wait3A_27 = tpu.memref_squeeze %dma_wait3A_26 : memref<1x128xi32, #tpu.memory_space<smem>> -> memref<128xi32, #tpu.memory_space<smem>>
    %dma_wait3A_28 = tpu.memref_slice %arg2[%add3A_24] : memref<4352xi32, #tpu.memory_space<hbm>> -> memref<128xi32, #tpu.memory_space<hbm>>
    tpu.wait_dma2 semaphore(%arg5 : memref<!tpu.dma_semaphore, #tpu.memory_space<semaphore_mem>>) src(%dma_wait3A_28 : memref<128xi32, #tpu.memory_space<hbm>>) dst(%dma_wait3A_27 : memref<128xi32, #tpu.memory_space<smem>>)
    %scan3A = arith.constant 0 : i32
    %scan3A_29 = arith.constant 32 : i32
    %scan3A_30 = arith.addi %scan3A, %scan3A_29 : i32
    %scan3A_31 = arith.constant 1 : i32
    scf.for %scan3A_439 = %scan3A to %scan3A_30 step %scan3A_31  : i32 {
      %mul3A_440 = arith.constant 4 : i32
      %mul3A_441 = arith.muli %scan3A_439, %mul3A_440 : i32
      %add3A_442 = arith.constant 0 : i32
      %add3A_443 = arith.addi %add3A_442, %mul3A_441 : i32
      %add3A_444 = arith.constant 0 : i32
      %add3A_445 = arith.addi %add3A_443, %add3A_444 : i32
      %get3A = arith.constant 0 : i32
      %get3A_446 = arith.index_cast %get3A : i32 to index
      %get3A_447 = arith.index_cast %add3A_445 : i32 to index
      %get3A_448 = memref.load %arg4[%get3A_446, %get3A_447] : memref<2x128xi32, #tpu.memory_space<smem>>
      %add3A_449 = arith.constant 0 : i32
      %add3A_450 = arith.addi %mul3A_0, %add3A_449 : i32
      %add3A_451 = arith.addi %add3A_450, %add3A_443 : i32
      %add3A_452 = arith.constant 0 : i32
      %add3A_453 = arith.addi %add3A_451, %add3A_452 : i32
      %dma_start3A_454 = arith.constant 0 : i32
      %dma_start3A_455 = tpu.memref_slice %arg3[%add3A_453, %dma_start3A_454] : memref<4352x64xf32, #tpu.memory_space<hbm>> -> memref<1x64xf32, #tpu.memory_space<hbm>>
      %dma_start3A_456 = tpu.memref_squeeze %dma_start3A_455 : memref<1x64xf32, #tpu.memory_space<hbm>> -> memref<64xf32, #tpu.memory_space<hbm>>
      %dma_start3A_457 = arith.constant 0 : i32
      %dma_start3A_458 = tpu.memref_slice %arg1[%get3A_448, %dma_start3A_457] : memref<524288x64xf32, #tpu.memory_space<hbm>> -> memref<1x64xf32, #tpu.memory_space<hbm>>
      %dma_start3A_459 = tpu.memref_squeeze %dma_start3A_458 : memref<1x64xf32, #tpu.memory_space<hbm>> -> memref<64xf32, #tpu.memory_space<hbm>>
      tpu.enqueue_dma source(%dma_start3A_459 : memref<64xf32, #tpu.memory_space<hbm>>) target(%dma_start3A_456 : memref<64xf32, #tpu.memory_space<hbm>>) target_semaphore(%arg7 : memref<!tpu.dma_semaphore, #tpu.memory_space<semaphore_mem>>)
      %add3A_460 = arith.constant 1 : i32
      %add3A_461 = arith.addi %add3A_443, %add3A_460 : i32
      %get3A_462 = arith.constant 0 : i32
      %get3A_463 = arith.index_cast %get3A_462 : i32 to index
      %get3A_464 = arith.index_cast %add3A_461 : i32 to index
      %get3A_465 = memref.load %arg4[%get3A_463, %get3A_464] : memref<2x128xi32, #tpu.memory_space<smem>>
      %add3A_466 = arith.constant 0 : i32
      %add3A_467 = arith.addi %mul3A_0, %add3A_466 : i32
      %add3A_468 = arith.addi %add3A_467, %add3A_443 : i32
      %add3A_469 = arith.constant 1 : i32
      %add3A_470 = arith.addi %add3A_468, %add3A_469 : i32
      %dma_start3A_471 = arith.constant 0 : i32
      %dma_start3A_472 = tpu.memref_slice %arg3[%add3A_470, %dma_start3A_471] : memref<4352x64xf32, #tpu.memory_space<hbm>> -> memref<1x64xf32, #tpu.memory_space<hbm>>
      %dma_start3A_473 = tpu.memref_squeeze %dma_start3A_472 : memref<1x64xf32, #tpu.memory_space<hbm>> -> memref<64xf32, #tpu.memory_space<hbm>>
      %dma_start3A_474 = arith.constant 0 : i32
      %dma_start3A_475 = tpu.memref_slice %arg1[%get3A_465, %dma_start3A_474] : memref<524288x64xf32, #tpu.memory_space<hbm>> -> memref<1x64xf32, #tpu.memory_space<hbm>>
      %dma_start3A_476 = tpu.memref_squeeze %dma_start3A_475 : memref<1x64xf32, #tpu.memory_space<hbm>> -> memref<64xf32, #tpu.memory_space<hbm>>
      tpu.enqueue_dma source(%dma_start3A_476 : memref<64xf32, #tpu.memory_space<hbm>>) target(%dma_start3A_473 : memref<64xf32, #tpu.memory_space<hbm>>) target_semaphore(%arg7 : memref<!tpu.dma_semaphore, #tpu.memory_space<semaphore_mem>>)
      %add3A_477 = arith.constant 2 : i32
      %add3A_478 = arith.addi %add3A_443, %add3A_477 : i32
      %get3A_479 = arith.constant 0 : i32
      %get3A_480 = arith.index_cast %get3A_479 : i32 to index
      %get3A_481 = arith.index_cast %add3A_478 : i32 to index
      %get3A_482 = memref.load %arg4[%get3A_480, %get3A_481] : memref<2x128xi32, #tpu.memory_space<smem>>
      %add3A_483 = arith.constant 0 : i32
      %add3A_484 = arith.addi %mul3A_0, %add3A_483 : i32
      %add3A_485 = arith.addi %add3A_484, %add3A_443 : i32
      %add3A_486 = arith.constant 2 : i32
      %add3A_487 = arith.addi %add3A_485, %add3A_486 : i32
      %dma_start3A_488 = arith.constant 0 : i32
      %dma_start3A_489 = tpu.memref_slice %arg3[%add3A_487, %dma_start3A_488] : memref<4352x64xf32, #tpu.memory_space<hbm>> -> memref<1x64xf32, #tpu.memory_space<hbm>>
      %dma_start3A_490 = tpu.memref_squeeze %dma_start3A_489 : memref<1x64xf32, #tpu.memory_space<hbm>> -> memref<64xf32, #tpu.memory_space<hbm>>
      %dma_start3A_491 = arith.constant 0 : i32
      %dma_start3A_492 = tpu.memref_slice %arg1[%get3A_482, %dma_start3A_491] : memref<524288x64xf32, #tpu.memory_space<hbm>> -> memref<1x64xf32, #tpu.memory_space<hbm>>
      %dma_start3A_493 = tpu.memref_squeeze %dma_start3A_492 : memref<1x64xf32, #tpu.memory_space<hbm>> -> memref<64xf32, #tpu.memory_space<hbm>>
      tpu.enqueue_dma source(%dma_start3A_493 : memref<64xf32, #tpu.memory_space<hbm>>) target(%dma_start3A_490 : memref<64xf32, #tpu.memory_space<hbm>>) target_semaphore(%arg7 : memref<!tpu.dma_semaphore, #tpu.memory_space<semaphore_mem>>)
      %add3A_494 = arith.constant 3 : i32
      %add3A_495 = arith.addi %add3A_443, %add3A_494 : i32
      %get3A_496 = arith.constant 0 : i32
      %get3A_497 = arith.index_cast %get3A_496 : i32 to index
      %get3A_498 = arith.index_cast %add3A_495 : i32 to index
      %get3A_499 = memref.load %arg4[%get3A_497, %get3A_498] : memref<2x128xi32, #tpu.memory_space<smem>>
      %add3A_500 = arith.constant 0 : i32
      %add3A_501 = arith.addi %mul3A_0, %add3A_500 : i32
      %add3A_502 = arith.addi %add3A_501, %add3A_443 : i32
      %add3A_503 = arith.constant 3 : i32
      %add3A_504 = arith.addi %add3A_502, %add3A_503 : i32
      %dma_start3A_505 = arith.constant 0 : i32
      %dma_start3A_506 = tpu.memref_slice %arg3[%add3A_504, %dma_start3A_505] : memref<4352x64xf32, #tpu.memory_space<hbm>> -> memref<1x64xf32, #tpu.memory_space<hbm>>
      %dma_start3A_507 = tpu.memref_squeeze %dma_start3A_506 : memref<1x64xf32, #tpu.memory_space<hbm>> -> memref<64xf32, #tpu.memory_space<hbm>>
      %dma_start3A_508 = arith.constant 0 : i32
      %dma_start3A_509 = tpu.memref_slice %arg1[%get3A_499, %dma_start3A_508] : memref<524288x64xf32, #tpu.memory_space<hbm>> -> memref<1x64xf32, #tpu.memory_space<hbm>>
      %dma_start3A_510 = tpu.memref_squeeze %dma_start3A_509 : memref<1x64xf32, #tpu.memory_space<hbm>> -> memref<64xf32, #tpu.memory_space<hbm>>
      tpu.enqueue_dma source(%dma_start3A_510 : memref<64xf32, #tpu.memory_space<hbm>>) target(%dma_start3A_507 : memref<64xf32, #tpu.memory_space<hbm>>) target_semaphore(%arg7 : memref<!tpu.dma_semaphore, #tpu.memory_space<semaphore_mem>>)
    }
    %scan3A_32 = arith.constant 32 : i32
    %add3A_33 = arith.constant 128 : i32
    %add3A_34 = arith.addi %mul3A_0, %add3A_33 : i32
    %add3A_35 = arith.constant 128 : i32
    %add3A_36 = arith.addi %add3A_34, %add3A_35 : i32
    %dma_start3A_37 = arith.constant 0 : i32
    %dma_start3A_38 = arith.constant 0 : i32
    %dma_start3A_39 = tpu.memref_slice %arg4[%dma_start3A_37, %dma_start3A_38] : memref<2x128xi32, #tpu.memory_space<smem>> -> memref<1x128xi32, #tpu.memory_space<smem>>
    %dma_start3A_40 = tpu.memref_squeeze %dma_start3A_39 : memref<1x128xi32, #tpu.memory_space<smem>> -> memref<128xi32, #tpu.memory_space<smem>>
    %dma_start3A_41 = tpu.memref_slice %arg2[%add3A_36] : memref<4352xi32, #tpu.memory_space<hbm>> -> memref<128xi32, #tpu.memory_space<hbm>>
    tpu.enqueue_dma source(%dma_start3A_41 : memref<128xi32, #tpu.memory_space<hbm>>) target(%dma_start3A_40 : memref<128xi32, #tpu.memory_space<smem>>) target_semaphore(%arg5 : memref<!tpu.dma_semaphore, #tpu.memory_space<semaphore_mem>>)
    %dma_start3A_42 = arith.constant 0 : i32
    %dma_start3A_43 = arith.constant 0 : i32
    %dma_start3A_44 = tpu.memref_slice %arg4[%dma_start3A_42, %dma_start3A_43] : memref<2x128xi32, #tpu.memory_space<smem>> -> memref<1x128xi32, #tpu.memory_space<smem>>
    %dma_start3A_45 = tpu.memref_squeeze %dma_start3A_44 : memref<1x128xi32, #tpu.memory_space<smem>> -> memref<128xi32, #tpu.memory_space<smem>>
    %dma_start3A_46 = tpu.memref_slice %arg2[%add3A_36] : memref<4352xi32, #tpu.memory_space<hbm>> -> memref<128xi32, #tpu.memory_space<hbm>>
    tpu.enqueue_dma source(%dma_start3A_46 : memref<128xi32, #tpu.memory_space<hbm>>) target(%dma_start3A_45 : memref<128xi32, #tpu.memory_space<smem>>) target_semaphore(%arg5 : memref<!tpu.dma_semaphore, #tpu.memory_space<semaphore_mem>>)
    %add3A_47 = arith.constant 128 : i32
    %add3A_48 = arith.addi %mul3A_0, %add3A_47 : i32
    %dma_wait3A_49 = arith.constant 1 : i32
    %dma_wait3A_50 = arith.constant 0 : i32
    %dma_wait3A_51 = tpu.memref_slice %arg4[%dma_wait3A_49, %dma_wait3A_50] : memref<2x128xi32, #tpu.memory_space<smem>> -> memref<1x128xi32, #tpu.memory_space<smem>>
    %dma_wait3A_52 = tpu.memref_squeeze %dma_wait3A_51 : memref<1x128xi32, #tpu.memory_space<smem>> -> memref<128xi32, #tpu.memory_space<smem>>
    %dma_wait3A_53 = tpu.memref_slice %arg2[%add3A_48] : memref<4352xi32, #tpu.memory_space<hbm>> -> memref<128xi32, #tpu.memory_space<hbm>>
    tpu.wait_dma2 semaphore(%arg6 : memref<!tpu.dma_semaphore, #tpu.memory_space<semaphore_mem>>) src(%dma_wait3A_53 : memref<128xi32, #tpu.memory_space<hbm>>) dst(%dma_wait3A_52 : memref<128xi32, #tpu.memory_space<smem>>)
    %scan3A_54 = arith.constant 0 : i32
    %scan3A_55 = arith.constant 32 : i32
    %scan3A_56 = arith.addi %scan3A_54, %scan3A_55 : i32
    %scan3A_57 = arith.constant 1 : i32
    scf.for %scan3A_439 = %scan3A_54 to %scan3A_56 step %scan3A_57  : i32 {
      %mul3A_440 = arith.constant 4 : i32
      %mul3A_441 = arith.muli %scan3A_439, %mul3A_440 : i32
      %add3A_442 = arith.constant 0 : i32
      %add3A_443 = arith.addi %add3A_442, %mul3A_441 : i32
      %add3A_444 = arith.constant 0 : i32
      %add3A_445 = arith.addi %add3A_443, %add3A_444 : i32
      %get3A = arith.constant 1 : i32
      %get3A_446 = arith.index_cast %get3A : i32 to index
      %get3A_447 = arith.index_cast %add3A_445 : i32 to index
      %get3A_448 = memref.load %arg4[%get3A_446, %get3A_447] : memref<2x128xi32, #tpu.memory_space<smem>>
      %add3A_449 = arith.constant 128 : i32
      %add3A_450 = arith.addi %mul3A_0, %add3A_449 : i32
      %add3A_451 = arith.addi %add3A_450, %add3A_443 : i32
      %add3A_452 = arith.constant 0 : i32
      %add3A_453 = arith.addi %add3A_451, %add3A_452 : i32
      %dma_start3A_454 = arith.constant 0 : i32
      %dma_start3A_455 = tpu.memref_slice %arg3[%add3A_453, %dma_start3A_454] : memref<4352x64xf32, #tpu.memory_space<hbm>> -> memref<1x64xf32, #tpu.memory_space<hbm>>
      %dma_start3A_456 = tpu.memref_squeeze %dma_start3A_455 : memref<1x64xf32, #tpu.memory_space<hbm>> -> memref<64xf32, #tpu.memory_space<hbm>>
      %dma_start3A_457 = arith.constant 0 : i32
      %dma_start3A_458 = tpu.memref_slice %arg1[%get3A_448, %dma_start3A_457] : memref<524288x64xf32, #tpu.memory_space<hbm>> -> memref<1x64xf32, #tpu.memory_space<hbm>>
      %dma_start3A_459 = tpu.memref_squeeze %dma_start3A_458 : memref<1x64xf32, #tpu.memory_space<hbm>> -> memref<64xf32, #tpu.memory_space<hbm>>
      tpu.enqueue_dma source(%dma_start3A_459 : memref<64xf32, #tpu.memory_space<hbm>>) target(%dma_start3A_456 : memref<64xf32, #tpu.memory_space<hbm>>) target_semaphore(%arg7 : memref<!tpu.dma_semaphore, #tpu.memory_space<semaphore_mem>>)
      %add3A_460 = arith.constant 1 : i32
      %add3A_461 = arith.addi %add3A_443, %add3A_460 : i32
      %get3A_462 = arith.constant 1 : i32
      %get3A_463 = arith.index_cast %get3A_462 : i32 to index
      %get3A_464 = arith.index_cast %add3A_461 : i32 to index
      %get3A_465 = memref.load %arg4[%get3A_463, %get3A_464] : memref<2x128xi32, #tpu.memory_space<smem>>
      %add3A_466 = arith.constant 128 : i32
      %add3A_467 = arith.addi %mul3A_0, %add3A_466 : i32
      %add3A_468 = arith.addi %add3A_467, %add3A_443 : i32
      %add3A_469 = arith.constant 1 : i32
      %add3A_470 = arith.addi %add3A_468, %add3A_469 : i32
      %dma_start3A_471 = arith.constant 0 : i32
      %dma_start3A_472 = tpu.memref_slice %arg3[%add3A_470, %dma_start3A_471] : memref<4352x64xf32, #tpu.memory_space<hbm>> -> memref<1x64xf32, #tpu.memory_space<hbm>>
      %dma_start3A_473 = tpu.memref_squeeze %dma_start3A_472 : memref<1x64xf32, #tpu.memory_space<hbm>> -> memref<64xf32, #tpu.memory_space<hbm>>
      %dma_start3A_474 = arith.constant 0 : i32
      %dma_start3A_475 = tpu.memref_slice %arg1[%get3A_465, %dma_start3A_474] : memref<524288x64xf32, #tpu.memory_space<hbm>> -> memref<1x64xf32, #tpu.memory_space<hbm>>
      %dma_start3A_476 = tpu.memref_squeeze %dma_start3A_475 : memref<1x64xf32, #tpu.memory_space<hbm>> -> memref<64xf32, #tpu.memory_space<hbm>>
      tpu.enqueue_dma source(%dma_start3A_476 : memref<64xf32, #tpu.memory_space<hbm>>) target(%dma_start3A_473 : memref<64xf32, #tpu.memory_space<hbm>>) target_semaphore(%arg7 : memref<!tpu.dma_semaphore, #tpu.memory_space<semaphore_mem>>)
      %add3A_477 = arith.constant 2 : i32
      %add3A_478 = arith.addi %add3A_443, %add3A_477 : i32
      %get3A_479 = arith.constant 1 : i32
      %get3A_480 = arith.index_cast %get3A_479 : i32 to index
      %get3A_481 = arith.index_cast %add3A_478 : i32 to index
      %get3A_482 = memref.load %arg4[%get3A_480, %get3A_481] : memref<2x128xi32, #tpu.memory_space<smem>>
      %add3A_483 = arith.constant 128 : i32
      %add3A_484 = arith.addi %mul3A_0, %add3A_483 : i32
      %add3A_485 = arith.addi %add3A_484, %add3A_443 : i32
      %add3A_486 = arith.constant 2 : i32
      %add3A_487 = arith.addi %add3A_485, %add3A_486 : i32
      %dma_start3A_488 = arith.constant 0 : i32
      %dma_start3A_489 = tpu.memref_slice %arg3[%add3A_487, %dma_start3A_488] : memref<4352x64xf32, #tpu.memory_space<hbm>> -> memref<1x64xf32, #tpu.memory_space<hbm>>
      %dma_start3A_490 = tpu.memref_squeeze %dma_start3A_489 : memref<1x64xf32, #tpu.memory_space<hbm>> -> memref<64xf32, #tpu.memory_space<hbm>>
      %dma_start3A_491 = arith.constant 0 : i32
      %dma_start3A_492 = tpu.memref_slice %arg1[%get3A_482, %dma_start3A_491] : memref<524288x64xf32, #tpu.memory_space<hbm>> -> memref<1x64xf32, #tpu.memory_space<hbm>>
      %dma_start3A_493 = tpu.memref_squeeze %dma_start3A_492 : memref<1x64xf32, #tpu.memory_space<hbm>> -> memref<64xf32, #tpu.memory_space<hbm>>
      tpu.enqueue_dma source(%dma_start3A_493 : memref<64xf32, #tpu.memory_space<hbm>>) target(%dma_start3A_490 : memref<64xf32, #tpu.memory_space<hbm>>) target_semaphore(%arg7 : memref<!tpu.dma_semaphore, #tpu.memory_space<semaphore_mem>>)
      %add3A_494 = arith.constant 3 : i32
      %add3A_495 = arith.addi %add3A_443, %add3A_494 : i32
      %get3A_496 = arith.constant 1 : i32
      %get3A_497 = arith.index_cast %get3A_496 : i32 to index
      %get3A_498 = arith.index_cast %add3A_495 : i32 to index
      %get3A_499 = memref.load %arg4[%get3A_497, %get3A_498] : memref<2x128xi32, #tpu.memory_space<smem>>
      %add3A_500 = arith.constant 128 : i32
      %add3A_501 = arith.addi %mul3A_0, %add3A_500 : i32
      %add3A_502 = arith.addi %add3A_501, %add3A_443 : i32
      %add3A_503 = arith.constant 3 : i32
      %add3A_504 = arith.addi %add3A_502, %add3A_503 : i32
      %dma_start3A_505 = arith.constant 0 : i32
      %dma_start3A_506 = tpu.memref_slice %arg3[%add3A_504, %dma_start3A_505] : memref<4352x64xf32, #tpu.memory_space<hbm>> -> memref<1x64xf32, #tpu.memory_space<hbm>>
      %dma_start3A_507 = tpu.memref_squeeze %dma_start3A_506 : memref<1x64xf32, #tpu.memory_space<hbm>> -> memref<64xf32, #tpu.memory_space<hbm>>
      %dma_start3A_508 = arith.constant 0 : i32
      %dma_start3A_509 = tpu.memref_slice %arg1[%get3A_499, %dma_start3A_508] : memref<524288x64xf32, #tpu.memory_space<hbm>> -> memref<1x64xf32, #tpu.memory_space<hbm>>
      %dma_start3A_510 = tpu.memref_squeeze %dma_start3A_509 : memref<1x64xf32, #tpu.memory_space<hbm>> -> memref<64xf32, #tpu.memory_space<hbm>>
      tpu.enqueue_dma source(%dma_start3A_510 : memref<64xf32, #tpu.memory_space<hbm>>) target(%dma_start3A_507 : memref<64xf32, #tpu.memory_space<hbm>>) target_semaphore(%arg7 : memref<!tpu.dma_semaphore, #tpu.memory_space<semaphore_mem>>)
    }
    %scan3A_58 = arith.constant 32 : i32
    %add3A_59 = arith.constant 256 : i32
    %add3A_60 = arith.addi %mul3A_0, %add3A_59 : i32
    %add3A_61 = arith.constant 128 : i32
    %add3A_62 = arith.addi %add3A_60, %add3A_61 : i32
    %dma_start3A_63 = arith.constant 1 : i32
    %dma_start3A_64 = arith.constant 0 : i32
    %dma_start3A_65 = tpu.memref_slice %arg4[%dma_start3A_63, %dma_start3A_64] : memref<2x128xi32, #tpu.memory_space<smem>> -> memref<1x128xi32, #tpu.memory_space<smem>>
    %dma_start3A_66 = tpu.memref_squeeze %dma_start3A_65 : memref<1x128xi32, #tpu.memory_space<smem>> -> memref<128xi32, #tpu.memory_space<smem>>
    %dma_start3A_67 = tpu.memref_slice %arg2[%add3A_62] : memref<4352xi32, #tpu.memory_space<hbm>> -> memref<128xi32, #tpu.memory_space<hbm>>
    tpu.enqueue_dma source(%dma_start3A_67 : memref<128xi32, #tpu.memory_space<hbm>>) target(%dma_start3A_66 : memref<128xi32, #tpu.memory_space<smem>>) target_semaphore(%arg6 : memref<!tpu.dma_semaphore, #tpu.memory_space<semaphore_mem>>)
    %dma_start3A_68 = arith.constant 1 : i32
    %dma_start3A_69 = arith.constant 0 : i32
    %dma_start3A_70 = tpu.memref_slice %arg4[%dma_start3A_68, %dma_start3A_69] : memref<2x128xi32, #tpu.memory_space<smem>> -> memref<1x128xi32, #tpu.memory_space<smem>>
    %dma_start3A_71 = tpu.memref_squeeze %dma_start3A_70 : memref<1x128xi32, #tpu.memory_space<smem>> -> memref<128xi32, #tpu.memory_space<smem>>
    %dma_start3A_72 = tpu.memref_slice %arg2[%add3A_62] : memref<4352xi32, #tpu.memory_space<hbm>> -> memref<128xi32, #tpu.memory_space<hbm>>
    tpu.enqueue_dma source(%dma_start3A_72 : memref<128xi32, #tpu.memory_space<hbm>>) target(%dma_start3A_71 : memref<128xi32, #tpu.memory_space<smem>>) target_semaphore(%arg6 : memref<!tpu.dma_semaphore, #tpu.memory_space<semaphore_mem>>)
    %add3A_73 = arith.constant 256 : i32
    %add3A_74 = arith.addi %mul3A_0, %add3A_73 : i32
    %dma_wait3A_75 = arith.constant 0 : i32
    %dma_wait3A_76 = arith.constant 0 : i32
    %dma_wait3A_77 = tpu.memref_slice %arg4[%dma_wait3A_75, %dma_wait3A_76] : memref<2x128xi32, #tpu.memory_space<smem>> -> memref<1x128xi32, #tpu.memory_space<smem>>
    %dma_wait3A_78 = tpu.memref_squeeze %dma_wait3A_77 : memref<1x128xi32, #tpu.memory_space<smem>> -> memref<128xi32, #tpu.memory_space<smem>>
    %dma_wait3A_79 = tpu.memref_slice %arg2[%add3A_74] : memref<4352xi32, #tpu.memory_space<hbm>> -> memref<128xi32, #tpu.memory_space<hbm>>
    tpu.wait_dma2 semaphore(%arg5 : memref<!tpu.dma_semaphore, #tpu.memory_space<semaphore_mem>>) src(%dma_wait3A_79 : memref<128xi32, #tpu.memory_space<hbm>>) dst(%dma_wait3A_78 : memref<128xi32, #tpu.memory_space<smem>>)
    %scan3A_80 = arith.constant 0 : i32
    %scan3A_81 = arith.constant 32 : i32
    %scan3A_82 = arith.addi %scan3A_80, %scan3A_81 : i32
    %scan3A_83 = arith.constant 1 : i32
    scf.for %scan3A_439 = %scan3A_80 to %scan3A_82 step %scan3A_83  : i32 {
      %mul3A_440 = arith.constant 4 : i32
      %mul3A_441 = arith.muli %scan3A_439, %mul3A_440 : i32
      %add3A_442 = arith.constant 0 : i32
      %add3A_443 = arith.addi %add3A_442, %mul3A_441 : i32
      %add3A_444 = arith.constant 0 : i32
      %add3A_445 = arith.addi %add3A_443, %add3A_444 : i32
      %get3A = arith.constant 0 : i32
      %get3A_446 = arith.index_cast %get3A : i32 to index
      %get3A_447 = arith.index_cast %add3A_445 : i32 to index
      %get3A_448 = memref.load %arg4[%get3A_446, %get3A_447] : memref<2x128xi32, #tpu.memory_space<smem>>
      %add3A_449 = arith.constant 256 : i32
      %add3A_450 = arith.addi %mul3A_0, %add3A_449 : i32
      %add3A_451 = arith.addi %add3A_450, %add3A_443 : i32
      %add3A_452 = arith.constant 0 : i32
      %add3A_453 = arith.addi %add3A_451, %add3A_452 : i32
      %dma_start3A_454 = arith.constant 0 : i32
      %dma_start3A_455 = tpu.memref_slice %arg3[%add3A_453, %dma_start3A_454] : memref<4352x64xf32, #tpu.memory_space<hbm>> -> memref<1x64xf32, #tpu.memory_space<hbm>>
      %dma_start3A_456 = tpu.memref_squeeze %dma_start3A_455 : memref<1x64xf32, #tpu.memory_space<hbm>> -> memref<64xf32, #tpu.memory_space<hbm>>
      %dma_start3A_457 = arith.constant 0 : i32
      %dma_start3A_458 = tpu.memref_slice %arg1[%get3A_448, %dma_start3A_457] : memref<524288x64xf32, #tpu.memory_space<hbm>> -> memref<1x64xf32, #tpu.memory_space<hbm>>
      %dma_start3A_459 = tpu.memref_squeeze %dma_start3A_458 : memref<1x64xf32, #tpu.memory_space<hbm>> -> memref<64xf32, #tpu.memory_space<hbm>>
      tpu.enqueue_dma source(%dma_start3A_459 : memref<64xf32, #tpu.memory_space<hbm>>) target(%dma_start3A_456 : memref<64xf32, #tpu.memory_space<hbm>>) target_semaphore(%arg7 : memref<!tpu.dma_semaphore, #tpu.memory_space<semaphore_mem>>)
      %add3A_460 = arith.constant 1 : i32
      %add3A_461 = arith.addi %add3A_443, %add3A_460 : i32
      %get3A_462 = arith.constant 0 : i32
      %get3A_463 = arith.index_cast %get3A_462 : i32 to index
      %get3A_464 = arith.index_cast %add3A_461 : i32 to index
      %get3A_465 = memref.load %arg4[%get3A_463, %get3A_464] : memref<2x128xi32, #tpu.memory_space<smem>>
      %add3A_466 = arith.constant 256 : i32
      %add3A_467 = arith.addi %mul3A_0, %add3A_466 : i32
      %add3A_468 = arith.addi %add3A_467, %add3A_443 : i32
      %add3A_469 = arith.constant 1 : i32
      %add3A_470 = arith.addi %add3A_468, %add3A_469 : i32
      %dma_start3A_471 = arith.constant 0 : i32
      %dma_start3A_472 = tpu.memref_slice %arg3[%add3A_470, %dma_start3A_471] : memref<4352x64xf32, #tpu.memory_space<hbm>> -> memref<1x64xf32, #tpu.memory_space<hbm>>
      %dma_start3A_473 = tpu.memref_squeeze %dma_start3A_472 : memref<1x64xf32, #tpu.memory_space<hbm>> -> memref<64xf32, #tpu.memory_space<hbm>>
      %dma_start3A_474 = arith.constant 0 : i32
      %dma_start3A_475 = tpu.memref_slice %arg1[%get3A_465, %dma_start3A_474] : memref<524288x64xf32, #tpu.memory_space<hbm>> -> memref<1x64xf32, #tpu.memory_space<hbm>>
      %dma_start3A_476 = tpu.memref_squeeze %dma_start3A_475 : memref<1x64xf32, #tpu.memory_space<hbm>> -> memref<64xf32, #tpu.memory_space<hbm>>
      tpu.enqueue_dma source(%dma_start3A_476 : memref<64xf32, #tpu.memory_space<hbm>>) target(%dma_start3A_473 : memref<64xf32, #tpu.memory_space<hbm>>) target_semaphore(%arg7 : memref<!tpu.dma_semaphore, #tpu.memory_space<semaphore_mem>>)
      %add3A_477 = arith.constant 2 : i32
      %add3A_478 = arith.addi %add3A_443, %add3A_477 : i32
      %get3A_479 = arith.constant 0 : i32
      %get3A_480 = arith.index_cast %get3A_479 : i32 to index
      %get3A_481 = arith.index_cast %add3A_478 : i32 to index
      %get3A_482 = memref.load %arg4[%get3A_480, %get3A_481] : memref<2x128xi32, #tpu.memory_space<smem>>
      %add3A_483 = arith.constant 256 : i32
      %add3A_484 = arith.addi %mul3A_0, %add3A_483 : i32
      %add3A_485 = arith.addi %add3A_484, %add3A_443 : i32
      %add3A_486 = arith.constant 2 : i32
      %add3A_487 = arith.addi %add3A_485, %add3A_486 : i32
      %dma_start3A_488 = arith.constant 0 : i32
      %dma_start3A_489 = tpu.memref_slice %arg3[%add3A_487, %dma_start3A_488] : memref<4352x64xf32, #tpu.memory_space<hbm>> -> memref<1x64xf32, #tpu.memory_space<hbm>>
      %dma_start3A_490 = tpu.memref_squeeze %dma_start3A_489 : memref<1x64xf32, #tpu.memory_space<hbm>> -> memref<64xf32, #tpu.memory_space<hbm>>
      %dma_start3A_491 = arith.constant 0 : i32
      %dma_start3A_492 = tpu.memref_slice %arg1[%get3A_482, %dma_start3A_491] : memref<524288x64xf32, #tpu.memory_space<hbm>> -> memref<1x64xf32, #tpu.memory_space<hbm>>
      %dma_start3A_493 = tpu.memref_squeeze %dma_start3A_492 : memref<1x64xf32, #tpu.memory_space<hbm>> -> memref<64xf32, #tpu.memory_space<hbm>>
      tpu.enqueue_dma source(%dma_start3A_493 : memref<64xf32, #tpu.memory_space<hbm>>) target(%dma_start3A_490 : memref<64xf32, #tpu.memory_space<hbm>>) target_semaphore(%arg7 : memref<!tpu.dma_semaphore, #tpu.memory_space<semaphore_mem>>)
      %add3A_494 = arith.constant 3 : i32
      %add3A_495 = arith.addi %add3A_443, %add3A_494 : i32
      %get3A_496 = arith.constant 0 : i32
      %get3A_497 = arith.index_cast %get3A_496 : i32 to index
      %get3A_498 = arith.index_cast %add3A_495 : i32 to index
      %get3A_499 = memref.load %arg4[%get3A_497, %get3A_498] : memref<2x128xi32, #tpu.memory_space<smem>>
      %add3A_500 = arith.constant 256 : i32
      %add3A_501 = arith.addi %mul3A_0, %add3A_500 : i32
      %add3A_502 = arith.addi %add3A_501, %add3A_443 : i32
      %add3A_503 = arith.constant 3 : i32
      %add3A_504 = arith.addi %add3A_502, %add3A_503 : i32
      %dma_start3A_505 = arith.constant 0 : i32
      %dma_start3A_506 = tpu.memref_slice %arg3[%add3A_504, %dma_start3A_505] : memref<4352x64xf32, #tpu.memory_space<hbm>> -> memref<1x64xf32, #tpu.memory_space<hbm>>
      %dma_start3A_507 = tpu.memref_squeeze %dma_start3A_506 : memref<1x64xf32, #tpu.memory_space<hbm>> -> memref<64xf32, #tpu.memory_space<hbm>>
      %dma_start3A_508 = arith.constant 0 : i32
      %dma_start3A_509 = tpu.memref_slice %arg1[%get3A_499, %dma_start3A_508] : memref<524288x64xf32, #tpu.memory_space<hbm>> -> memref<1x64xf32, #tpu.memory_space<hbm>>
      %dma_start3A_510 = tpu.memref_squeeze %dma_start3A_509 : memref<1x64xf32, #tpu.memory_space<hbm>> -> memref<64xf32, #tpu.memory_space<hbm>>
      tpu.enqueue_dma source(%dma_start3A_510 : memref<64xf32, #tpu.memory_space<hbm>>) target(%dma_start3A_507 : memref<64xf32, #tpu.memory_space<hbm>>) target_semaphore(%arg7 : memref<!tpu.dma_semaphore, #tpu.memory_space<semaphore_mem>>)
    }
    %scan3A_84 = arith.constant 32 : i32
    %add3A_85 = arith.constant 384 : i32
    %add3A_86 = arith.addi %mul3A_0, %add3A_85 : i32
    %add3A_87 = arith.constant 128 : i32
    %add3A_88 = arith.addi %add3A_86, %add3A_87 : i32
    %dma_start3A_89 = arith.constant 0 : i32
    %dma_start3A_90 = arith.constant 0 : i32
    %dma_start3A_91 = tpu.memref_slice %arg4[%dma_start3A_89, %dma_start3A_90] : memref<2x128xi32, #tpu.memory_space<smem>> -> memref<1x128xi32, #tpu.memory_space<smem>>
    %dma_start3A_92 = tpu.memref_squeeze %dma_start3A_91 : memref<1x128xi32, #tpu.memory_space<smem>> -> memref<128xi32, #tpu.memory_space<smem>>
    %dma_start3A_93 = tpu.memref_slice %arg2[%add3A_88] : memref<4352xi32, #tpu.memory_space<hbm>> -> memref<128xi32, #tpu.memory_space<hbm>>
    tpu.enqueue_dma source(%dma_start3A_93 : memref<128xi32, #tpu.memory_space<hbm>>) target(%dma_start3A_92 : memref<128xi32, #tpu.memory_space<smem>>) target_semaphore(%arg5 : memref<!tpu.dma_semaphore, #tpu.memory_space<semaphore_mem>>)
    %dma_start3A_94 = arith.constant 0 : i32
    %dma_start3A_95 = arith.constant 0 : i32
    %dma_start3A_96 = tpu.memref_slice %arg4[%dma_start3A_94, %dma_start3A_95] : memref<2x128xi32, #tpu.memory_space<smem>> -> memref<1x128xi32, #tpu.memory_space<smem>>
    %dma_start3A_97 = tpu.memref_squeeze %dma_start3A_96 : memref<1x128xi32, #tpu.memory_space<smem>> -> memref<128xi32, #tpu.memory_space<smem>>
    %dma_start3A_98 = tpu.memref_slice %arg2[%add3A_88] : memref<4352xi32, #tpu.memory_space<hbm>> -> memref<128xi32, #tpu.memory_space<hbm>>
    tpu.enqueue_dma source(%dma_start3A_98 : memref<128xi32, #tpu.memory_space<hbm>>) target(%dma_start3A_97 : memref<128xi32, #tpu.memory_space<smem>>) target_semaphore(%arg5 : memref<!tpu.dma_semaphore, #tpu.memory_space<semaphore_mem>>)
    %add3A_99 = arith.constant 384 : i32
    %add3A_100 = arith.addi %mul3A_0, %add3A_99 : i32
    %dma_wait3A_101 = arith.constant 1 : i32
    %dma_wait3A_102 = arith.constant 0 : i32
    %dma_wait3A_103 = tpu.memref_slice %arg4[%dma_wait3A_101, %dma_wait3A_102] : memref<2x128xi32, #tpu.memory_space<smem>> -> memref<1x128xi32, #tpu.memory_space<smem>>
    %dma_wait3A_104 = tpu.memref_squeeze %dma_wait3A_103 : memref<1x128xi32, #tpu.memory_space<smem>> -> memref<128xi32, #tpu.memory_space<smem>>
    %dma_wait3A_105 = tpu.memref_slice %arg2[%add3A_100] : memref<4352xi32, #tpu.memory_space<hbm>> -> memref<128xi32, #tpu.memory_space<hbm>>
    tpu.wait_dma2 semaphore(%arg6 : memref<!tpu.dma_semaphore, #tpu.memory_space<semaphore_mem>>) src(%dma_wait3A_105 : memref<128xi32, #tpu.memory_space<hbm>>) dst(%dma_wait3A_104 : memref<128xi32, #tpu.memory_space<smem>>)
    %scan3A_106 = arith.constant 0 : i32
    %scan3A_107 = arith.constant 32 : i32
    %scan3A_108 = arith.addi %scan3A_106, %scan3A_107 : i32
    %scan3A_109 = arith.constant 1 : i32
    scf.for %scan3A_439 = %scan3A_106 to %scan3A_108 step %scan3A_109  : i32 {
      %mul3A_440 = arith.constant 4 : i32
      %mul3A_441 = arith.muli %scan3A_439, %mul3A_440 : i32
      %add3A_442 = arith.constant 0 : i32
      %add3A_443 = arith.addi %add3A_442, %mul3A_441 : i32
      %add3A_444 = arith.constant 0 : i32
      %add3A_445 = arith.addi %add3A_443, %add3A_444 : i32
      %get3A = arith.constant 1 : i32
      %get3A_446 = arith.index_cast %get3A : i32 to index
      %get3A_447 = arith.index_cast %add3A_445 : i32 to index
      %get3A_448 = memref.load %arg4[%get3A_446, %get3A_447] : memref<2x128xi32, #tpu.memory_space<smem>>
      %add3A_449 = arith.constant 384 : i32
      %add3A_450 = arith.addi %mul3A_0, %add3A_449 : i32
      %add3A_451 = arith.addi %add3A_450, %add3A_443 : i32
      %add3A_452 = arith.constant 0 : i32
      %add3A_453 = arith.addi %add3A_451, %add3A_452 : i32
      %dma_start3A_454 = arith.constant 0 : i32
      %dma_start3A_455 = tpu.memref_slice %arg3[%add3A_453, %dma_start3A_454] : memref<4352x64xf32, #tpu.memory_space<hbm>> -> memref<1x64xf32, #tpu.memory_space<hbm>>
      %dma_start3A_456 = tpu.memref_squeeze %dma_start3A_455 : memref<1x64xf32, #tpu.memory_space<hbm>> -> memref<64xf32, #tpu.memory_space<hbm>>
      %dma_start3A_457 = arith.constant 0 : i32
      %dma_start3A_458 = tpu.memref_slice %arg1[%get3A_448, %dma_start3A_457] : memref<524288x64xf32, #tpu.memory_space<hbm>> -> memref<1x64xf32, #tpu.memory_space<hbm>>
      %dma_start3A_459 = tpu.memref_squeeze %dma_start3A_458 : memref<1x64xf32, #tpu.memory_space<hbm>> -> memref<64xf32, #tpu.memory_space<hbm>>
      tpu.enqueue_dma source(%dma_start3A_459 : memref<64xf32, #tpu.memory_space<hbm>>) target(%dma_start3A_456 : memref<64xf32, #tpu.memory_space<hbm>>) target_semaphore(%arg7 : memref<!tpu.dma_semaphore, #tpu.memory_space<semaphore_mem>>)
      %add3A_460 = arith.constant 1 : i32
      %add3A_461 = arith.addi %add3A_443, %add3A_460 : i32
      %get3A_462 = arith.constant 1 : i32
      %get3A_463 = arith.index_cast %get3A_462 : i32 to index
      %get3A_464 = arith.index_cast %add3A_461 : i32 to index
      %get3A_465 = memref.load %arg4[%get3A_463, %get3A_464] : memref<2x128xi32, #tpu.memory_space<smem>>
      %add3A_466 = arith.constant 384 : i32
      %add3A_467 = arith.addi %mul3A_0, %add3A_466 : i32
      %add3A_468 = arith.addi %add3A_467, %add3A_443 : i32
      %add3A_469 = arith.constant 1 : i32
      %add3A_470 = arith.addi %add3A_468, %add3A_469 : i32
      %dma_start3A_471 = arith.constant 0 : i32
      %dma_start3A_472 = tpu.memref_slice %arg3[%add3A_470, %dma_start3A_471] : memref<4352x64xf32, #tpu.memory_space<hbm>> -> memref<1x64xf32, #tpu.memory_space<hbm>>
      %dma_start3A_473 = tpu.memref_squeeze %dma_start3A_472 : memref<1x64xf32, #tpu.memory_space<hbm>> -> memref<64xf32, #tpu.memory_space<hbm>>
      %dma_start3A_474 = arith.constant 0 : i32
      %dma_start3A_475 = tpu.memref_slice %arg1[%get3A_465, %dma_start3A_474] : memref<524288x64xf32, #tpu.memory_space<hbm>> -> memref<1x64xf32, #tpu.memory_space<hbm>>
      %dma_start3A_476 = tpu.memref_squeeze %dma_start3A_475 : memref<1x64xf32, #tpu.memory_space<hbm>> -> memref<64xf32, #tpu.memory_space<hbm>>
      tpu.enqueue_dma source(%dma_start3A_476 : memref<64xf32, #tpu.memory_space<hbm>>) target(%dma_start3A_473 : memref<64xf32, #tpu.memory_space<hbm>>) target_semaphore(%arg7 : memref<!tpu.dma_semaphore, #tpu.memory_space<semaphore_mem>>)
      %add3A_477 = arith.constant 2 : i32
      %add3A_478 = arith.addi %add3A_443, %add3A_477 : i32
      %get3A_479 = arith.constant 1 : i32
      %get3A_480 = arith.index_cast %get3A_479 : i32 to index
      %get3A_481 = arith.index_cast %add3A_478 : i32 to index
      %get3A_482 = memref.load %arg4[%get3A_480, %get3A_481] : memref<2x128xi32, #tpu.memory_space<smem>>
      %add3A_483 = arith.constant 384 : i32
      %add3A_484 = arith.addi %mul3A_0, %add3A_483 : i32
      %add3A_485 = arith.addi %add3A_484, %add3A_443 : i32
      %add3A_486 = arith.constant 2 : i32
      %add3A_487 = arith.addi %add3A_485, %add3A_486 : i32
      %dma_start3A_488 = arith.constant 0 : i32
      %dma_start3A_489 = tpu.memref_slice %arg3[%add3A_487, %dma_start3A_488] : memref<4352x64xf32, #tpu.memory_space<hbm>> -> memref<1x64xf32, #tpu.memory_space<hbm>>
      %dma_start3A_490 = tpu.memref_squeeze %dma_start3A_489 : memref<1x64xf32, #tpu.memory_space<hbm>> -> memref<64xf32, #tpu.memory_space<hbm>>
      %dma_start3A_491 = arith.constant 0 : i32
      %dma_start3A_492 = tpu.memref_slice %arg1[%get3A_482, %dma_start3A_491] : memref<524288x64xf32, #tpu.memory_space<hbm>> -> memref<1x64xf32, #tpu.memory_space<hbm>>
      %dma_start3A_493 = tpu.memref_squeeze %dma_start3A_492 : memref<1x64xf32, #tpu.memory_space<hbm>> -> memref<64xf32, #tpu.memory_space<hbm>>
      tpu.enqueue_dma source(%dma_start3A_493 : memref<64xf32, #tpu.memory_space<hbm>>) target(%dma_start3A_490 : memref<64xf32, #tpu.memory_space<hbm>>) target_semaphore(%arg7 : memref<!tpu.dma_semaphore, #tpu.memory_space<semaphore_mem>>)
      %add3A_494 = arith.constant 3 : i32
      %add3A_495 = arith.addi %add3A_443, %add3A_494 : i32
      %get3A_496 = arith.constant 1 : i32
      %get3A_497 = arith.index_cast %get3A_496 : i32 to index
      %get3A_498 = arith.index_cast %add3A_495 : i32 to index
      %get3A_499 = memref.load %arg4[%get3A_497, %get3A_498] : memref<2x128xi32, #tpu.memory_space<smem>>
      %add3A_500 = arith.constant 384 : i32
      %add3A_501 = arith.addi %mul3A_0, %add3A_500 : i32
      %add3A_502 = arith.addi %add3A_501, %add3A_443 : i32
      %add3A_503 = arith.constant 3 : i32
      %add3A_504 = arith.addi %add3A_502, %add3A_503 : i32
      %dma_start3A_505 = arith.constant 0 : i32
      %dma_start3A_506 = tpu.memref_slice %arg3[%add3A_504, %dma_start3A_505] : memref<4352x64xf32, #tpu.memory_space<hbm>> -> memref<1x64xf32, #tpu.memory_space<hbm>>
      %dma_start3A_507 = tpu.memref_squeeze %dma_start3A_506 : memref<1x64xf32, #tpu.memory_space<hbm>> -> memref<64xf32, #tpu.memory_space<hbm>>
      %dma_start3A_508 = arith.constant 0 : i32
      %dma_start3A_509 = tpu.memref_slice %arg1[%get3A_499, %dma_start3A_508] : memref<524288x64xf32, #tpu.memory_space<hbm>> -> memref<1x64xf32, #tpu.memory_space<hbm>>
      %dma_start3A_510 = tpu.memref_squeeze %dma_start3A_509 : memref<1x64xf32, #tpu.memory_space<hbm>> -> memref<64xf32, #tpu.memory_space<hbm>>
      tpu.enqueue_dma source(%dma_start3A_510 : memref<64xf32, #tpu.memory_space<hbm>>) target(%dma_start3A_507 : memref<64xf32, #tpu.memory_space<hbm>>) target_semaphore(%arg7 : memref<!tpu.dma_semaphore, #tpu.memory_space<semaphore_mem>>)
    }
    %scan3A_110 = arith.constant 32 : i32
    %add3A_111 = arith.constant 512 : i32
    %add3A_112 = arith.addi %mul3A_0, %add3A_111 : i32
    %add3A_113 = arith.constant 128 : i32
    %add3A_114 = arith.addi %add3A_112, %add3A_113 : i32
    %dma_start3A_115 = arith.constant 1 : i32
    %dma_start3A_116 = arith.constant 0 : i32
    %dma_start3A_117 = tpu.memref_slice %arg4[%dma_start3A_115, %dma_start3A_116] : memref<2x128xi32, #tpu.memory_space<smem>> -> memref<1x128xi32, #tpu.memory_space<smem>>
    %dma_start3A_118 = tpu.memref_squeeze %dma_start3A_117 : memref<1x128xi32, #tpu.memory_space<smem>> -> memref<128xi32, #tpu.memory_space<smem>>
    %dma_start3A_119 = tpu.memref_slice %arg2[%add3A_114] : memref<4352xi32, #tpu.memory_space<hbm>> -> memref<128xi32, #tpu.memory_space<hbm>>
    tpu.enqueue_dma source(%dma_start3A_119 : memref<128xi32, #tpu.memory_space<hbm>>) target(%dma_start3A_118 : memref<128xi32, #tpu.memory_space<smem>>) target_semaphore(%arg6 : memref<!tpu.dma_semaphore, #tpu.memory_space<semaphore_mem>>)
    %dma_start3A_120 = arith.constant 1 : i32
    %dma_start3A_121 = arith.constant 0 : i32
    %dma_start3A_122 = tpu.memref_slice %arg4[%dma_start3A_120, %dma_start3A_121] : memref<2x128xi32, #tpu.memory_space<smem>> -> memref<1x128xi32, #tpu.memory_space<smem>>
    %dma_start3A_123 = tpu.memref_squeeze %dma_start3A_122 : memref<1x128xi32, #tpu.memory_space<smem>> -> memref<128xi32, #tpu.memory_space<smem>>
    %dma_start3A_124 = tpu.memref_slice %arg2[%add3A_114] : memref<4352xi32, #tpu.memory_space<hbm>> -> memref<128xi32, #tpu.memory_space<hbm>>
    tpu.enqueue_dma source(%dma_start3A_124 : memref<128xi32, #tpu.memory_space<hbm>>) target(%dma_start3A_123 : memref<128xi32, #tpu.memory_space<smem>>) target_semaphore(%arg6 : memref<!tpu.dma_semaphore, #tpu.memory_space<semaphore_mem>>)
    %add3A_125 = arith.constant 512 : i32
    %add3A_126 = arith.addi %mul3A_0, %add3A_125 : i32
    %dma_wait3A_127 = arith.constant 0 : i32
    %dma_wait3A_128 = arith.constant 0 : i32
    %dma_wait3A_129 = tpu.memref_slice %arg4[%dma_wait3A_127, %dma_wait3A_128] : memref<2x128xi32, #tpu.memory_space<smem>> -> memref<1x128xi32, #tpu.memory_space<smem>>
    %dma_wait3A_130 = tpu.memref_squeeze %dma_wait3A_129 : memref<1x128xi32, #tpu.memory_space<smem>> -> memref<128xi32, #tpu.memory_space<smem>>
    %dma_wait3A_131 = tpu.memref_slice %arg2[%add3A_126] : memref<4352xi32, #tpu.memory_space<hbm>> -> memref<128xi32, #tpu.memory_space<hbm>>
    tpu.wait_dma2 semaphore(%arg5 : memref<!tpu.dma_semaphore, #tpu.memory_space<semaphore_mem>>) src(%dma_wait3A_131 : memref<128xi32, #tpu.memory_space<hbm>>) dst(%dma_wait3A_130 : memref<128xi32, #tpu.memory_space<smem>>)
    %scan3A_132 = arith.constant 0 : i32
    %scan3A_133 = arith.constant 32 : i32
    %scan3A_134 = arith.addi %scan3A_132, %scan3A_133 : i32
    %scan3A_135 = arith.constant 1 : i32
    scf.for %scan3A_439 = %scan3A_132 to %scan3A_134 step %scan3A_135  : i32 {
      %mul3A_440 = arith.constant 4 : i32
      %mul3A_441 = arith.muli %scan3A_439, %mul3A_440 : i32
      %add3A_442 = arith.constant 0 : i32
      %add3A_443 = arith.addi %add3A_442, %mul3A_441 : i32
      %add3A_444 = arith.constant 0 : i32
      %add3A_445 = arith.addi %add3A_443, %add3A_444 : i32
      %get3A = arith.constant 0 : i32
      %get3A_446 = arith.index_cast %get3A : i32 to index
      %get3A_447 = arith.index_cast %add3A_445 : i32 to index
      %get3A_448 = memref.load %arg4[%get3A_446, %get3A_447] : memref<2x128xi32, #tpu.memory_space<smem>>
      %add3A_449 = arith.constant 512 : i32
      %add3A_450 = arith.addi %mul3A_0, %add3A_449 : i32
      %add3A_451 = arith.addi %add3A_450, %add3A_443 : i32
      %add3A_452 = arith.constant 0 : i32
      %add3A_453 = arith.addi %add3A_451, %add3A_452 : i32
      %dma_start3A_454 = arith.constant 0 : i32
      %dma_start3A_455 = tpu.memref_slice %arg3[%add3A_453, %dma_start3A_454] : memref<4352x64xf32, #tpu.memory_space<hbm>> -> memref<1x64xf32, #tpu.memory_space<hbm>>
      %dma_start3A_456 = tpu.memref_squeeze %dma_start3A_455 : memref<1x64xf32, #tpu.memory_space<hbm>> -> memref<64xf32, #tpu.memory_space<hbm>>
      %dma_start3A_457 = arith.constant 0 : i32
      %dma_start3A_458 = tpu.memref_slice %arg1[%get3A_448, %dma_start3A_457] : memref<524288x64xf32, #tpu.memory_space<hbm>> -> memref<1x64xf32, #tpu.memory_space<hbm>>
      %dma_start3A_459 = tpu.memref_squeeze %dma_start3A_458 : memref<1x64xf32, #tpu.memory_space<hbm>> -> memref<64xf32, #tpu.memory_space<hbm>>
      tpu.enqueue_dma source(%dma_start3A_459 : memref<64xf32, #tpu.memory_space<hbm>>) target(%dma_start3A_456 : memref<64xf32, #tpu.memory_space<hbm>>) target_semaphore(%arg7 : memref<!tpu.dma_semaphore, #tpu.memory_space<semaphore_mem>>)
      %add3A_460 = arith.constant 1 : i32
      %add3A_461 = arith.addi %add3A_443, %add3A_460 : i32
      %get3A_462 = arith.constant 0 : i32
      %get3A_463 = arith.index_cast %get3A_462 : i32 to index
      %get3A_464 = arith.index_cast %add3A_461 : i32 to index
      %get3A_465 = memref.load %arg4[%get3A_463, %get3A_464] : memref<2x128xi32, #tpu.memory_space<smem>>
      %add3A_466 = arith.constant 512 : i32
      %add3A_467 = arith.addi %mul3A_0, %add3A_466 : i32
      %add3A_468 = arith.addi %add3A_467, %add3A_443 : i32
      %add3A_469 = arith.constant 1 : i32
      %add3A_470 = arith.addi %add3A_468, %add3A_469 : i32
      %dma_start3A_471 = arith.constant 0 : i32
      %dma_start3A_472 = tpu.memref_slice %arg3[%add3A_470, %dma_start3A_471] : memref<4352x64xf32, #tpu.memory_space<hbm>> -> memref<1x64xf32, #tpu.memory_space<hbm>>
      %dma_start3A_473 = tpu.memref_squeeze %dma_start3A_472 : memref<1x64xf32, #tpu.memory_space<hbm>> -> memref<64xf32, #tpu.memory_space<hbm>>
      %dma_start3A_474 = arith.constant 0 : i32
      %dma_start3A_475 = tpu.memref_slice %arg1[%get3A_465, %dma_start3A_474] : memref<524288x64xf32, #tpu.memory_space<hbm>> -> memref<1x64xf32, #tpu.memory_space<hbm>>
      %dma_start3A_476 = tpu.memref_squeeze %dma_start3A_475 : memref<1x64xf32, #tpu.memory_space<hbm>> -> memref<64xf32, #tpu.memory_space<hbm>>
      tpu.enqueue_dma source(%dma_start3A_476 : memref<64xf32, #tpu.memory_space<hbm>>) target(%dma_start3A_473 : memref<64xf32, #tpu.memory_space<hbm>>) target_semaphore(%arg7 : memref<!tpu.dma_semaphore, #tpu.memory_space<semaphore_mem>>)
      %add3A_477 = arith.constant 2 : i32
      %add3A_478 = arith.addi %add3A_443, %add3A_477 : i32
      %get3A_479 = arith.constant 0 : i32
      %get3A_480 = arith.index_cast %get3A_479 : i32 to index
      %get3A_481 = arith.index_cast %add3A_478 : i32 to index
      %get3A_482 = memref.load %arg4[%get3A_480, %get3A_481] : memref<2x128xi32, #tpu.memory_space<smem>>
      %add3A_483 = arith.constant 512 : i32
      %add3A_484 = arith.addi %mul3A_0, %add3A_483 : i32
      %add3A_485 = arith.addi %add3A_484, %add3A_443 : i32
      %add3A_486 = arith.constant 2 : i32
      %add3A_487 = arith.addi %add3A_485, %add3A_486 : i32
      %dma_start3A_488 = arith.constant 0 : i32
      %dma_start3A_489 = tpu.memref_slice %arg3[%add3A_487, %dma_start3A_488] : memref<4352x64xf32, #tpu.memory_space<hbm>> -> memref<1x64xf32, #tpu.memory_space<hbm>>
      %dma_start3A_490 = tpu.memref_squeeze %dma_start3A_489 : memref<1x64xf32, #tpu.memory_space<hbm>> -> memref<64xf32, #tpu.memory_space<hbm>>
      %dma_start3A_491 = arith.constant 0 : i32
      %dma_start3A_492 = tpu.memref_slice %arg1[%get3A_482, %dma_start3A_491] : memref<524288x64xf32, #tpu.memory_space<hbm>> -> memref<1x64xf32, #tpu.memory_space<hbm>>
      %dma_start3A_493 = tpu.memref_squeeze %dma_start3A_492 : memref<1x64xf32, #tpu.memory_space<hbm>> -> memref<64xf32, #tpu.memory_space<hbm>>
      tpu.enqueue_dma source(%dma_start3A_493 : memref<64xf32, #tpu.memory_space<hbm>>) target(%dma_start3A_490 : memref<64xf32, #tpu.memory_space<hbm>>) target_semaphore(%arg7 : memref<!tpu.dma_semaphore, #tpu.memory_space<semaphore_mem>>)
      %add3A_494 = arith.constant 3 : i32
      %add3A_495 = arith.addi %add3A_443, %add3A_494 : i32
      %get3A_496 = arith.constant 0 : i32
      %get3A_497 = arith.index_cast %get3A_496 : i32 to index
      %get3A_498 = arith.index_cast %add3A_495 : i32 to index
      %get3A_499 = memref.load %arg4[%get3A_497, %get3A_498] : memref<2x128xi32, #tpu.memory_space<smem>>
      %add3A_500 = arith.constant 512 : i32
      %add3A_501 = arith.addi %mul3A_0, %add3A_500 : i32
      %add3A_502 = arith.addi %add3A_501, %add3A_443 : i32
      %add3A_503 = arith.constant 3 : i32
      %add3A_504 = arith.addi %add3A_502, %add3A_503 : i32
      %dma_start3A_505 = arith.constant 0 : i32
      %dma_start3A_506 = tpu.memref_slice %arg3[%add3A_504, %dma_start3A_505] : memref<4352x64xf32, #tpu.memory_space<hbm>> -> memref<1x64xf32, #tpu.memory_space<hbm>>
      %dma_start3A_507 = tpu.memref_squeeze %dma_start3A_506 : memref<1x64xf32, #tpu.memory_space<hbm>> -> memref<64xf32, #tpu.memory_space<hbm>>
      %dma_start3A_508 = arith.constant 0 : i32
      %dma_start3A_509 = tpu.memref_slice %arg1[%get3A_499, %dma_start3A_508] : memref<524288x64xf32, #tpu.memory_space<hbm>> -> memref<1x64xf32, #tpu.memory_space<hbm>>
      %dma_start3A_510 = tpu.memref_squeeze %dma_start3A_509 : memref<1x64xf32, #tpu.memory_space<hbm>> -> memref<64xf32, #tpu.memory_space<hbm>>
      tpu.enqueue_dma source(%dma_start3A_510 : memref<64xf32, #tpu.memory_space<hbm>>) target(%dma_start3A_507 : memref<64xf32, #tpu.memory_space<hbm>>) target_semaphore(%arg7 : memref<!tpu.dma_semaphore, #tpu.memory_space<semaphore_mem>>)
    }
    %scan3A_136 = arith.constant 32 : i32
    %add3A_137 = arith.constant 640 : i32
    %add3A_138 = arith.addi %mul3A_0, %add3A_137 : i32
    %add3A_139 = arith.constant 128 : i32
    %add3A_140 = arith.addi %add3A_138, %add3A_139 : i32
    %dma_start3A_141 = arith.constant 0 : i32
    %dma_start3A_142 = arith.constant 0 : i32
    %dma_start3A_143 = tpu.memref_slice %arg4[%dma_start3A_141, %dma_start3A_142] : memref<2x128xi32, #tpu.memory_space<smem>> -> memref<1x128xi32, #tpu.memory_space<smem>>
    %dma_start3A_144 = tpu.memref_squeeze %dma_start3A_143 : memref<1x128xi32, #tpu.memory_space<smem>> -> memref<128xi32, #tpu.memory_space<smem>>
    %dma_start3A_145 = tpu.memref_slice %arg2[%add3A_140] : memref<4352xi32, #tpu.memory_space<hbm>> -> memref<128xi32, #tpu.memory_space<hbm>>
    tpu.enqueue_dma source(%dma_start3A_145 : memref<128xi32, #tpu.memory_space<hbm>>) target(%dma_start3A_144 : memref<128xi32, #tpu.memory_space<smem>>) target_semaphore(%arg5 : memref<!tpu.dma_semaphore, #tpu.memory_space<semaphore_mem>>)
    %dma_start3A_146 = arith.constant 0 : i32
    %dma_start3A_147 = arith.constant 0 : i32
    %dma_start3A_148 = tpu.memref_slice %arg4[%dma_start3A_146, %dma_start3A_147] : memref<2x128xi32, #tpu.memory_space<smem>> -> memref<1x128xi32, #tpu.memory_space<smem>>
    %dma_start3A_149 = tpu.memref_squeeze %dma_start3A_148 : memref<1x128xi32, #tpu.memory_space<smem>> -> memref<128xi32, #tpu.memory_space<smem>>
    %dma_start3A_150 = tpu.memref_slice %arg2[%add3A_140] : memref<4352xi32, #tpu.memory_space<hbm>> -> memref<128xi32, #tpu.memory_space<hbm>>
    tpu.enqueue_dma source(%dma_start3A_150 : memref<128xi32, #tpu.memory_space<hbm>>) target(%dma_start3A_149 : memref<128xi32, #tpu.memory_space<smem>>) target_semaphore(%arg5 : memref<!tpu.dma_semaphore, #tpu.memory_space<semaphore_mem>>)
    %add3A_151 = arith.constant 640 : i32
    %add3A_152 = arith.addi %mul3A_0, %add3A_151 : i32
    %dma_wait3A_153 = arith.constant 1 : i32
    %dma_wait3A_154 = arith.constant 0 : i32
    %dma_wait3A_155 = tpu.memref_slice %arg4[%dma_wait3A_153, %dma_wait3A_154] : memref<2x128xi32, #tpu.memory_space<smem>> -> memref<1x128xi32, #tpu.memory_space<smem>>
    %dma_wait3A_156 = tpu.memref_squeeze %dma_wait3A_155 : memref<1x128xi32, #tpu.memory_space<smem>> -> memref<128xi32, #tpu.memory_space<smem>>
    %dma_wait3A_157 = tpu.memref_slice %arg2[%add3A_152] : memref<4352xi32, #tpu.memory_space<hbm>> -> memref<128xi32, #tpu.memory_space<hbm>>
    tpu.wait_dma2 semaphore(%arg6 : memref<!tpu.dma_semaphore, #tpu.memory_space<semaphore_mem>>) src(%dma_wait3A_157 : memref<128xi32, #tpu.memory_space<hbm>>) dst(%dma_wait3A_156 : memref<128xi32, #tpu.memory_space<smem>>)
    %scan3A_158 = arith.constant 0 : i32
    %scan3A_159 = arith.constant 32 : i32
    %scan3A_160 = arith.addi %scan3A_158, %scan3A_159 : i32
    %scan3A_161 = arith.constant 1 : i32
    scf.for %scan3A_439 = %scan3A_158 to %scan3A_160 step %scan3A_161  : i32 {
      %mul3A_440 = arith.constant 4 : i32
      %mul3A_441 = arith.muli %scan3A_439, %mul3A_440 : i32
      %add3A_442 = arith.constant 0 : i32
      %add3A_443 = arith.addi %add3A_442, %mul3A_441 : i32
      %add3A_444 = arith.constant 0 : i32
      %add3A_445 = arith.addi %add3A_443, %add3A_444 : i32
      %get3A = arith.constant 1 : i32
      %get3A_446 = arith.index_cast %get3A : i32 to index
      %get3A_447 = arith.index_cast %add3A_445 : i32 to index
      %get3A_448 = memref.load %arg4[%get3A_446, %get3A_447] : memref<2x128xi32, #tpu.memory_space<smem>>
      %add3A_449 = arith.constant 640 : i32
      %add3A_450 = arith.addi %mul3A_0, %add3A_449 : i32
      %add3A_451 = arith.addi %add3A_450, %add3A_443 : i32
      %add3A_452 = arith.constant 0 : i32
      %add3A_453 = arith.addi %add3A_451, %add3A_452 : i32
      %dma_start3A_454 = arith.constant 0 : i32
      %dma_start3A_455 = tpu.memref_slice %arg3[%add3A_453, %dma_start3A_454] : memref<4352x64xf32, #tpu.memory_space<hbm>> -> memref<1x64xf32, #tpu.memory_space<hbm>>
      %dma_start3A_456 = tpu.memref_squeeze %dma_start3A_455 : memref<1x64xf32, #tpu.memory_space<hbm>> -> memref<64xf32, #tpu.memory_space<hbm>>
      %dma_start3A_457 = arith.constant 0 : i32
      %dma_start3A_458 = tpu.memref_slice %arg1[%get3A_448, %dma_start3A_457] : memref<524288x64xf32, #tpu.memory_space<hbm>> -> memref<1x64xf32, #tpu.memory_space<hbm>>
      %dma_start3A_459 = tpu.memref_squeeze %dma_start3A_458 : memref<1x64xf32, #tpu.memory_space<hbm>> -> memref<64xf32, #tpu.memory_space<hbm>>
      tpu.enqueue_dma source(%dma_start3A_459 : memref<64xf32, #tpu.memory_space<hbm>>) target(%dma_start3A_456 : memref<64xf32, #tpu.memory_space<hbm>>) target_semaphore(%arg7 : memref<!tpu.dma_semaphore, #tpu.memory_space<semaphore_mem>>)
      %add3A_460 = arith.constant 1 : i32
      %add3A_461 = arith.addi %add3A_443, %add3A_460 : i32
      %get3A_462 = arith.constant 1 : i32
      %get3A_463 = arith.index_cast %get3A_462 : i32 to index
      %get3A_464 = arith.index_cast %add3A_461 : i32 to index
      %get3A_465 = memref.load %arg4[%get3A_463, %get3A_464] : memref<2x128xi32, #tpu.memory_space<smem>>
      %add3A_466 = arith.constant 640 : i32
      %add3A_467 = arith.addi %mul3A_0, %add3A_466 : i32
      %add3A_468 = arith.addi %add3A_467, %add3A_443 : i32
      %add3A_469 = arith.constant 1 : i32
      %add3A_470 = arith.addi %add3A_468, %add3A_469 : i32
      %dma_start3A_471 = arith.constant 0 : i32
      %dma_start3A_472 = tpu.memref_slice %arg3[%add3A_470, %dma_start3A_471] : memref<4352x64xf32, #tpu.memory_space<hbm>> -> memref<1x64xf32, #tpu.memory_space<hbm>>
      %dma_start3A_473 = tpu.memref_squeeze %dma_start3A_472 : memref<1x64xf32, #tpu.memory_space<hbm>> -> memref<64xf32, #tpu.memory_space<hbm>>
      %dma_start3A_474 = arith.constant 0 : i32
      %dma_start3A_475 = tpu.memref_slice %arg1[%get3A_465, %dma_start3A_474] : memref<524288x64xf32, #tpu.memory_space<hbm>> -> memref<1x64xf32, #tpu.memory_space<hbm>>
      %dma_start3A_476 = tpu.memref_squeeze %dma_start3A_475 : memref<1x64xf32, #tpu.memory_space<hbm>> -> memref<64xf32, #tpu.memory_space<hbm>>
      tpu.enqueue_dma source(%dma_start3A_476 : memref<64xf32, #tpu.memory_space<hbm>>) target(%dma_start3A_473 : memref<64xf32, #tpu.memory_space<hbm>>) target_semaphore(%arg7 : memref<!tpu.dma_semaphore, #tpu.memory_space<semaphore_mem>>)
      %add3A_477 = arith.constant 2 : i32
      %add3A_478 = arith.addi %add3A_443, %add3A_477 : i32
      %get3A_479 = arith.constant 1 : i32
      %get3A_480 = arith.index_cast %get3A_479 : i32 to index
      %get3A_481 = arith.index_cast %add3A_478 : i32 to index
      %get3A_482 = memref.load %arg4[%get3A_480, %get3A_481] : memref<2x128xi32, #tpu.memory_space<smem>>
      %add3A_483 = arith.constant 640 : i32
      %add3A_484 = arith.addi %mul3A_0, %add3A_483 : i32
      %add3A_485 = arith.addi %add3A_484, %add3A_443 : i32
      %add3A_486 = arith.constant 2 : i32
      %add3A_487 = arith.addi %add3A_485, %add3A_486 : i32
      %dma_start3A_488 = arith.constant 0 : i32
      %dma_start3A_489 = tpu.memref_slice %arg3[%add3A_487, %dma_start3A_488] : memref<4352x64xf32, #tpu.memory_space<hbm>> -> memref<1x64xf32, #tpu.memory_space<hbm>>
      %dma_start3A_490 = tpu.memref_squeeze %dma_start3A_489 : memref<1x64xf32, #tpu.memory_space<hbm>> -> memref<64xf32, #tpu.memory_space<hbm>>
      %dma_start3A_491 = arith.constant 0 : i32
      %dma_start3A_492 = tpu.memref_slice %arg1[%get3A_482, %dma_start3A_491] : memref<524288x64xf32, #tpu.memory_space<hbm>> -> memref<1x64xf32, #tpu.memory_space<hbm>>
      %dma_start3A_493 = tpu.memref_squeeze %dma_start3A_492 : memref<1x64xf32, #tpu.memory_space<hbm>> -> memref<64xf32, #tpu.memory_space<hbm>>
      tpu.enqueue_dma source(%dma_start3A_493 : memref<64xf32, #tpu.memory_space<hbm>>) target(%dma_start3A_490 : memref<64xf32, #tpu.memory_space<hbm>>) target_semaphore(%arg7 : memref<!tpu.dma_semaphore, #tpu.memory_space<semaphore_mem>>)
      %add3A_494 = arith.constant 3 : i32
      %add3A_495 = arith.addi %add3A_443, %add3A_494 : i32
      %get3A_496 = arith.constant 1 : i32
      %get3A_497 = arith.index_cast %get3A_496 : i32 to index
      %get3A_498 = arith.index_cast %add3A_495 : i32 to index
      %get3A_499 = memref.load %arg4[%get3A_497, %get3A_498] : memref<2x128xi32, #tpu.memory_space<smem>>
      %add3A_500 = arith.constant 640 : i32
      %add3A_501 = arith.addi %mul3A_0, %add3A_500 : i32
      %add3A_502 = arith.addi %add3A_501, %add3A_443 : i32
      %add3A_503 = arith.constant 3 : i32
      %add3A_504 = arith.addi %add3A_502, %add3A_503 : i32
      %dma_start3A_505 = arith.constant 0 : i32
      %dma_start3A_506 = tpu.memref_slice %arg3[%add3A_504, %dma_start3A_505] : memref<4352x64xf32, #tpu.memory_space<hbm>> -> memref<1x64xf32, #tpu.memory_space<hbm>>
      %dma_start3A_507 = tpu.memref_squeeze %dma_start3A_506 : memref<1x64xf32, #tpu.memory_space<hbm>> -> memref<64xf32, #tpu.memory_space<hbm>>
      %dma_start3A_508 = arith.constant 0 : i32
      %dma_start3A_509 = tpu.memref_slice %arg1[%get3A_499, %dma_start3A_508] : memref<524288x64xf32, #tpu.memory_space<hbm>> -> memref<1x64xf32, #tpu.memory_space<hbm>>
      %dma_start3A_510 = tpu.memref_squeeze %dma_start3A_509 : memref<1x64xf32, #tpu.memory_space<hbm>> -> memref<64xf32, #tpu.memory_space<hbm>>
      tpu.enqueue_dma source(%dma_start3A_510 : memref<64xf32, #tpu.memory_space<hbm>>) target(%dma_start3A_507 : memref<64xf32, #tpu.memory_space<hbm>>) target_semaphore(%arg7 : memref<!tpu.dma_semaphore, #tpu.memory_space<semaphore_mem>>)
    }
    %scan3A_162 = arith.constant 32 : i32
    %add3A_163 = arith.constant 768 : i32
    %add3A_164 = arith.addi %mul3A_0, %add3A_163 : i32
    %add3A_165 = arith.constant 128 : i32
    %add3A_166 = arith.addi %add3A_164, %add3A_165 : i32
    %dma_start3A_167 = arith.constant 1 : i32
    %dma_start3A_168 = arith.constant 0 : i32
    %dma_start3A_169 = tpu.memref_slice %arg4[%dma_start3A_167, %dma_start3A_168] : memref<2x128xi32, #tpu.memory_space<smem>> -> memref<1x128xi32, #tpu.memory_space<smem>>
    %dma_start3A_170 = tpu.memref_squeeze %dma_start3A_169 : memref<1x128xi32, #tpu.memory_space<smem>> -> memref<128xi32, #tpu.memory_space<smem>>
    %dma_start3A_171 = tpu.memref_slice %arg2[%add3A_166] : memref<4352xi32, #tpu.memory_space<hbm>> -> memref<128xi32, #tpu.memory_space<hbm>>
    tpu.enqueue_dma source(%dma_start3A_171 : memref<128xi32, #tpu.memory_space<hbm>>) target(%dma_start3A_170 : memref<128xi32, #tpu.memory_space<smem>>) target_semaphore(%arg6 : memref<!tpu.dma_semaphore, #tpu.memory_space<semaphore_mem>>)
    %dma_start3A_172 = arith.constant 1 : i32
    %dma_start3A_173 = arith.constant 0 : i32
    %dma_start3A_174 = tpu.memref_slice %arg4[%dma_start3A_172, %dma_start3A_173] : memref<2x128xi32, #tpu.memory_space<smem>> -> memref<1x128xi32, #tpu.memory_space<smem>>
    %dma_start3A_175 = tpu.memref_squeeze %dma_start3A_174 : memref<1x128xi32, #tpu.memory_space<smem>> -> memref<128xi32, #tpu.memory_space<smem>>
    %dma_start3A_176 = tpu.memref_slice %arg2[%add3A_166] : memref<4352xi32, #tpu.memory_space<hbm>> -> memref<128xi32, #tpu.memory_space<hbm>>
    tpu.enqueue_dma source(%dma_start3A_176 : memref<128xi32, #tpu.memory_space<hbm>>) target(%dma_start3A_175 : memref<128xi32, #tpu.memory_space<smem>>) target_semaphore(%arg6 : memref<!tpu.dma_semaphore, #tpu.memory_space<semaphore_mem>>)
    %add3A_177 = arith.constant 768 : i32
    %add3A_178 = arith.addi %mul3A_0, %add3A_177 : i32
    %dma_wait3A_179 = arith.constant 0 : i32
    %dma_wait3A_180 = arith.constant 0 : i32
    %dma_wait3A_181 = tpu.memref_slice %arg4[%dma_wait3A_179, %dma_wait3A_180] : memref<2x128xi32, #tpu.memory_space<smem>> -> memref<1x128xi32, #tpu.memory_space<smem>>
    %dma_wait3A_182 = tpu.memref_squeeze %dma_wait3A_181 : memref<1x128xi32, #tpu.memory_space<smem>> -> memref<128xi32, #tpu.memory_space<smem>>
    %dma_wait3A_183 = tpu.memref_slice %arg2[%add3A_178] : memref<4352xi32, #tpu.memory_space<hbm>> -> memref<128xi32, #tpu.memory_space<hbm>>
    tpu.wait_dma2 semaphore(%arg5 : memref<!tpu.dma_semaphore, #tpu.memory_space<semaphore_mem>>) src(%dma_wait3A_183 : memref<128xi32, #tpu.memory_space<hbm>>) dst(%dma_wait3A_182 : memref<128xi32, #tpu.memory_space<smem>>)
    %scan3A_184 = arith.constant 0 : i32
    %scan3A_185 = arith.constant 32 : i32
    %scan3A_186 = arith.addi %scan3A_184, %scan3A_185 : i32
    %scan3A_187 = arith.constant 1 : i32
    scf.for %scan3A_439 = %scan3A_184 to %scan3A_186 step %scan3A_187  : i32 {
      %mul3A_440 = arith.constant 4 : i32
      %mul3A_441 = arith.muli %scan3A_439, %mul3A_440 : i32
      %add3A_442 = arith.constant 0 : i32
      %add3A_443 = arith.addi %add3A_442, %mul3A_441 : i32
      %add3A_444 = arith.constant 0 : i32
      %add3A_445 = arith.addi %add3A_443, %add3A_444 : i32
      %get3A = arith.constant 0 : i32
      %get3A_446 = arith.index_cast %get3A : i32 to index
      %get3A_447 = arith.index_cast %add3A_445 : i32 to index
      %get3A_448 = memref.load %arg4[%get3A_446, %get3A_447] : memref<2x128xi32, #tpu.memory_space<smem>>
      %add3A_449 = arith.constant 768 : i32
      %add3A_450 = arith.addi %mul3A_0, %add3A_449 : i32
      %add3A_451 = arith.addi %add3A_450, %add3A_443 : i32
      %add3A_452 = arith.constant 0 : i32
      %add3A_453 = arith.addi %add3A_451, %add3A_452 : i32
      %dma_start3A_454 = arith.constant 0 : i32
      %dma_start3A_455 = tpu.memref_slice %arg3[%add3A_453, %dma_start3A_454] : memref<4352x64xf32, #tpu.memory_space<hbm>> -> memref<1x64xf32, #tpu.memory_space<hbm>>
      %dma_start3A_456 = tpu.memref_squeeze %dma_start3A_455 : memref<1x64xf32, #tpu.memory_space<hbm>> -> memref<64xf32, #tpu.memory_space<hbm>>
      %dma_start3A_457 = arith.constant 0 : i32
      %dma_start3A_458 = tpu.memref_slice %arg1[%get3A_448, %dma_start3A_457] : memref<524288x64xf32, #tpu.memory_space<hbm>> -> memref<1x64xf32, #tpu.memory_space<hbm>>
      %dma_start3A_459 = tpu.memref_squeeze %dma_start3A_458 : memref<1x64xf32, #tpu.memory_space<hbm>> -> memref<64xf32, #tpu.memory_space<hbm>>
      tpu.enqueue_dma source(%dma_start3A_459 : memref<64xf32, #tpu.memory_space<hbm>>) target(%dma_start3A_456 : memref<64xf32, #tpu.memory_space<hbm>>) target_semaphore(%arg7 : memref<!tpu.dma_semaphore, #tpu.memory_space<semaphore_mem>>)
      %add3A_460 = arith.constant 1 : i32
      %add3A_461 = arith.addi %add3A_443, %add3A_460 : i32
      %get3A_462 = arith.constant 0 : i32
      %get3A_463 = arith.index_cast %get3A_462 : i32 to index
      %get3A_464 = arith.index_cast %add3A_461 : i32 to index
      %get3A_465 = memref.load %arg4[%get3A_463, %get3A_464] : memref<2x128xi32, #tpu.memory_space<smem>>
      %add3A_466 = arith.constant 768 : i32
      %add3A_467 = arith.addi %mul3A_0, %add3A_466 : i32
      %add3A_468 = arith.addi %add3A_467, %add3A_443 : i32
      %add3A_469 = arith.constant 1 : i32
      %add3A_470 = arith.addi %add3A_468, %add3A_469 : i32
      %dma_start3A_471 = arith.constant 0 : i32
      %dma_start3A_472 = tpu.memref_slice %arg3[%add3A_470, %dma_start3A_471] : memref<4352x64xf32, #tpu.memory_space<hbm>> -> memref<1x64xf32, #tpu.memory_space<hbm>>
      %dma_start3A_473 = tpu.memref_squeeze %dma_start3A_472 : memref<1x64xf32, #tpu.memory_space<hbm>> -> memref<64xf32, #tpu.memory_space<hbm>>
      %dma_start3A_474 = arith.constant 0 : i32
      %dma_start3A_475 = tpu.memref_slice %arg1[%get3A_465, %dma_start3A_474] : memref<524288x64xf32, #tpu.memory_space<hbm>> -> memref<1x64xf32, #tpu.memory_space<hbm>>
      %dma_start3A_476 = tpu.memref_squeeze %dma_start3A_475 : memref<1x64xf32, #tpu.memory_space<hbm>> -> memref<64xf32, #tpu.memory_space<hbm>>
      tpu.enqueue_dma source(%dma_start3A_476 : memref<64xf32, #tpu.memory_space<hbm>>) target(%dma_start3A_473 : memref<64xf32, #tpu.memory_space<hbm>>) target_semaphore(%arg7 : memref<!tpu.dma_semaphore, #tpu.memory_space<semaphore_mem>>)
      %add3A_477 = arith.constant 2 : i32
      %add3A_478 = arith.addi %add3A_443, %add3A_477 : i32
      %get3A_479 = arith.constant 0 : i32
      %get3A_480 = arith.index_cast %get3A_479 : i32 to index
      %get3A_481 = arith.index_cast %add3A_478 : i32 to index
      %get3A_482 = memref.load %arg4[%get3A_480, %get3A_481] : memref<2x128xi32, #tpu.memory_space<smem>>
      %add3A_483 = arith.constant 768 : i32
      %add3A_484 = arith.addi %mul3A_0, %add3A_483 : i32
      %add3A_485 = arith.addi %add3A_484, %add3A_443 : i32
      %add3A_486 = arith.constant 2 : i32
      %add3A_487 = arith.addi %add3A_485, %add3A_486 : i32
      %dma_start3A_488 = arith.constant 0 : i32
      %dma_start3A_489 = tpu.memref_slice %arg3[%add3A_487, %dma_start3A_488] : memref<4352x64xf32, #tpu.memory_space<hbm>> -> memref<1x64xf32, #tpu.memory_space<hbm>>
      %dma_start3A_490 = tpu.memref_squeeze %dma_start3A_489 : memref<1x64xf32, #tpu.memory_space<hbm>> -> memref<64xf32, #tpu.memory_space<hbm>>
      %dma_start3A_491 = arith.constant 0 : i32
      %dma_start3A_492 = tpu.memref_slice %arg1[%get3A_482, %dma_start3A_491] : memref<524288x64xf32, #tpu.memory_space<hbm>> -> memref<1x64xf32, #tpu.memory_space<hbm>>
      %dma_start3A_493 = tpu.memref_squeeze %dma_start3A_492 : memref<1x64xf32, #tpu.memory_space<hbm>> -> memref<64xf32, #tpu.memory_space<hbm>>
      tpu.enqueue_dma source(%dma_start3A_493 : memref<64xf32, #tpu.memory_space<hbm>>) target(%dma_start3A_490 : memref<64xf32, #tpu.memory_space<hbm>>) target_semaphore(%arg7 : memref<!tpu.dma_semaphore, #tpu.memory_space<semaphore_mem>>)
      %add3A_494 = arith.constant 3 : i32
      %add3A_495 = arith.addi %add3A_443, %add3A_494 : i32
      %get3A_496 = arith.constant 0 : i32
      %get3A_497 = arith.index_cast %get3A_496 : i32 to index
      %get3A_498 = arith.index_cast %add3A_495 : i32 to index
      %get3A_499 = memref.load %arg4[%get3A_497, %get3A_498] : memref<2x128xi32, #tpu.memory_space<smem>>
      %add3A_500 = arith.constant 768 : i32
      %add3A_501 = arith.addi %mul3A_0, %add3A_500 : i32
      %add3A_502 = arith.addi %add3A_501, %add3A_443 : i32
      %add3A_503 = arith.constant 3 : i32
      %add3A_504 = arith.addi %add3A_502, %add3A_503 : i32
      %dma_start3A_505 = arith.constant 0 : i32
      %dma_start3A_506 = tpu.memref_slice %arg3[%add3A_504, %dma_start3A_505] : memref<4352x64xf32, #tpu.memory_space<hbm>> -> memref<1x64xf32, #tpu.memory_space<hbm>>
      %dma_start3A_507 = tpu.memref_squeeze %dma_start3A_506 : memref<1x64xf32, #tpu.memory_space<hbm>> -> memref<64xf32, #tpu.memory_space<hbm>>
      %dma_start3A_508 = arith.constant 0 : i32
      %dma_start3A_509 = tpu.memref_slice %arg1[%get3A_499, %dma_start3A_508] : memref<524288x64xf32, #tpu.memory_space<hbm>> -> memref<1x64xf32, #tpu.memory_space<hbm>>
      %dma_start3A_510 = tpu.memref_squeeze %dma_start3A_509 : memref<1x64xf32, #tpu.memory_space<hbm>> -> memref<64xf32, #tpu.memory_space<hbm>>
      tpu.enqueue_dma source(%dma_start3A_510 : memref<64xf32, #tpu.memory_space<hbm>>) target(%dma_start3A_507 : memref<64xf32, #tpu.memory_space<hbm>>) target_semaphore(%arg7 : memref<!tpu.dma_semaphore, #tpu.memory_space<semaphore_mem>>)
    }
    %scan3A_188 = arith.constant 32 : i32
    %add3A_189 = arith.constant 896 : i32
    %add3A_190 = arith.addi %mul3A_0, %add3A_189 : i32
    %add3A_191 = arith.constant 128 : i32
    %add3A_192 = arith.addi %add3A_190, %add3A_191 : i32
    %dma_start3A_193 = arith.constant 0 : i32
    %dma_start3A_194 = arith.constant 0 : i32
    %dma_start3A_195 = tpu.memref_slice %arg4[%dma_start3A_193, %dma_start3A_194] : memref<2x128xi32, #tpu.memory_space<smem>> -> memref<1x128xi32, #tpu.memory_space<smem>>
    %dma_start3A_196 = tpu.memref_squeeze %dma_start3A_195 : memref<1x128xi32, #tpu.memory_space<smem>> -> memref<128xi32, #tpu.memory_space<smem>>
    %dma_start3A_197 = tpu.memref_slice %arg2[%add3A_192] : memref<4352xi32, #tpu.memory_space<hbm>> -> memref<128xi32, #tpu.memory_space<hbm>>
    tpu.enqueue_dma source(%dma_start3A_197 : memref<128xi32, #tpu.memory_space<hbm>>) target(%dma_start3A_196 : memref<128xi32, #tpu.memory_space<smem>>) target_semaphore(%arg5 : memref<!tpu.dma_semaphore, #tpu.memory_space<semaphore_mem>>)
    %dma_start3A_198 = arith.constant 0 : i32
    %dma_start3A_199 = arith.constant 0 : i32
    %dma_start3A_200 = tpu.memref_slice %arg4[%dma_start3A_198, %dma_start3A_199] : memref<2x128xi32, #tpu.memory_space<smem>> -> memref<1x128xi32, #tpu.memory_space<smem>>
    %dma_start3A_201 = tpu.memref_squeeze %dma_start3A_200 : memref<1x128xi32, #tpu.memory_space<smem>> -> memref<128xi32, #tpu.memory_space<smem>>
    %dma_start3A_202 = tpu.memref_slice %arg2[%add3A_192] : memref<4352xi32, #tpu.memory_space<hbm>> -> memref<128xi32, #tpu.memory_space<hbm>>
    tpu.enqueue_dma source(%dma_start3A_202 : memref<128xi32, #tpu.memory_space<hbm>>) target(%dma_start3A_201 : memref<128xi32, #tpu.memory_space<smem>>) target_semaphore(%arg5 : memref<!tpu.dma_semaphore, #tpu.memory_space<semaphore_mem>>)
    %add3A_203 = arith.constant 896 : i32
    %add3A_204 = arith.addi %mul3A_0, %add3A_203 : i32
    %dma_wait3A_205 = arith.constant 1 : i32
    %dma_wait3A_206 = arith.constant 0 : i32
    %dma_wait3A_207 = tpu.memref_slice %arg4[%dma_wait3A_205, %dma_wait3A_206] : memref<2x128xi32, #tpu.memory_space<smem>> -> memref<1x128xi32, #tpu.memory_space<smem>>
    %dma_wait3A_208 = tpu.memref_squeeze %dma_wait3A_207 : memref<1x128xi32, #tpu.memory_space<smem>> -> memref<128xi32, #tpu.memory_space<smem>>
    %dma_wait3A_209 = tpu.memref_slice %arg2[%add3A_204] : memref<4352xi32, #tpu.memory_space<hbm>> -> memref<128xi32, #tpu.memory_space<hbm>>
    tpu.wait_dma2 semaphore(%arg6 : memref<!tpu.dma_semaphore, #tpu.memory_space<semaphore_mem>>) src(%dma_wait3A_209 : memref<128xi32, #tpu.memory_space<hbm>>) dst(%dma_wait3A_208 : memref<128xi32, #tpu.memory_space<smem>>)
    %scan3A_210 = arith.constant 0 : i32
    %scan3A_211 = arith.constant 32 : i32
    %scan3A_212 = arith.addi %scan3A_210, %scan3A_211 : i32
    %scan3A_213 = arith.constant 1 : i32
    scf.for %scan3A_439 = %scan3A_210 to %scan3A_212 step %scan3A_213  : i32 {
      %mul3A_440 = arith.constant 4 : i32
      %mul3A_441 = arith.muli %scan3A_439, %mul3A_440 : i32
      %add3A_442 = arith.constant 0 : i32
      %add3A_443 = arith.addi %add3A_442, %mul3A_441 : i32
      %add3A_444 = arith.constant 0 : i32
      %add3A_445 = arith.addi %add3A_443, %add3A_444 : i32
      %get3A = arith.constant 1 : i32
      %get3A_446 = arith.index_cast %get3A : i32 to index
      %get3A_447 = arith.index_cast %add3A_445 : i32 to index
      %get3A_448 = memref.load %arg4[%get3A_446, %get3A_447] : memref<2x128xi32, #tpu.memory_space<smem>>
      %add3A_449 = arith.constant 896 : i32
      %add3A_450 = arith.addi %mul3A_0, %add3A_449 : i32
      %add3A_451 = arith.addi %add3A_450, %add3A_443 : i32
      %add3A_452 = arith.constant 0 : i32
      %add3A_453 = arith.addi %add3A_451, %add3A_452 : i32
      %dma_start3A_454 = arith.constant 0 : i32
      %dma_start3A_455 = tpu.memref_slice %arg3[%add3A_453, %dma_start3A_454] : memref<4352x64xf32, #tpu.memory_space<hbm>> -> memref<1x64xf32, #tpu.memory_space<hbm>>
      %dma_start3A_456 = tpu.memref_squeeze %dma_start3A_455 : memref<1x64xf32, #tpu.memory_space<hbm>> -> memref<64xf32, #tpu.memory_space<hbm>>
      %dma_start3A_457 = arith.constant 0 : i32
      %dma_start3A_458 = tpu.memref_slice %arg1[%get3A_448, %dma_start3A_457] : memref<524288x64xf32, #tpu.memory_space<hbm>> -> memref<1x64xf32, #tpu.memory_space<hbm>>
      %dma_start3A_459 = tpu.memref_squeeze %dma_start3A_458 : memref<1x64xf32, #tpu.memory_space<hbm>> -> memref<64xf32, #tpu.memory_space<hbm>>
      tpu.enqueue_dma source(%dma_start3A_459 : memref<64xf32, #tpu.memory_space<hbm>>) target(%dma_start3A_456 : memref<64xf32, #tpu.memory_space<hbm>>) target_semaphore(%arg7 : memref<!tpu.dma_semaphore, #tpu.memory_space<semaphore_mem>>)
      %add3A_460 = arith.constant 1 : i32
      %add3A_461 = arith.addi %add3A_443, %add3A_460 : i32
      %get3A_462 = arith.constant 1 : i32
      %get3A_463 = arith.index_cast %get3A_462 : i32 to index
      %get3A_464 = arith.index_cast %add3A_461 : i32 to index
      %get3A_465 = memref.load %arg4[%get3A_463, %get3A_464] : memref<2x128xi32, #tpu.memory_space<smem>>
      %add3A_466 = arith.constant 896 : i32
      %add3A_467 = arith.addi %mul3A_0, %add3A_466 : i32
      %add3A_468 = arith.addi %add3A_467, %add3A_443 : i32
      %add3A_469 = arith.constant 1 : i32
      %add3A_470 = arith.addi %add3A_468, %add3A_469 : i32
      %dma_start3A_471 = arith.constant 0 : i32
      %dma_start3A_472 = tpu.memref_slice %arg3[%add3A_470, %dma_start3A_471] : memref<4352x64xf32, #tpu.memory_space<hbm>> -> memref<1x64xf32, #tpu.memory_space<hbm>>
      %dma_start3A_473 = tpu.memref_squeeze %dma_start3A_472 : memref<1x64xf32, #tpu.memory_space<hbm>> -> memref<64xf32, #tpu.memory_space<hbm>>
      %dma_start3A_474 = arith.constant 0 : i32
      %dma_start3A_475 = tpu.memref_slice %arg1[%get3A_465, %dma_start3A_474] : memref<524288x64xf32, #tpu.memory_space<hbm>> -> memref<1x64xf32, #tpu.memory_space<hbm>>
      %dma_start3A_476 = tpu.memref_squeeze %dma_start3A_475 : memref<1x64xf32, #tpu.memory_space<hbm>> -> memref<64xf32, #tpu.memory_space<hbm>>
      tpu.enqueue_dma source(%dma_start3A_476 : memref<64xf32, #tpu.memory_space<hbm>>) target(%dma_start3A_473 : memref<64xf32, #tpu.memory_space<hbm>>) target_semaphore(%arg7 : memref<!tpu.dma_semaphore, #tpu.memory_space<semaphore_mem>>)
      %add3A_477 = arith.constant 2 : i32
      %add3A_478 = arith.addi %add3A_443, %add3A_477 : i32
      %get3A_479 = arith.constant 1 : i32
      %get3A_480 = arith.index_cast %get3A_479 : i32 to index
      %get3A_481 = arith.index_cast %add3A_478 : i32 to index
      %get3A_482 = memref.load %arg4[%get3A_480, %get3A_481] : memref<2x128xi32, #tpu.memory_space<smem>>
      %add3A_483 = arith.constant 896 : i32
      %add3A_484 = arith.addi %mul3A_0, %add3A_483 : i32
      %add3A_485 = arith.addi %add3A_484, %add3A_443 : i32
      %add3A_486 = arith.constant 2 : i32
      %add3A_487 = arith.addi %add3A_485, %add3A_486 : i32
      %dma_start3A_488 = arith.constant 0 : i32
      %dma_start3A_489 = tpu.memref_slice %arg3[%add3A_487, %dma_start3A_488] : memref<4352x64xf32, #tpu.memory_space<hbm>> -> memref<1x64xf32, #tpu.memory_space<hbm>>
      %dma_start3A_490 = tpu.memref_squeeze %dma_start3A_489 : memref<1x64xf32, #tpu.memory_space<hbm>> -> memref<64xf32, #tpu.memory_space<hbm>>
      %dma_start3A_491 = arith.constant 0 : i32
      %dma_start3A_492 = tpu.memref_slice %arg1[%get3A_482, %dma_start3A_491] : memref<524288x64xf32, #tpu.memory_space<hbm>> -> memref<1x64xf32, #tpu.memory_space<hbm>>
      %dma_start3A_493 = tpu.memref_squeeze %dma_start3A_492 : memref<1x64xf32, #tpu.memory_space<hbm>> -> memref<64xf32, #tpu.memory_space<hbm>>
      tpu.enqueue_dma source(%dma_start3A_493 : memref<64xf32, #tpu.memory_space<hbm>>) target(%dma_start3A_490 : memref<64xf32, #tpu.memory_space<hbm>>) target_semaphore(%arg7 : memref<!tpu.dma_semaphore, #tpu.memory_space<semaphore_mem>>)
      %add3A_494 = arith.constant 3 : i32
      %add3A_495 = arith.addi %add3A_443, %add3A_494 : i32
      %get3A_496 = arith.constant 1 : i32
      %get3A_497 = arith.index_cast %get3A_496 : i32 to index
      %get3A_498 = arith.index_cast %add3A_495 : i32 to index
      %get3A_499 = memref.load %arg4[%get3A_497, %get3A_498] : memref<2x128xi32, #tpu.memory_space<smem>>
      %add3A_500 = arith.constant 896 : i32
      %add3A_501 = arith.addi %mul3A_0, %add3A_500 : i32
      %add3A_502 = arith.addi %add3A_501, %add3A_443 : i32
      %add3A_503 = arith.constant 3 : i32
      %add3A_504 = arith.addi %add3A_502, %add3A_503 : i32
      %dma_start3A_505 = arith.constant 0 : i32
      %dma_start3A_506 = tpu.memref_slice %arg3[%add3A_504, %dma_start3A_505] : memref<4352x64xf32, #tpu.memory_space<hbm>> -> memref<1x64xf32, #tpu.memory_space<hbm>>
      %dma_start3A_507 = tpu.memref_squeeze %dma_start3A_506 : memref<1x64xf32, #tpu.memory_space<hbm>> -> memref<64xf32, #tpu.memory_space<hbm>>
      %dma_start3A_508 = arith.constant 0 : i32
      %dma_start3A_509 = tpu.memref_slice %arg1[%get3A_499, %dma_start3A_508] : memref<524288x64xf32, #tpu.memory_space<hbm>> -> memref<1x64xf32, #tpu.memory_space<hbm>>
      %dma_start3A_510 = tpu.memref_squeeze %dma_start3A_509 : memref<1x64xf32, #tpu.memory_space<hbm>> -> memref<64xf32, #tpu.memory_space<hbm>>
      tpu.enqueue_dma source(%dma_start3A_510 : memref<64xf32, #tpu.memory_space<hbm>>) target(%dma_start3A_507 : memref<64xf32, #tpu.memory_space<hbm>>) target_semaphore(%arg7 : memref<!tpu.dma_semaphore, #tpu.memory_space<semaphore_mem>>)
    }
    %scan3A_214 = arith.constant 32 : i32
    %add3A_215 = arith.constant 1024 : i32
    %add3A_216 = arith.addi %mul3A_0, %add3A_215 : i32
    %add3A_217 = arith.constant 128 : i32
    %add3A_218 = arith.addi %add3A_216, %add3A_217 : i32
    %dma_start3A_219 = arith.constant 1 : i32
    %dma_start3A_220 = arith.constant 0 : i32
    %dma_start3A_221 = tpu.memref_slice %arg4[%dma_start3A_219, %dma_start3A_220] : memref<2x128xi32, #tpu.memory_space<smem>> -> memref<1x128xi32, #tpu.memory_space<smem>>
    %dma_start3A_222 = tpu.memref_squeeze %dma_start3A_221 : memref<1x128xi32, #tpu.memory_space<smem>> -> memref<128xi32, #tpu.memory_space<smem>>
    %dma_start3A_223 = tpu.memref_slice %arg2[%add3A_218] : memref<4352xi32, #tpu.memory_space<hbm>> -> memref<128xi32, #tpu.memory_space<hbm>>
    tpu.enqueue_dma source(%dma_start3A_223 : memref<128xi32, #tpu.memory_space<hbm>>) target(%dma_start3A_222 : memref<128xi32, #tpu.memory_space<smem>>) target_semaphore(%arg6 : memref<!tpu.dma_semaphore, #tpu.memory_space<semaphore_mem>>)
    %dma_start3A_224 = arith.constant 1 : i32
    %dma_start3A_225 = arith.constant 0 : i32
    %dma_start3A_226 = tpu.memref_slice %arg4[%dma_start3A_224, %dma_start3A_225] : memref<2x128xi32, #tpu.memory_space<smem>> -> memref<1x128xi32, #tpu.memory_space<smem>>
    %dma_start3A_227 = tpu.memref_squeeze %dma_start3A_226 : memref<1x128xi32, #tpu.memory_space<smem>> -> memref<128xi32, #tpu.memory_space<smem>>
    %dma_start3A_228 = tpu.memref_slice %arg2[%add3A_218] : memref<4352xi32, #tpu.memory_space<hbm>> -> memref<128xi32, #tpu.memory_space<hbm>>
    tpu.enqueue_dma source(%dma_start3A_228 : memref<128xi32, #tpu.memory_space<hbm>>) target(%dma_start3A_227 : memref<128xi32, #tpu.memory_space<smem>>) target_semaphore(%arg6 : memref<!tpu.dma_semaphore, #tpu.memory_space<semaphore_mem>>)
    %add3A_229 = arith.constant 1024 : i32
    %add3A_230 = arith.addi %mul3A_0, %add3A_229 : i32
    %dma_wait3A_231 = arith.constant 0 : i32
    %dma_wait3A_232 = arith.constant 0 : i32
    %dma_wait3A_233 = tpu.memref_slice %arg4[%dma_wait3A_231, %dma_wait3A_232] : memref<2x128xi32, #tpu.memory_space<smem>> -> memref<1x128xi32, #tpu.memory_space<smem>>
    %dma_wait3A_234 = tpu.memref_squeeze %dma_wait3A_233 : memref<1x128xi32, #tpu.memory_space<smem>> -> memref<128xi32, #tpu.memory_space<smem>>
    %dma_wait3A_235 = tpu.memref_slice %arg2[%add3A_230] : memref<4352xi32, #tpu.memory_space<hbm>> -> memref<128xi32, #tpu.memory_space<hbm>>
    tpu.wait_dma2 semaphore(%arg5 : memref<!tpu.dma_semaphore, #tpu.memory_space<semaphore_mem>>) src(%dma_wait3A_235 : memref<128xi32, #tpu.memory_space<hbm>>) dst(%dma_wait3A_234 : memref<128xi32, #tpu.memory_space<smem>>)
    %scan3A_236 = arith.constant 0 : i32
    %scan3A_237 = arith.constant 32 : i32
    %scan3A_238 = arith.addi %scan3A_236, %scan3A_237 : i32
    %scan3A_239 = arith.constant 1 : i32
    scf.for %scan3A_439 = %scan3A_236 to %scan3A_238 step %scan3A_239  : i32 {
      %mul3A_440 = arith.constant 4 : i32
      %mul3A_441 = arith.muli %scan3A_439, %mul3A_440 : i32
      %add3A_442 = arith.constant 0 : i32
      %add3A_443 = arith.addi %add3A_442, %mul3A_441 : i32
      %add3A_444 = arith.constant 0 : i32
      %add3A_445 = arith.addi %add3A_443, %add3A_444 : i32
      %get3A = arith.constant 0 : i32
      %get3A_446 = arith.index_cast %get3A : i32 to index
      %get3A_447 = arith.index_cast %add3A_445 : i32 to index
      %get3A_448 = memref.load %arg4[%get3A_446, %get3A_447] : memref<2x128xi32, #tpu.memory_space<smem>>
      %add3A_449 = arith.constant 1024 : i32
      %add3A_450 = arith.addi %mul3A_0, %add3A_449 : i32
      %add3A_451 = arith.addi %add3A_450, %add3A_443 : i32
      %add3A_452 = arith.constant 0 : i32
      %add3A_453 = arith.addi %add3A_451, %add3A_452 : i32
      %dma_start3A_454 = arith.constant 0 : i32
      %dma_start3A_455 = tpu.memref_slice %arg3[%add3A_453, %dma_start3A_454] : memref<4352x64xf32, #tpu.memory_space<hbm>> -> memref<1x64xf32, #tpu.memory_space<hbm>>
      %dma_start3A_456 = tpu.memref_squeeze %dma_start3A_455 : memref<1x64xf32, #tpu.memory_space<hbm>> -> memref<64xf32, #tpu.memory_space<hbm>>
      %dma_start3A_457 = arith.constant 0 : i32
      %dma_start3A_458 = tpu.memref_slice %arg1[%get3A_448, %dma_start3A_457] : memref<524288x64xf32, #tpu.memory_space<hbm>> -> memref<1x64xf32, #tpu.memory_space<hbm>>
      %dma_start3A_459 = tpu.memref_squeeze %dma_start3A_458 : memref<1x64xf32, #tpu.memory_space<hbm>> -> memref<64xf32, #tpu.memory_space<hbm>>
      tpu.enqueue_dma source(%dma_start3A_459 : memref<64xf32, #tpu.memory_space<hbm>>) target(%dma_start3A_456 : memref<64xf32, #tpu.memory_space<hbm>>) target_semaphore(%arg7 : memref<!tpu.dma_semaphore, #tpu.memory_space<semaphore_mem>>)
      %add3A_460 = arith.constant 1 : i32
      %add3A_461 = arith.addi %add3A_443, %add3A_460 : i32
      %get3A_462 = arith.constant 0 : i32
      %get3A_463 = arith.index_cast %get3A_462 : i32 to index
      %get3A_464 = arith.index_cast %add3A_461 : i32 to index
      %get3A_465 = memref.load %arg4[%get3A_463, %get3A_464] : memref<2x128xi32, #tpu.memory_space<smem>>
      %add3A_466 = arith.constant 1024 : i32
      %add3A_467 = arith.addi %mul3A_0, %add3A_466 : i32
      %add3A_468 = arith.addi %add3A_467, %add3A_443 : i32
      %add3A_469 = arith.constant 1 : i32
      %add3A_470 = arith.addi %add3A_468, %add3A_469 : i32
      %dma_start3A_471 = arith.constant 0 : i32
      %dma_start3A_472 = tpu.memref_slice %arg3[%add3A_470, %dma_start3A_471] : memref<4352x64xf32, #tpu.memory_space<hbm>> -> memref<1x64xf32, #tpu.memory_space<hbm>>
      %dma_start3A_473 = tpu.memref_squeeze %dma_start3A_472 : memref<1x64xf32, #tpu.memory_space<hbm>> -> memref<64xf32, #tpu.memory_space<hbm>>
      %dma_start3A_474 = arith.constant 0 : i32
      %dma_start3A_475 = tpu.memref_slice %arg1[%get3A_465, %dma_start3A_474] : memref<524288x64xf32, #tpu.memory_space<hbm>> -> memref<1x64xf32, #tpu.memory_space<hbm>>
      %dma_start3A_476 = tpu.memref_squeeze %dma_start3A_475 : memref<1x64xf32, #tpu.memory_space<hbm>> -> memref<64xf32, #tpu.memory_space<hbm>>
      tpu.enqueue_dma source(%dma_start3A_476 : memref<64xf32, #tpu.memory_space<hbm>>) target(%dma_start3A_473 : memref<64xf32, #tpu.memory_space<hbm>>) target_semaphore(%arg7 : memref<!tpu.dma_semaphore, #tpu.memory_space<semaphore_mem>>)
      %add3A_477 = arith.constant 2 : i32
      %add3A_478 = arith.addi %add3A_443, %add3A_477 : i32
      %get3A_479 = arith.constant 0 : i32
      %get3A_480 = arith.index_cast %get3A_479 : i32 to index
      %get3A_481 = arith.index_cast %add3A_478 : i32 to index
      %get3A_482 = memref.load %arg4[%get3A_480, %get3A_481] : memref<2x128xi32, #tpu.memory_space<smem>>
      %add3A_483 = arith.constant 1024 : i32
      %add3A_484 = arith.addi %mul3A_0, %add3A_483 : i32
      %add3A_485 = arith.addi %add3A_484, %add3A_443 : i32
      %add3A_486 = arith.constant 2 : i32
      %add3A_487 = arith.addi %add3A_485, %add3A_486 : i32
      %dma_start3A_488 = arith.constant 0 : i32
      %dma_start3A_489 = tpu.memref_slice %arg3[%add3A_487, %dma_start3A_488] : memref<4352x64xf32, #tpu.memory_space<hbm>> -> memref<1x64xf32, #tpu.memory_space<hbm>>
      %dma_start3A_490 = tpu.memref_squeeze %dma_start3A_489 : memref<1x64xf32, #tpu.memory_space<hbm>> -> memref<64xf32, #tpu.memory_space<hbm>>
      %dma_start3A_491 = arith.constant 0 : i32
      %dma_start3A_492 = tpu.memref_slice %arg1[%get3A_482, %dma_start3A_491] : memref<524288x64xf32, #tpu.memory_space<hbm>> -> memref<1x64xf32, #tpu.memory_space<hbm>>
      %dma_start3A_493 = tpu.memref_squeeze %dma_start3A_492 : memref<1x64xf32, #tpu.memory_space<hbm>> -> memref<64xf32, #tpu.memory_space<hbm>>
      tpu.enqueue_dma source(%dma_start3A_493 : memref<64xf32, #tpu.memory_space<hbm>>) target(%dma_start3A_490 : memref<64xf32, #tpu.memory_space<hbm>>) target_semaphore(%arg7 : memref<!tpu.dma_semaphore, #tpu.memory_space<semaphore_mem>>)
      %add3A_494 = arith.constant 3 : i32
      %add3A_495 = arith.addi %add3A_443, %add3A_494 : i32
      %get3A_496 = arith.constant 0 : i32
      %get3A_497 = arith.index_cast %get3A_496 : i32 to index
      %get3A_498 = arith.index_cast %add3A_495 : i32 to index
      %get3A_499 = memref.load %arg4[%get3A_497, %get3A_498] : memref<2x128xi32, #tpu.memory_space<smem>>
      %add3A_500 = arith.constant 1024 : i32
      %add3A_501 = arith.addi %mul3A_0, %add3A_500 : i32
      %add3A_502 = arith.addi %add3A_501, %add3A_443 : i32
      %add3A_503 = arith.constant 3 : i32
      %add3A_504 = arith.addi %add3A_502, %add3A_503 : i32
      %dma_start3A_505 = arith.constant 0 : i32
      %dma_start3A_506 = tpu.memref_slice %arg3[%add3A_504, %dma_start3A_505] : memref<4352x64xf32, #tpu.memory_space<hbm>> -> memref<1x64xf32, #tpu.memory_space<hbm>>
      %dma_start3A_507 = tpu.memref_squeeze %dma_start3A_506 : memref<1x64xf32, #tpu.memory_space<hbm>> -> memref<64xf32, #tpu.memory_space<hbm>>
      %dma_start3A_508 = arith.constant 0 : i32
      %dma_start3A_509 = tpu.memref_slice %arg1[%get3A_499, %dma_start3A_508] : memref<524288x64xf32, #tpu.memory_space<hbm>> -> memref<1x64xf32, #tpu.memory_space<hbm>>
      %dma_start3A_510 = tpu.memref_squeeze %dma_start3A_509 : memref<1x64xf32, #tpu.memory_space<hbm>> -> memref<64xf32, #tpu.memory_space<hbm>>
      tpu.enqueue_dma source(%dma_start3A_510 : memref<64xf32, #tpu.memory_space<hbm>>) target(%dma_start3A_507 : memref<64xf32, #tpu.memory_space<hbm>>) target_semaphore(%arg7 : memref<!tpu.dma_semaphore, #tpu.memory_space<semaphore_mem>>)
    }
    %scan3A_240 = arith.constant 32 : i32
    %add3A_241 = arith.constant 1152 : i32
    %add3A_242 = arith.addi %mul3A_0, %add3A_241 : i32
    %add3A_243 = arith.constant 128 : i32
    %add3A_244 = arith.addi %add3A_242, %add3A_243 : i32
    %dma_start3A_245 = arith.constant 0 : i32
    %dma_start3A_246 = arith.constant 0 : i32
    %dma_start3A_247 = tpu.memref_slice %arg4[%dma_start3A_245, %dma_start3A_246] : memref<2x128xi32, #tpu.memory_space<smem>> -> memref<1x128xi32, #tpu.memory_space<smem>>
    %dma_start3A_248 = tpu.memref_squeeze %dma_start3A_247 : memref<1x128xi32, #tpu.memory_space<smem>> -> memref<128xi32, #tpu.memory_space<smem>>
    %dma_start3A_249 = tpu.memref_slice %arg2[%add3A_244] : memref<4352xi32, #tpu.memory_space<hbm>> -> memref<128xi32, #tpu.memory_space<hbm>>
    tpu.enqueue_dma source(%dma_start3A_249 : memref<128xi32, #tpu.memory_space<hbm>>) target(%dma_start3A_248 : memref<128xi32, #tpu.memory_space<smem>>) target_semaphore(%arg5 : memref<!tpu.dma_semaphore, #tpu.memory_space<semaphore_mem>>)
    %dma_start3A_250 = arith.constant 0 : i32
    %dma_start3A_251 = arith.constant 0 : i32
    %dma_start3A_252 = tpu.memref_slice %arg4[%dma_start3A_250, %dma_start3A_251] : memref<2x128xi32, #tpu.memory_space<smem>> -> memref<1x128xi32, #tpu.memory_space<smem>>
    %dma_start3A_253 = tpu.memref_squeeze %dma_start3A_252 : memref<1x128xi32, #tpu.memory_space<smem>> -> memref<128xi32, #tpu.memory_space<smem>>
    %dma_start3A_254 = tpu.memref_slice %arg2[%add3A_244] : memref<4352xi32, #tpu.memory_space<hbm>> -> memref<128xi32, #tpu.memory_space<hbm>>
    tpu.enqueue_dma source(%dma_start3A_254 : memref<128xi32, #tpu.memory_space<hbm>>) target(%dma_start3A_253 : memref<128xi32, #tpu.memory_space<smem>>) target_semaphore(%arg5 : memref<!tpu.dma_semaphore, #tpu.memory_space<semaphore_mem>>)
    %add3A_255 = arith.constant 1152 : i32
    %add3A_256 = arith.addi %mul3A_0, %add3A_255 : i32
    %dma_wait3A_257 = arith.constant 1 : i32
    %dma_wait3A_258 = arith.constant 0 : i32
    %dma_wait3A_259 = tpu.memref_slice %arg4[%dma_wait3A_257, %dma_wait3A_258] : memref<2x128xi32, #tpu.memory_space<smem>> -> memref<1x128xi32, #tpu.memory_space<smem>>
    %dma_wait3A_260 = tpu.memref_squeeze %dma_wait3A_259 : memref<1x128xi32, #tpu.memory_space<smem>> -> memref<128xi32, #tpu.memory_space<smem>>
    %dma_wait3A_261 = tpu.memref_slice %arg2[%add3A_256] : memref<4352xi32, #tpu.memory_space<hbm>> -> memref<128xi32, #tpu.memory_space<hbm>>
    tpu.wait_dma2 semaphore(%arg6 : memref<!tpu.dma_semaphore, #tpu.memory_space<semaphore_mem>>) src(%dma_wait3A_261 : memref<128xi32, #tpu.memory_space<hbm>>) dst(%dma_wait3A_260 : memref<128xi32, #tpu.memory_space<smem>>)
    %scan3A_262 = arith.constant 0 : i32
    %scan3A_263 = arith.constant 32 : i32
    %scan3A_264 = arith.addi %scan3A_262, %scan3A_263 : i32
    %scan3A_265 = arith.constant 1 : i32
    scf.for %scan3A_439 = %scan3A_262 to %scan3A_264 step %scan3A_265  : i32 {
      %mul3A_440 = arith.constant 4 : i32
      %mul3A_441 = arith.muli %scan3A_439, %mul3A_440 : i32
      %add3A_442 = arith.constant 0 : i32
      %add3A_443 = arith.addi %add3A_442, %mul3A_441 : i32
      %add3A_444 = arith.constant 0 : i32
      %add3A_445 = arith.addi %add3A_443, %add3A_444 : i32
      %get3A = arith.constant 1 : i32
      %get3A_446 = arith.index_cast %get3A : i32 to index
      %get3A_447 = arith.index_cast %add3A_445 : i32 to index
      %get3A_448 = memref.load %arg4[%get3A_446, %get3A_447] : memref<2x128xi32, #tpu.memory_space<smem>>
      %add3A_449 = arith.constant 1152 : i32
      %add3A_450 = arith.addi %mul3A_0, %add3A_449 : i32
      %add3A_451 = arith.addi %add3A_450, %add3A_443 : i32
      %add3A_452 = arith.constant 0 : i32
      %add3A_453 = arith.addi %add3A_451, %add3A_452 : i32
      %dma_start3A_454 = arith.constant 0 : i32
      %dma_start3A_455 = tpu.memref_slice %arg3[%add3A_453, %dma_start3A_454] : memref<4352x64xf32, #tpu.memory_space<hbm>> -> memref<1x64xf32, #tpu.memory_space<hbm>>
      %dma_start3A_456 = tpu.memref_squeeze %dma_start3A_455 : memref<1x64xf32, #tpu.memory_space<hbm>> -> memref<64xf32, #tpu.memory_space<hbm>>
      %dma_start3A_457 = arith.constant 0 : i32
      %dma_start3A_458 = tpu.memref_slice %arg1[%get3A_448, %dma_start3A_457] : memref<524288x64xf32, #tpu.memory_space<hbm>> -> memref<1x64xf32, #tpu.memory_space<hbm>>
      %dma_start3A_459 = tpu.memref_squeeze %dma_start3A_458 : memref<1x64xf32, #tpu.memory_space<hbm>> -> memref<64xf32, #tpu.memory_space<hbm>>
      tpu.enqueue_dma source(%dma_start3A_459 : memref<64xf32, #tpu.memory_space<hbm>>) target(%dma_start3A_456 : memref<64xf32, #tpu.memory_space<hbm>>) target_semaphore(%arg7 : memref<!tpu.dma_semaphore, #tpu.memory_space<semaphore_mem>>)
      %add3A_460 = arith.constant 1 : i32
      %add3A_461 = arith.addi %add3A_443, %add3A_460 : i32
      %get3A_462 = arith.constant 1 : i32
      %get3A_463 = arith.index_cast %get3A_462 : i32 to index
      %get3A_464 = arith.index_cast %add3A_461 : i32 to index
      %get3A_465 = memref.load %arg4[%get3A_463, %get3A_464] : memref<2x128xi32, #tpu.memory_space<smem>>
      %add3A_466 = arith.constant 1152 : i32
      %add3A_467 = arith.addi %mul3A_0, %add3A_466 : i32
      %add3A_468 = arith.addi %add3A_467, %add3A_443 : i32
      %add3A_469 = arith.constant 1 : i32
      %add3A_470 = arith.addi %add3A_468, %add3A_469 : i32
      %dma_start3A_471 = arith.constant 0 : i32
      %dma_start3A_472 = tpu.memref_slice %arg3[%add3A_470, %dma_start3A_471] : memref<4352x64xf32, #tpu.memory_space<hbm>> -> memref<1x64xf32, #tpu.memory_space<hbm>>
      %dma_start3A_473 = tpu.memref_squeeze %dma_start3A_472 : memref<1x64xf32, #tpu.memory_space<hbm>> -> memref<64xf32, #tpu.memory_space<hbm>>
      %dma_start3A_474 = arith.constant 0 : i32
      %dma_start3A_475 = tpu.memref_slice %arg1[%get3A_465, %dma_start3A_474] : memref<524288x64xf32, #tpu.memory_space<hbm>> -> memref<1x64xf32, #tpu.memory_space<hbm>>
      %dma_start3A_476 = tpu.memref_squeeze %dma_start3A_475 : memref<1x64xf32, #tpu.memory_space<hbm>> -> memref<64xf32, #tpu.memory_space<hbm>>
      tpu.enqueue_dma source(%dma_start3A_476 : memref<64xf32, #tpu.memory_space<hbm>>) target(%dma_start3A_473 : memref<64xf32, #tpu.memory_space<hbm>>) target_semaphore(%arg7 : memref<!tpu.dma_semaphore, #tpu.memory_space<semaphore_mem>>)
      %add3A_477 = arith.constant 2 : i32
      %add3A_478 = arith.addi %add3A_443, %add3A_477 : i32
      %get3A_479 = arith.constant 1 : i32
      %get3A_480 = arith.index_cast %get3A_479 : i32 to index
      %get3A_481 = arith.index_cast %add3A_478 : i32 to index
      %get3A_482 = memref.load %arg4[%get3A_480, %get3A_481] : memref<2x128xi32, #tpu.memory_space<smem>>
      %add3A_483 = arith.constant 1152 : i32
      %add3A_484 = arith.addi %mul3A_0, %add3A_483 : i32
      %add3A_485 = arith.addi %add3A_484, %add3A_443 : i32
      %add3A_486 = arith.constant 2 : i32
      %add3A_487 = arith.addi %add3A_485, %add3A_486 : i32
      %dma_start3A_488 = arith.constant 0 : i32
      %dma_start3A_489 = tpu.memref_slice %arg3[%add3A_487, %dma_start3A_488] : memref<4352x64xf32, #tpu.memory_space<hbm>> -> memref<1x64xf32, #tpu.memory_space<hbm>>
      %dma_start3A_490 = tpu.memref_squeeze %dma_start3A_489 : memref<1x64xf32, #tpu.memory_space<hbm>> -> memref<64xf32, #tpu.memory_space<hbm>>
      %dma_start3A_491 = arith.constant 0 : i32
      %dma_start3A_492 = tpu.memref_slice %arg1[%get3A_482, %dma_start3A_491] : memref<524288x64xf32, #tpu.memory_space<hbm>> -> memref<1x64xf32, #tpu.memory_space<hbm>>
      %dma_start3A_493 = tpu.memref_squeeze %dma_start3A_492 : memref<1x64xf32, #tpu.memory_space<hbm>> -> memref<64xf32, #tpu.memory_space<hbm>>
      tpu.enqueue_dma source(%dma_start3A_493 : memref<64xf32, #tpu.memory_space<hbm>>) target(%dma_start3A_490 : memref<64xf32, #tpu.memory_space<hbm>>) target_semaphore(%arg7 : memref<!tpu.dma_semaphore, #tpu.memory_space<semaphore_mem>>)
      %add3A_494 = arith.constant 3 : i32
      %add3A_495 = arith.addi %add3A_443, %add3A_494 : i32
      %get3A_496 = arith.constant 1 : i32
      %get3A_497 = arith.index_cast %get3A_496 : i32 to index
      %get3A_498 = arith.index_cast %add3A_495 : i32 to index
      %get3A_499 = memref.load %arg4[%get3A_497, %get3A_498] : memref<2x128xi32, #tpu.memory_space<smem>>
      %add3A_500 = arith.constant 1152 : i32
      %add3A_501 = arith.addi %mul3A_0, %add3A_500 : i32
      %add3A_502 = arith.addi %add3A_501, %add3A_443 : i32
      %add3A_503 = arith.constant 3 : i32
      %add3A_504 = arith.addi %add3A_502, %add3A_503 : i32
      %dma_start3A_505 = arith.constant 0 : i32
      %dma_start3A_506 = tpu.memref_slice %arg3[%add3A_504, %dma_start3A_505] : memref<4352x64xf32, #tpu.memory_space<hbm>> -> memref<1x64xf32, #tpu.memory_space<hbm>>
      %dma_start3A_507 = tpu.memref_squeeze %dma_start3A_506 : memref<1x64xf32, #tpu.memory_space<hbm>> -> memref<64xf32, #tpu.memory_space<hbm>>
      %dma_start3A_508 = arith.constant 0 : i32
      %dma_start3A_509 = tpu.memref_slice %arg1[%get3A_499, %dma_start3A_508] : memref<524288x64xf32, #tpu.memory_space<hbm>> -> memref<1x64xf32, #tpu.memory_space<hbm>>
      %dma_start3A_510 = tpu.memref_squeeze %dma_start3A_509 : memref<1x64xf32, #tpu.memory_space<hbm>> -> memref<64xf32, #tpu.memory_space<hbm>>
      tpu.enqueue_dma source(%dma_start3A_510 : memref<64xf32, #tpu.memory_space<hbm>>) target(%dma_start3A_507 : memref<64xf32, #tpu.memory_space<hbm>>) target_semaphore(%arg7 : memref<!tpu.dma_semaphore, #tpu.memory_space<semaphore_mem>>)
    }
    %scan3A_266 = arith.constant 32 : i32
    %add3A_267 = arith.constant 1280 : i32
    %add3A_268 = arith.addi %mul3A_0, %add3A_267 : i32
    %add3A_269 = arith.constant 128 : i32
    %add3A_270 = arith.addi %add3A_268, %add3A_269 : i32
    %dma_start3A_271 = arith.constant 1 : i32
    %dma_start3A_272 = arith.constant 0 : i32
    %dma_start3A_273 = tpu.memref_slice %arg4[%dma_start3A_271, %dma_start3A_272] : memref<2x128xi32, #tpu.memory_space<smem>> -> memref<1x128xi32, #tpu.memory_space<smem>>
    %dma_start3A_274 = tpu.memref_squeeze %dma_start3A_273 : memref<1x128xi32, #tpu.memory_space<smem>> -> memref<128xi32, #tpu.memory_space<smem>>
    %dma_start3A_275 = tpu.memref_slice %arg2[%add3A_270] : memref<4352xi32, #tpu.memory_space<hbm>> -> memref<128xi32, #tpu.memory_space<hbm>>
    tpu.enqueue_dma source(%dma_start3A_275 : memref<128xi32, #tpu.memory_space<hbm>>) target(%dma_start3A_274 : memref<128xi32, #tpu.memory_space<smem>>) target_semaphore(%arg6 : memref<!tpu.dma_semaphore, #tpu.memory_space<semaphore_mem>>)
    %dma_start3A_276 = arith.constant 1 : i32
    %dma_start3A_277 = arith.constant 0 : i32
    %dma_start3A_278 = tpu.memref_slice %arg4[%dma_start3A_276, %dma_start3A_277] : memref<2x128xi32, #tpu.memory_space<smem>> -> memref<1x128xi32, #tpu.memory_space<smem>>
    %dma_start3A_279 = tpu.memref_squeeze %dma_start3A_278 : memref<1x128xi32, #tpu.memory_space<smem>> -> memref<128xi32, #tpu.memory_space<smem>>
    %dma_start3A_280 = tpu.memref_slice %arg2[%add3A_270] : memref<4352xi32, #tpu.memory_space<hbm>> -> memref<128xi32, #tpu.memory_space<hbm>>
    tpu.enqueue_dma source(%dma_start3A_280 : memref<128xi32, #tpu.memory_space<hbm>>) target(%dma_start3A_279 : memref<128xi32, #tpu.memory_space<smem>>) target_semaphore(%arg6 : memref<!tpu.dma_semaphore, #tpu.memory_space<semaphore_mem>>)
    %add3A_281 = arith.constant 1280 : i32
    %add3A_282 = arith.addi %mul3A_0, %add3A_281 : i32
    %dma_wait3A_283 = arith.constant 0 : i32
    %dma_wait3A_284 = arith.constant 0 : i32
    %dma_wait3A_285 = tpu.memref_slice %arg4[%dma_wait3A_283, %dma_wait3A_284] : memref<2x128xi32, #tpu.memory_space<smem>> -> memref<1x128xi32, #tpu.memory_space<smem>>
    %dma_wait3A_286 = tpu.memref_squeeze %dma_wait3A_285 : memref<1x128xi32, #tpu.memory_space<smem>> -> memref<128xi32, #tpu.memory_space<smem>>
    %dma_wait3A_287 = tpu.memref_slice %arg2[%add3A_282] : memref<4352xi32, #tpu.memory_space<hbm>> -> memref<128xi32, #tpu.memory_space<hbm>>
    tpu.wait_dma2 semaphore(%arg5 : memref<!tpu.dma_semaphore, #tpu.memory_space<semaphore_mem>>) src(%dma_wait3A_287 : memref<128xi32, #tpu.memory_space<hbm>>) dst(%dma_wait3A_286 : memref<128xi32, #tpu.memory_space<smem>>)
    %scan3A_288 = arith.constant 0 : i32
    %scan3A_289 = arith.constant 32 : i32
    %scan3A_290 = arith.addi %scan3A_288, %scan3A_289 : i32
    %scan3A_291 = arith.constant 1 : i32
    scf.for %scan3A_439 = %scan3A_288 to %scan3A_290 step %scan3A_291  : i32 {
      %mul3A_440 = arith.constant 4 : i32
      %mul3A_441 = arith.muli %scan3A_439, %mul3A_440 : i32
      %add3A_442 = arith.constant 0 : i32
      %add3A_443 = arith.addi %add3A_442, %mul3A_441 : i32
      %add3A_444 = arith.constant 0 : i32
      %add3A_445 = arith.addi %add3A_443, %add3A_444 : i32
      %get3A = arith.constant 0 : i32
      %get3A_446 = arith.index_cast %get3A : i32 to index
      %get3A_447 = arith.index_cast %add3A_445 : i32 to index
      %get3A_448 = memref.load %arg4[%get3A_446, %get3A_447] : memref<2x128xi32, #tpu.memory_space<smem>>
      %add3A_449 = arith.constant 1280 : i32
      %add3A_450 = arith.addi %mul3A_0, %add3A_449 : i32
      %add3A_451 = arith.addi %add3A_450, %add3A_443 : i32
      %add3A_452 = arith.constant 0 : i32
      %add3A_453 = arith.addi %add3A_451, %add3A_452 : i32
      %dma_start3A_454 = arith.constant 0 : i32
      %dma_start3A_455 = tpu.memref_slice %arg3[%add3A_453, %dma_start3A_454] : memref<4352x64xf32, #tpu.memory_space<hbm>> -> memref<1x64xf32, #tpu.memory_space<hbm>>
      %dma_start3A_456 = tpu.memref_squeeze %dma_start3A_455 : memref<1x64xf32, #tpu.memory_space<hbm>> -> memref<64xf32, #tpu.memory_space<hbm>>
      %dma_start3A_457 = arith.constant 0 : i32
      %dma_start3A_458 = tpu.memref_slice %arg1[%get3A_448, %dma_start3A_457] : memref<524288x64xf32, #tpu.memory_space<hbm>> -> memref<1x64xf32, #tpu.memory_space<hbm>>
      %dma_start3A_459 = tpu.memref_squeeze %dma_start3A_458 : memref<1x64xf32, #tpu.memory_space<hbm>> -> memref<64xf32, #tpu.memory_space<hbm>>
      tpu.enqueue_dma source(%dma_start3A_459 : memref<64xf32, #tpu.memory_space<hbm>>) target(%dma_start3A_456 : memref<64xf32, #tpu.memory_space<hbm>>) target_semaphore(%arg7 : memref<!tpu.dma_semaphore, #tpu.memory_space<semaphore_mem>>)
      %add3A_460 = arith.constant 1 : i32
      %add3A_461 = arith.addi %add3A_443, %add3A_460 : i32
      %get3A_462 = arith.constant 0 : i32
      %get3A_463 = arith.index_cast %get3A_462 : i32 to index
      %get3A_464 = arith.index_cast %add3A_461 : i32 to index
      %get3A_465 = memref.load %arg4[%get3A_463, %get3A_464] : memref<2x128xi32, #tpu.memory_space<smem>>
      %add3A_466 = arith.constant 1280 : i32
      %add3A_467 = arith.addi %mul3A_0, %add3A_466 : i32
      %add3A_468 = arith.addi %add3A_467, %add3A_443 : i32
      %add3A_469 = arith.constant 1 : i32
      %add3A_470 = arith.addi %add3A_468, %add3A_469 : i32
      %dma_start3A_471 = arith.constant 0 : i32
      %dma_start3A_472 = tpu.memref_slice %arg3[%add3A_470, %dma_start3A_471] : memref<4352x64xf32, #tpu.memory_space<hbm>> -> memref<1x64xf32, #tpu.memory_space<hbm>>
      %dma_start3A_473 = tpu.memref_squeeze %dma_start3A_472 : memref<1x64xf32, #tpu.memory_space<hbm>> -> memref<64xf32, #tpu.memory_space<hbm>>
      %dma_start3A_474 = arith.constant 0 : i32
      %dma_start3A_475 = tpu.memref_slice %arg1[%get3A_465, %dma_start3A_474] : memref<524288x64xf32, #tpu.memory_space<hbm>> -> memref<1x64xf32, #tpu.memory_space<hbm>>
      %dma_start3A_476 = tpu.memref_squeeze %dma_start3A_475 : memref<1x64xf32, #tpu.memory_space<hbm>> -> memref<64xf32, #tpu.memory_space<hbm>>
      tpu.enqueue_dma source(%dma_start3A_476 : memref<64xf32, #tpu.memory_space<hbm>>) target(%dma_start3A_473 : memref<64xf32, #tpu.memory_space<hbm>>) target_semaphore(%arg7 : memref<!tpu.dma_semaphore, #tpu.memory_space<semaphore_mem>>)
      %add3A_477 = arith.constant 2 : i32
      %add3A_478 = arith.addi %add3A_443, %add3A_477 : i32
      %get3A_479 = arith.constant 0 : i32
      %get3A_480 = arith.index_cast %get3A_479 : i32 to index
      %get3A_481 = arith.index_cast %add3A_478 : i32 to index
      %get3A_482 = memref.load %arg4[%get3A_480, %get3A_481] : memref<2x128xi32, #tpu.memory_space<smem>>
      %add3A_483 = arith.constant 1280 : i32
      %add3A_484 = arith.addi %mul3A_0, %add3A_483 : i32
      %add3A_485 = arith.addi %add3A_484, %add3A_443 : i32
      %add3A_486 = arith.constant 2 : i32
      %add3A_487 = arith.addi %add3A_485, %add3A_486 : i32
      %dma_start3A_488 = arith.constant 0 : i32
      %dma_start3A_489 = tpu.memref_slice %arg3[%add3A_487, %dma_start3A_488] : memref<4352x64xf32, #tpu.memory_space<hbm>> -> memref<1x64xf32, #tpu.memory_space<hbm>>
      %dma_start3A_490 = tpu.memref_squeeze %dma_start3A_489 : memref<1x64xf32, #tpu.memory_space<hbm>> -> memref<64xf32, #tpu.memory_space<hbm>>
      %dma_start3A_491 = arith.constant 0 : i32
      %dma_start3A_492 = tpu.memref_slice %arg1[%get3A_482, %dma_start3A_491] : memref<524288x64xf32, #tpu.memory_space<hbm>> -> memref<1x64xf32, #tpu.memory_space<hbm>>
      %dma_start3A_493 = tpu.memref_squeeze %dma_start3A_492 : memref<1x64xf32, #tpu.memory_space<hbm>> -> memref<64xf32, #tpu.memory_space<hbm>>
      tpu.enqueue_dma source(%dma_start3A_493 : memref<64xf32, #tpu.memory_space<hbm>>) target(%dma_start3A_490 : memref<64xf32, #tpu.memory_space<hbm>>) target_semaphore(%arg7 : memref<!tpu.dma_semaphore, #tpu.memory_space<semaphore_mem>>)
      %add3A_494 = arith.constant 3 : i32
      %add3A_495 = arith.addi %add3A_443, %add3A_494 : i32
      %get3A_496 = arith.constant 0 : i32
      %get3A_497 = arith.index_cast %get3A_496 : i32 to index
      %get3A_498 = arith.index_cast %add3A_495 : i32 to index
      %get3A_499 = memref.load %arg4[%get3A_497, %get3A_498] : memref<2x128xi32, #tpu.memory_space<smem>>
      %add3A_500 = arith.constant 1280 : i32
      %add3A_501 = arith.addi %mul3A_0, %add3A_500 : i32
      %add3A_502 = arith.addi %add3A_501, %add3A_443 : i32
      %add3A_503 = arith.constant 3 : i32
      %add3A_504 = arith.addi %add3A_502, %add3A_503 : i32
      %dma_start3A_505 = arith.constant 0 : i32
      %dma_start3A_506 = tpu.memref_slice %arg3[%add3A_504, %dma_start3A_505] : memref<4352x64xf32, #tpu.memory_space<hbm>> -> memref<1x64xf32, #tpu.memory_space<hbm>>
      %dma_start3A_507 = tpu.memref_squeeze %dma_start3A_506 : memref<1x64xf32, #tpu.memory_space<hbm>> -> memref<64xf32, #tpu.memory_space<hbm>>
      %dma_start3A_508 = arith.constant 0 : i32
      %dma_start3A_509 = tpu.memref_slice %arg1[%get3A_499, %dma_start3A_508] : memref<524288x64xf32, #tpu.memory_space<hbm>> -> memref<1x64xf32, #tpu.memory_space<hbm>>
      %dma_start3A_510 = tpu.memref_squeeze %dma_start3A_509 : memref<1x64xf32, #tpu.memory_space<hbm>> -> memref<64xf32, #tpu.memory_space<hbm>>
      tpu.enqueue_dma source(%dma_start3A_510 : memref<64xf32, #tpu.memory_space<hbm>>) target(%dma_start3A_507 : memref<64xf32, #tpu.memory_space<hbm>>) target_semaphore(%arg7 : memref<!tpu.dma_semaphore, #tpu.memory_space<semaphore_mem>>)
    }
    %scan3A_292 = arith.constant 32 : i32
    %add3A_293 = arith.constant 1408 : i32
    %add3A_294 = arith.addi %mul3A_0, %add3A_293 : i32
    %add3A_295 = arith.constant 128 : i32
    %add3A_296 = arith.addi %add3A_294, %add3A_295 : i32
    %dma_start3A_297 = arith.constant 0 : i32
    %dma_start3A_298 = arith.constant 0 : i32
    %dma_start3A_299 = tpu.memref_slice %arg4[%dma_start3A_297, %dma_start3A_298] : memref<2x128xi32, #tpu.memory_space<smem>> -> memref<1x128xi32, #tpu.memory_space<smem>>
    %dma_start3A_300 = tpu.memref_squeeze %dma_start3A_299 : memref<1x128xi32, #tpu.memory_space<smem>> -> memref<128xi32, #tpu.memory_space<smem>>
    %dma_start3A_301 = tpu.memref_slice %arg2[%add3A_296] : memref<4352xi32, #tpu.memory_space<hbm>> -> memref<128xi32, #tpu.memory_space<hbm>>
    tpu.enqueue_dma source(%dma_start3A_301 : memref<128xi32, #tpu.memory_space<hbm>>) target(%dma_start3A_300 : memref<128xi32, #tpu.memory_space<smem>>) target_semaphore(%arg5 : memref<!tpu.dma_semaphore, #tpu.memory_space<semaphore_mem>>)
    %dma_start3A_302 = arith.constant 0 : i32
    %dma_start3A_303 = arith.constant 0 : i32
    %dma_start3A_304 = tpu.memref_slice %arg4[%dma_start3A_302, %dma_start3A_303] : memref<2x128xi32, #tpu.memory_space<smem>> -> memref<1x128xi32, #tpu.memory_space<smem>>
    %dma_start3A_305 = tpu.memref_squeeze %dma_start3A_304 : memref<1x128xi32, #tpu.memory_space<smem>> -> memref<128xi32, #tpu.memory_space<smem>>
    %dma_start3A_306 = tpu.memref_slice %arg2[%add3A_296] : memref<4352xi32, #tpu.memory_space<hbm>> -> memref<128xi32, #tpu.memory_space<hbm>>
    tpu.enqueue_dma source(%dma_start3A_306 : memref<128xi32, #tpu.memory_space<hbm>>) target(%dma_start3A_305 : memref<128xi32, #tpu.memory_space<smem>>) target_semaphore(%arg5 : memref<!tpu.dma_semaphore, #tpu.memory_space<semaphore_mem>>)
    %add3A_307 = arith.constant 1408 : i32
    %add3A_308 = arith.addi %mul3A_0, %add3A_307 : i32
    %dma_wait3A_309 = arith.constant 1 : i32
    %dma_wait3A_310 = arith.constant 0 : i32
    %dma_wait3A_311 = tpu.memref_slice %arg4[%dma_wait3A_309, %dma_wait3A_310] : memref<2x128xi32, #tpu.memory_space<smem>> -> memref<1x128xi32, #tpu.memory_space<smem>>
    %dma_wait3A_312 = tpu.memref_squeeze %dma_wait3A_311 : memref<1x128xi32, #tpu.memory_space<smem>> -> memref<128xi32, #tpu.memory_space<smem>>
    %dma_wait3A_313 = tpu.memref_slice %arg2[%add3A_308] : memref<4352xi32, #tpu.memory_space<hbm>> -> memref<128xi32, #tpu.memory_space<hbm>>
    tpu.wait_dma2 semaphore(%arg6 : memref<!tpu.dma_semaphore, #tpu.memory_space<semaphore_mem>>) src(%dma_wait3A_313 : memref<128xi32, #tpu.memory_space<hbm>>) dst(%dma_wait3A_312 : memref<128xi32, #tpu.memory_space<smem>>)
    %scan3A_314 = arith.constant 0 : i32
    %scan3A_315 = arith.constant 32 : i32
    %scan3A_316 = arith.addi %scan3A_314, %scan3A_315 : i32
    %scan3A_317 = arith.constant 1 : i32
    scf.for %scan3A_439 = %scan3A_314 to %scan3A_316 step %scan3A_317  : i32 {
      %mul3A_440 = arith.constant 4 : i32
      %mul3A_441 = arith.muli %scan3A_439, %mul3A_440 : i32
      %add3A_442 = arith.constant 0 : i32
      %add3A_443 = arith.addi %add3A_442, %mul3A_441 : i32
      %add3A_444 = arith.constant 0 : i32
      %add3A_445 = arith.addi %add3A_443, %add3A_444 : i32
      %get3A = arith.constant 1 : i32
      %get3A_446 = arith.index_cast %get3A : i32 to index
      %get3A_447 = arith.index_cast %add3A_445 : i32 to index
      %get3A_448 = memref.load %arg4[%get3A_446, %get3A_447] : memref<2x128xi32, #tpu.memory_space<smem>>
      %add3A_449 = arith.constant 1408 : i32
      %add3A_450 = arith.addi %mul3A_0, %add3A_449 : i32
      %add3A_451 = arith.addi %add3A_450, %add3A_443 : i32
      %add3A_452 = arith.constant 0 : i32
      %add3A_453 = arith.addi %add3A_451, %add3A_452 : i32
      %dma_start3A_454 = arith.constant 0 : i32
      %dma_start3A_455 = tpu.memref_slice %arg3[%add3A_453, %dma_start3A_454] : memref<4352x64xf32, #tpu.memory_space<hbm>> -> memref<1x64xf32, #tpu.memory_space<hbm>>
      %dma_start3A_456 = tpu.memref_squeeze %dma_start3A_455 : memref<1x64xf32, #tpu.memory_space<hbm>> -> memref<64xf32, #tpu.memory_space<hbm>>
      %dma_start3A_457 = arith.constant 0 : i32
      %dma_start3A_458 = tpu.memref_slice %arg1[%get3A_448, %dma_start3A_457] : memref<524288x64xf32, #tpu.memory_space<hbm>> -> memref<1x64xf32, #tpu.memory_space<hbm>>
      %dma_start3A_459 = tpu.memref_squeeze %dma_start3A_458 : memref<1x64xf32, #tpu.memory_space<hbm>> -> memref<64xf32, #tpu.memory_space<hbm>>
      tpu.enqueue_dma source(%dma_start3A_459 : memref<64xf32, #tpu.memory_space<hbm>>) target(%dma_start3A_456 : memref<64xf32, #tpu.memory_space<hbm>>) target_semaphore(%arg7 : memref<!tpu.dma_semaphore, #tpu.memory_space<semaphore_mem>>)
      %add3A_460 = arith.constant 1 : i32
      %add3A_461 = arith.addi %add3A_443, %add3A_460 : i32
      %get3A_462 = arith.constant 1 : i32
      %get3A_463 = arith.index_cast %get3A_462 : i32 to index
      %get3A_464 = arith.index_cast %add3A_461 : i32 to index
      %get3A_465 = memref.load %arg4[%get3A_463, %get3A_464] : memref<2x128xi32, #tpu.memory_space<smem>>
      %add3A_466 = arith.constant 1408 : i32
      %add3A_467 = arith.addi %mul3A_0, %add3A_466 : i32
      %add3A_468 = arith.addi %add3A_467, %add3A_443 : i32
      %add3A_469 = arith.constant 1 : i32
      %add3A_470 = arith.addi %add3A_468, %add3A_469 : i32
      %dma_start3A_471 = arith.constant 0 : i32
      %dma_start3A_472 = tpu.memref_slice %arg3[%add3A_470, %dma_start3A_471] : memref<4352x64xf32, #tpu.memory_space<hbm>> -> memref<1x64xf32, #tpu.memory_space<hbm>>
      %dma_start3A_473 = tpu.memref_squeeze %dma_start3A_472 : memref<1x64xf32, #tpu.memory_space<hbm>> -> memref<64xf32, #tpu.memory_space<hbm>>
      %dma_start3A_474 = arith.constant 0 : i32
      %dma_start3A_475 = tpu.memref_slice %arg1[%get3A_465, %dma_start3A_474] : memref<524288x64xf32, #tpu.memory_space<hbm>> -> memref<1x64xf32, #tpu.memory_space<hbm>>
      %dma_start3A_476 = tpu.memref_squeeze %dma_start3A_475 : memref<1x64xf32, #tpu.memory_space<hbm>> -> memref<64xf32, #tpu.memory_space<hbm>>
      tpu.enqueue_dma source(%dma_start3A_476 : memref<64xf32, #tpu.memory_space<hbm>>) target(%dma_start3A_473 : memref<64xf32, #tpu.memory_space<hbm>>) target_semaphore(%arg7 : memref<!tpu.dma_semaphore, #tpu.memory_space<semaphore_mem>>)
      %add3A_477 = arith.constant 2 : i32
      %add3A_478 = arith.addi %add3A_443, %add3A_477 : i32
      %get3A_479 = arith.constant 1 : i32
      %get3A_480 = arith.index_cast %get3A_479 : i32 to index
      %get3A_481 = arith.index_cast %add3A_478 : i32 to index
      %get3A_482 = memref.load %arg4[%get3A_480, %get3A_481] : memref<2x128xi32, #tpu.memory_space<smem>>
      %add3A_483 = arith.constant 1408 : i32
      %add3A_484 = arith.addi %mul3A_0, %add3A_483 : i32
      %add3A_485 = arith.addi %add3A_484, %add3A_443 : i32
      %add3A_486 = arith.constant 2 : i32
      %add3A_487 = arith.addi %add3A_485, %add3A_486 : i32
      %dma_start3A_488 = arith.constant 0 : i32
      %dma_start3A_489 = tpu.memref_slice %arg3[%add3A_487, %dma_start3A_488] : memref<4352x64xf32, #tpu.memory_space<hbm>> -> memref<1x64xf32, #tpu.memory_space<hbm>>
      %dma_start3A_490 = tpu.memref_squeeze %dma_start3A_489 : memref<1x64xf32, #tpu.memory_space<hbm>> -> memref<64xf32, #tpu.memory_space<hbm>>
      %dma_start3A_491 = arith.constant 0 : i32
      %dma_start3A_492 = tpu.memref_slice %arg1[%get3A_482, %dma_start3A_491] : memref<524288x64xf32, #tpu.memory_space<hbm>> -> memref<1x64xf32, #tpu.memory_space<hbm>>
      %dma_start3A_493 = tpu.memref_squeeze %dma_start3A_492 : memref<1x64xf32, #tpu.memory_space<hbm>> -> memref<64xf32, #tpu.memory_space<hbm>>
      tpu.enqueue_dma source(%dma_start3A_493 : memref<64xf32, #tpu.memory_space<hbm>>) target(%dma_start3A_490 : memref<64xf32, #tpu.memory_space<hbm>>) target_semaphore(%arg7 : memref<!tpu.dma_semaphore, #tpu.memory_space<semaphore_mem>>)
      %add3A_494 = arith.constant 3 : i32
      %add3A_495 = arith.addi %add3A_443, %add3A_494 : i32
      %get3A_496 = arith.constant 1 : i32
      %get3A_497 = arith.index_cast %get3A_496 : i32 to index
      %get3A_498 = arith.index_cast %add3A_495 : i32 to index
      %get3A_499 = memref.load %arg4[%get3A_497, %get3A_498] : memref<2x128xi32, #tpu.memory_space<smem>>
      %add3A_500 = arith.constant 1408 : i32
      %add3A_501 = arith.addi %mul3A_0, %add3A_500 : i32
      %add3A_502 = arith.addi %add3A_501, %add3A_443 : i32
      %add3A_503 = arith.constant 3 : i32
      %add3A_504 = arith.addi %add3A_502, %add3A_503 : i32
      %dma_start3A_505 = arith.constant 0 : i32
      %dma_start3A_506 = tpu.memref_slice %arg3[%add3A_504, %dma_start3A_505] : memref<4352x64xf32, #tpu.memory_space<hbm>> -> memref<1x64xf32, #tpu.memory_space<hbm>>
      %dma_start3A_507 = tpu.memref_squeeze %dma_start3A_506 : memref<1x64xf32, #tpu.memory_space<hbm>> -> memref<64xf32, #tpu.memory_space<hbm>>
      %dma_start3A_508 = arith.constant 0 : i32
      %dma_start3A_509 = tpu.memref_slice %arg1[%get3A_499, %dma_start3A_508] : memref<524288x64xf32, #tpu.memory_space<hbm>> -> memref<1x64xf32, #tpu.memory_space<hbm>>
      %dma_start3A_510 = tpu.memref_squeeze %dma_start3A_509 : memref<1x64xf32, #tpu.memory_space<hbm>> -> memref<64xf32, #tpu.memory_space<hbm>>
      tpu.enqueue_dma source(%dma_start3A_510 : memref<64xf32, #tpu.memory_space<hbm>>) target(%dma_start3A_507 : memref<64xf32, #tpu.memory_space<hbm>>) target_semaphore(%arg7 : memref<!tpu.dma_semaphore, #tpu.memory_space<semaphore_mem>>)
    }
    %scan3A_318 = arith.constant 32 : i32
    %add3A_319 = arith.constant 1536 : i32
    %add3A_320 = arith.addi %mul3A_0, %add3A_319 : i32
    %add3A_321 = arith.constant 128 : i32
    %add3A_322 = arith.addi %add3A_320, %add3A_321 : i32
    %dma_start3A_323 = arith.constant 1 : i32
    %dma_start3A_324 = arith.constant 0 : i32
    %dma_start3A_325 = tpu.memref_slice %arg4[%dma_start3A_323, %dma_start3A_324] : memref<2x128xi32, #tpu.memory_space<smem>> -> memref<1x128xi32, #tpu.memory_space<smem>>
    %dma_start3A_326 = tpu.memref_squeeze %dma_start3A_325 : memref<1x128xi32, #tpu.memory_space<smem>> -> memref<128xi32, #tpu.memory_space<smem>>
    %dma_start3A_327 = tpu.memref_slice %arg2[%add3A_322] : memref<4352xi32, #tpu.memory_space<hbm>> -> memref<128xi32, #tpu.memory_space<hbm>>
    tpu.enqueue_dma source(%dma_start3A_327 : memref<128xi32, #tpu.memory_space<hbm>>) target(%dma_start3A_326 : memref<128xi32, #tpu.memory_space<smem>>) target_semaphore(%arg6 : memref<!tpu.dma_semaphore, #tpu.memory_space<semaphore_mem>>)
    %dma_start3A_328 = arith.constant 1 : i32
    %dma_start3A_329 = arith.constant 0 : i32
    %dma_start3A_330 = tpu.memref_slice %arg4[%dma_start3A_328, %dma_start3A_329] : memref<2x128xi32, #tpu.memory_space<smem>> -> memref<1x128xi32, #tpu.memory_space<smem>>
    %dma_start3A_331 = tpu.memref_squeeze %dma_start3A_330 : memref<1x128xi32, #tpu.memory_space<smem>> -> memref<128xi32, #tpu.memory_space<smem>>
    %dma_start3A_332 = tpu.memref_slice %arg2[%add3A_322] : memref<4352xi32, #tpu.memory_space<hbm>> -> memref<128xi32, #tpu.memory_space<hbm>>
    tpu.enqueue_dma source(%dma_start3A_332 : memref<128xi32, #tpu.memory_space<hbm>>) target(%dma_start3A_331 : memref<128xi32, #tpu.memory_space<smem>>) target_semaphore(%arg6 : memref<!tpu.dma_semaphore, #tpu.memory_space<semaphore_mem>>)
    %add3A_333 = arith.constant 1536 : i32
    %add3A_334 = arith.addi %mul3A_0, %add3A_333 : i32
    %dma_wait3A_335 = arith.constant 0 : i32
    %dma_wait3A_336 = arith.constant 0 : i32
    %dma_wait3A_337 = tpu.memref_slice %arg4[%dma_wait3A_335, %dma_wait3A_336] : memref<2x128xi32, #tpu.memory_space<smem>> -> memref<1x128xi32, #tpu.memory_space<smem>>
    %dma_wait3A_338 = tpu.memref_squeeze %dma_wait3A_337 : memref<1x128xi32, #tpu.memory_space<smem>> -> memref<128xi32, #tpu.memory_space<smem>>
    %dma_wait3A_339 = tpu.memref_slice %arg2[%add3A_334] : memref<4352xi32, #tpu.memory_space<hbm>> -> memref<128xi32, #tpu.memory_space<hbm>>
    tpu.wait_dma2 semaphore(%arg5 : memref<!tpu.dma_semaphore, #tpu.memory_space<semaphore_mem>>) src(%dma_wait3A_339 : memref<128xi32, #tpu.memory_space<hbm>>) dst(%dma_wait3A_338 : memref<128xi32, #tpu.memory_space<smem>>)
    %scan3A_340 = arith.constant 0 : i32
    %scan3A_341 = arith.constant 32 : i32
    %scan3A_342 = arith.addi %scan3A_340, %scan3A_341 : i32
    %scan3A_343 = arith.constant 1 : i32
    scf.for %scan3A_439 = %scan3A_340 to %scan3A_342 step %scan3A_343  : i32 {
      %mul3A_440 = arith.constant 4 : i32
      %mul3A_441 = arith.muli %scan3A_439, %mul3A_440 : i32
      %add3A_442 = arith.constant 0 : i32
      %add3A_443 = arith.addi %add3A_442, %mul3A_441 : i32
      %add3A_444 = arith.constant 0 : i32
      %add3A_445 = arith.addi %add3A_443, %add3A_444 : i32
      %get3A = arith.constant 0 : i32
      %get3A_446 = arith.index_cast %get3A : i32 to index
      %get3A_447 = arith.index_cast %add3A_445 : i32 to index
      %get3A_448 = memref.load %arg4[%get3A_446, %get3A_447] : memref<2x128xi32, #tpu.memory_space<smem>>
      %add3A_449 = arith.constant 1536 : i32
      %add3A_450 = arith.addi %mul3A_0, %add3A_449 : i32
      %add3A_451 = arith.addi %add3A_450, %add3A_443 : i32
      %add3A_452 = arith.constant 0 : i32
      %add3A_453 = arith.addi %add3A_451, %add3A_452 : i32
      %dma_start3A_454 = arith.constant 0 : i32
      %dma_start3A_455 = tpu.memref_slice %arg3[%add3A_453, %dma_start3A_454] : memref<4352x64xf32, #tpu.memory_space<hbm>> -> memref<1x64xf32, #tpu.memory_space<hbm>>
      %dma_start3A_456 = tpu.memref_squeeze %dma_start3A_455 : memref<1x64xf32, #tpu.memory_space<hbm>> -> memref<64xf32, #tpu.memory_space<hbm>>
      %dma_start3A_457 = arith.constant 0 : i32
      %dma_start3A_458 = tpu.memref_slice %arg1[%get3A_448, %dma_start3A_457] : memref<524288x64xf32, #tpu.memory_space<hbm>> -> memref<1x64xf32, #tpu.memory_space<hbm>>
      %dma_start3A_459 = tpu.memref_squeeze %dma_start3A_458 : memref<1x64xf32, #tpu.memory_space<hbm>> -> memref<64xf32, #tpu.memory_space<hbm>>
      tpu.enqueue_dma source(%dma_start3A_459 : memref<64xf32, #tpu.memory_space<hbm>>) target(%dma_start3A_456 : memref<64xf32, #tpu.memory_space<hbm>>) target_semaphore(%arg7 : memref<!tpu.dma_semaphore, #tpu.memory_space<semaphore_mem>>)
      %add3A_460 = arith.constant 1 : i32
      %add3A_461 = arith.addi %add3A_443, %add3A_460 : i32
      %get3A_462 = arith.constant 0 : i32
      %get3A_463 = arith.index_cast %get3A_462 : i32 to index
      %get3A_464 = arith.index_cast %add3A_461 : i32 to index
      %get3A_465 = memref.load %arg4[%get3A_463, %get3A_464] : memref<2x128xi32, #tpu.memory_space<smem>>
      %add3A_466 = arith.constant 1536 : i32
      %add3A_467 = arith.addi %mul3A_0, %add3A_466 : i32
      %add3A_468 = arith.addi %add3A_467, %add3A_443 : i32
      %add3A_469 = arith.constant 1 : i32
      %add3A_470 = arith.addi %add3A_468, %add3A_469 : i32
      %dma_start3A_471 = arith.constant 0 : i32
      %dma_start3A_472 = tpu.memref_slice %arg3[%add3A_470, %dma_start3A_471] : memref<4352x64xf32, #tpu.memory_space<hbm>> -> memref<1x64xf32, #tpu.memory_space<hbm>>
      %dma_start3A_473 = tpu.memref_squeeze %dma_start3A_472 : memref<1x64xf32, #tpu.memory_space<hbm>> -> memref<64xf32, #tpu.memory_space<hbm>>
      %dma_start3A_474 = arith.constant 0 : i32
      %dma_start3A_475 = tpu.memref_slice %arg1[%get3A_465, %dma_start3A_474] : memref<524288x64xf32, #tpu.memory_space<hbm>> -> memref<1x64xf32, #tpu.memory_space<hbm>>
      %dma_start3A_476 = tpu.memref_squeeze %dma_start3A_475 : memref<1x64xf32, #tpu.memory_space<hbm>> -> memref<64xf32, #tpu.memory_space<hbm>>
      tpu.enqueue_dma source(%dma_start3A_476 : memref<64xf32, #tpu.memory_space<hbm>>) target(%dma_start3A_473 : memref<64xf32, #tpu.memory_space<hbm>>) target_semaphore(%arg7 : memref<!tpu.dma_semaphore, #tpu.memory_space<semaphore_mem>>)
      %add3A_477 = arith.constant 2 : i32
      %add3A_478 = arith.addi %add3A_443, %add3A_477 : i32
      %get3A_479 = arith.constant 0 : i32
      %get3A_480 = arith.index_cast %get3A_479 : i32 to index
      %get3A_481 = arith.index_cast %add3A_478 : i32 to index
      %get3A_482 = memref.load %arg4[%get3A_480, %get3A_481] : memref<2x128xi32, #tpu.memory_space<smem>>
      %add3A_483 = arith.constant 1536 : i32
      %add3A_484 = arith.addi %mul3A_0, %add3A_483 : i32
      %add3A_485 = arith.addi %add3A_484, %add3A_443 : i32
      %add3A_486 = arith.constant 2 : i32
      %add3A_487 = arith.addi %add3A_485, %add3A_486 : i32
      %dma_start3A_488 = arith.constant 0 : i32
      %dma_start3A_489 = tpu.memref_slice %arg3[%add3A_487, %dma_start3A_488] : memref<4352x64xf32, #tpu.memory_space<hbm>> -> memref<1x64xf32, #tpu.memory_space<hbm>>
      %dma_start3A_490 = tpu.memref_squeeze %dma_start3A_489 : memref<1x64xf32, #tpu.memory_space<hbm>> -> memref<64xf32, #tpu.memory_space<hbm>>
      %dma_start3A_491 = arith.constant 0 : i32
      %dma_start3A_492 = tpu.memref_slice %arg1[%get3A_482, %dma_start3A_491] : memref<524288x64xf32, #tpu.memory_space<hbm>> -> memref<1x64xf32, #tpu.memory_space<hbm>>
      %dma_start3A_493 = tpu.memref_squeeze %dma_start3A_492 : memref<1x64xf32, #tpu.memory_space<hbm>> -> memref<64xf32, #tpu.memory_space<hbm>>
      tpu.enqueue_dma source(%dma_start3A_493 : memref<64xf32, #tpu.memory_space<hbm>>) target(%dma_start3A_490 : memref<64xf32, #tpu.memory_space<hbm>>) target_semaphore(%arg7 : memref<!tpu.dma_semaphore, #tpu.memory_space<semaphore_mem>>)
      %add3A_494 = arith.constant 3 : i32
      %add3A_495 = arith.addi %add3A_443, %add3A_494 : i32
      %get3A_496 = arith.constant 0 : i32
      %get3A_497 = arith.index_cast %get3A_496 : i32 to index
      %get3A_498 = arith.index_cast %add3A_495 : i32 to index
      %get3A_499 = memref.load %arg4[%get3A_497, %get3A_498] : memref<2x128xi32, #tpu.memory_space<smem>>
      %add3A_500 = arith.constant 1536 : i32
      %add3A_501 = arith.addi %mul3A_0, %add3A_500 : i32
      %add3A_502 = arith.addi %add3A_501, %add3A_443 : i32
      %add3A_503 = arith.constant 3 : i32
      %add3A_504 = arith.addi %add3A_502, %add3A_503 : i32
      %dma_start3A_505 = arith.constant 0 : i32
      %dma_start3A_506 = tpu.memref_slice %arg3[%add3A_504, %dma_start3A_505] : memref<4352x64xf32, #tpu.memory_space<hbm>> -> memref<1x64xf32, #tpu.memory_space<hbm>>
      %dma_start3A_507 = tpu.memref_squeeze %dma_start3A_506 : memref<1x64xf32, #tpu.memory_space<hbm>> -> memref<64xf32, #tpu.memory_space<hbm>>
      %dma_start3A_508 = arith.constant 0 : i32
      %dma_start3A_509 = tpu.memref_slice %arg1[%get3A_499, %dma_start3A_508] : memref<524288x64xf32, #tpu.memory_space<hbm>> -> memref<1x64xf32, #tpu.memory_space<hbm>>
      %dma_start3A_510 = tpu.memref_squeeze %dma_start3A_509 : memref<1x64xf32, #tpu.memory_space<hbm>> -> memref<64xf32, #tpu.memory_space<hbm>>
      tpu.enqueue_dma source(%dma_start3A_510 : memref<64xf32, #tpu.memory_space<hbm>>) target(%dma_start3A_507 : memref<64xf32, #tpu.memory_space<hbm>>) target_semaphore(%arg7 : memref<!tpu.dma_semaphore, #tpu.memory_space<semaphore_mem>>)
    }
    %scan3A_344 = arith.constant 32 : i32
    %add3A_345 = arith.constant 1664 : i32
    %add3A_346 = arith.addi %mul3A_0, %add3A_345 : i32
    %add3A_347 = arith.constant 128 : i32
    %add3A_348 = arith.addi %add3A_346, %add3A_347 : i32
    %dma_start3A_349 = arith.constant 0 : i32
    %dma_start3A_350 = arith.constant 0 : i32
    %dma_start3A_351 = tpu.memref_slice %arg4[%dma_start3A_349, %dma_start3A_350] : memref<2x128xi32, #tpu.memory_space<smem>> -> memref<1x128xi32, #tpu.memory_space<smem>>
    %dma_start3A_352 = tpu.memref_squeeze %dma_start3A_351 : memref<1x128xi32, #tpu.memory_space<smem>> -> memref<128xi32, #tpu.memory_space<smem>>
    %dma_start3A_353 = tpu.memref_slice %arg2[%add3A_348] : memref<4352xi32, #tpu.memory_space<hbm>> -> memref<128xi32, #tpu.memory_space<hbm>>
    tpu.enqueue_dma source(%dma_start3A_353 : memref<128xi32, #tpu.memory_space<hbm>>) target(%dma_start3A_352 : memref<128xi32, #tpu.memory_space<smem>>) target_semaphore(%arg5 : memref<!tpu.dma_semaphore, #tpu.memory_space<semaphore_mem>>)
    %dma_start3A_354 = arith.constant 0 : i32
    %dma_start3A_355 = arith.constant 0 : i32
    %dma_start3A_356 = tpu.memref_slice %arg4[%dma_start3A_354, %dma_start3A_355] : memref<2x128xi32, #tpu.memory_space<smem>> -> memref<1x128xi32, #tpu.memory_space<smem>>
    %dma_start3A_357 = tpu.memref_squeeze %dma_start3A_356 : memref<1x128xi32, #tpu.memory_space<smem>> -> memref<128xi32, #tpu.memory_space<smem>>
    %dma_start3A_358 = tpu.memref_slice %arg2[%add3A_348] : memref<4352xi32, #tpu.memory_space<hbm>> -> memref<128xi32, #tpu.memory_space<hbm>>
    tpu.enqueue_dma source(%dma_start3A_358 : memref<128xi32, #tpu.memory_space<hbm>>) target(%dma_start3A_357 : memref<128xi32, #tpu.memory_space<smem>>) target_semaphore(%arg5 : memref<!tpu.dma_semaphore, #tpu.memory_space<semaphore_mem>>)
    %add3A_359 = arith.constant 1664 : i32
    %add3A_360 = arith.addi %mul3A_0, %add3A_359 : i32
    %dma_wait3A_361 = arith.constant 1 : i32
    %dma_wait3A_362 = arith.constant 0 : i32
    %dma_wait3A_363 = tpu.memref_slice %arg4[%dma_wait3A_361, %dma_wait3A_362] : memref<2x128xi32, #tpu.memory_space<smem>> -> memref<1x128xi32, #tpu.memory_space<smem>>
    %dma_wait3A_364 = tpu.memref_squeeze %dma_wait3A_363 : memref<1x128xi32, #tpu.memory_space<smem>> -> memref<128xi32, #tpu.memory_space<smem>>
    %dma_wait3A_365 = tpu.memref_slice %arg2[%add3A_360] : memref<4352xi32, #tpu.memory_space<hbm>> -> memref<128xi32, #tpu.memory_space<hbm>>
    tpu.wait_dma2 semaphore(%arg6 : memref<!tpu.dma_semaphore, #tpu.memory_space<semaphore_mem>>) src(%dma_wait3A_365 : memref<128xi32, #tpu.memory_space<hbm>>) dst(%dma_wait3A_364 : memref<128xi32, #tpu.memory_space<smem>>)
    %scan3A_366 = arith.constant 0 : i32
    %scan3A_367 = arith.constant 32 : i32
    %scan3A_368 = arith.addi %scan3A_366, %scan3A_367 : i32
    %scan3A_369 = arith.constant 1 : i32
    scf.for %scan3A_439 = %scan3A_366 to %scan3A_368 step %scan3A_369  : i32 {
      %mul3A_440 = arith.constant 4 : i32
      %mul3A_441 = arith.muli %scan3A_439, %mul3A_440 : i32
      %add3A_442 = arith.constant 0 : i32
      %add3A_443 = arith.addi %add3A_442, %mul3A_441 : i32
      %add3A_444 = arith.constant 0 : i32
      %add3A_445 = arith.addi %add3A_443, %add3A_444 : i32
      %get3A = arith.constant 1 : i32
      %get3A_446 = arith.index_cast %get3A : i32 to index
      %get3A_447 = arith.index_cast %add3A_445 : i32 to index
      %get3A_448 = memref.load %arg4[%get3A_446, %get3A_447] : memref<2x128xi32, #tpu.memory_space<smem>>
      %add3A_449 = arith.constant 1664 : i32
      %add3A_450 = arith.addi %mul3A_0, %add3A_449 : i32
      %add3A_451 = arith.addi %add3A_450, %add3A_443 : i32
      %add3A_452 = arith.constant 0 : i32
      %add3A_453 = arith.addi %add3A_451, %add3A_452 : i32
      %dma_start3A_454 = arith.constant 0 : i32
      %dma_start3A_455 = tpu.memref_slice %arg3[%add3A_453, %dma_start3A_454] : memref<4352x64xf32, #tpu.memory_space<hbm>> -> memref<1x64xf32, #tpu.memory_space<hbm>>
      %dma_start3A_456 = tpu.memref_squeeze %dma_start3A_455 : memref<1x64xf32, #tpu.memory_space<hbm>> -> memref<64xf32, #tpu.memory_space<hbm>>
      %dma_start3A_457 = arith.constant 0 : i32
      %dma_start3A_458 = tpu.memref_slice %arg1[%get3A_448, %dma_start3A_457] : memref<524288x64xf32, #tpu.memory_space<hbm>> -> memref<1x64xf32, #tpu.memory_space<hbm>>
      %dma_start3A_459 = tpu.memref_squeeze %dma_start3A_458 : memref<1x64xf32, #tpu.memory_space<hbm>> -> memref<64xf32, #tpu.memory_space<hbm>>
      tpu.enqueue_dma source(%dma_start3A_459 : memref<64xf32, #tpu.memory_space<hbm>>) target(%dma_start3A_456 : memref<64xf32, #tpu.memory_space<hbm>>) target_semaphore(%arg7 : memref<!tpu.dma_semaphore, #tpu.memory_space<semaphore_mem>>)
      %add3A_460 = arith.constant 1 : i32
      %add3A_461 = arith.addi %add3A_443, %add3A_460 : i32
      %get3A_462 = arith.constant 1 : i32
      %get3A_463 = arith.index_cast %get3A_462 : i32 to index
      %get3A_464 = arith.index_cast %add3A_461 : i32 to index
      %get3A_465 = memref.load %arg4[%get3A_463, %get3A_464] : memref<2x128xi32, #tpu.memory_space<smem>>
      %add3A_466 = arith.constant 1664 : i32
      %add3A_467 = arith.addi %mul3A_0, %add3A_466 : i32
      %add3A_468 = arith.addi %add3A_467, %add3A_443 : i32
      %add3A_469 = arith.constant 1 : i32
      %add3A_470 = arith.addi %add3A_468, %add3A_469 : i32
      %dma_start3A_471 = arith.constant 0 : i32
      %dma_start3A_472 = tpu.memref_slice %arg3[%add3A_470, %dma_start3A_471] : memref<4352x64xf32, #tpu.memory_space<hbm>> -> memref<1x64xf32, #tpu.memory_space<hbm>>
      %dma_start3A_473 = tpu.memref_squeeze %dma_start3A_472 : memref<1x64xf32, #tpu.memory_space<hbm>> -> memref<64xf32, #tpu.memory_space<hbm>>
      %dma_start3A_474 = arith.constant 0 : i32
      %dma_start3A_475 = tpu.memref_slice %arg1[%get3A_465, %dma_start3A_474] : memref<524288x64xf32, #tpu.memory_space<hbm>> -> memref<1x64xf32, #tpu.memory_space<hbm>>
      %dma_start3A_476 = tpu.memref_squeeze %dma_start3A_475 : memref<1x64xf32, #tpu.memory_space<hbm>> -> memref<64xf32, #tpu.memory_space<hbm>>
      tpu.enqueue_dma source(%dma_start3A_476 : memref<64xf32, #tpu.memory_space<hbm>>) target(%dma_start3A_473 : memref<64xf32, #tpu.memory_space<hbm>>) target_semaphore(%arg7 : memref<!tpu.dma_semaphore, #tpu.memory_space<semaphore_mem>>)
      %add3A_477 = arith.constant 2 : i32
      %add3A_478 = arith.addi %add3A_443, %add3A_477 : i32
      %get3A_479 = arith.constant 1 : i32
      %get3A_480 = arith.index_cast %get3A_479 : i32 to index
      %get3A_481 = arith.index_cast %add3A_478 : i32 to index
      %get3A_482 = memref.load %arg4[%get3A_480, %get3A_481] : memref<2x128xi32, #tpu.memory_space<smem>>
      %add3A_483 = arith.constant 1664 : i32
      %add3A_484 = arith.addi %mul3A_0, %add3A_483 : i32
      %add3A_485 = arith.addi %add3A_484, %add3A_443 : i32
      %add3A_486 = arith.constant 2 : i32
      %add3A_487 = arith.addi %add3A_485, %add3A_486 : i32
      %dma_start3A_488 = arith.constant 0 : i32
      %dma_start3A_489 = tpu.memref_slice %arg3[%add3A_487, %dma_start3A_488] : memref<4352x64xf32, #tpu.memory_space<hbm>> -> memref<1x64xf32, #tpu.memory_space<hbm>>
      %dma_start3A_490 = tpu.memref_squeeze %dma_start3A_489 : memref<1x64xf32, #tpu.memory_space<hbm>> -> memref<64xf32, #tpu.memory_space<hbm>>
      %dma_start3A_491 = arith.constant 0 : i32
      %dma_start3A_492 = tpu.memref_slice %arg1[%get3A_482, %dma_start3A_491] : memref<524288x64xf32, #tpu.memory_space<hbm>> -> memref<1x64xf32, #tpu.memory_space<hbm>>
      %dma_start3A_493 = tpu.memref_squeeze %dma_start3A_492 : memref<1x64xf32, #tpu.memory_space<hbm>> -> memref<64xf32, #tpu.memory_space<hbm>>
      tpu.enqueue_dma source(%dma_start3A_493 : memref<64xf32, #tpu.memory_space<hbm>>) target(%dma_start3A_490 : memref<64xf32, #tpu.memory_space<hbm>>) target_semaphore(%arg7 : memref<!tpu.dma_semaphore, #tpu.memory_space<semaphore_mem>>)
      %add3A_494 = arith.constant 3 : i32
      %add3A_495 = arith.addi %add3A_443, %add3A_494 : i32
      %get3A_496 = arith.constant 1 : i32
      %get3A_497 = arith.index_cast %get3A_496 : i32 to index
      %get3A_498 = arith.index_cast %add3A_495 : i32 to index
      %get3A_499 = memref.load %arg4[%get3A_497, %get3A_498] : memref<2x128xi32, #tpu.memory_space<smem>>
      %add3A_500 = arith.constant 1664 : i32
      %add3A_501 = arith.addi %mul3A_0, %add3A_500 : i32
      %add3A_502 = arith.addi %add3A_501, %add3A_443 : i32
      %add3A_503 = arith.constant 3 : i32
      %add3A_504 = arith.addi %add3A_502, %add3A_503 : i32
      %dma_start3A_505 = arith.constant 0 : i32
      %dma_start3A_506 = tpu.memref_slice %arg3[%add3A_504, %dma_start3A_505] : memref<4352x64xf32, #tpu.memory_space<hbm>> -> memref<1x64xf32, #tpu.memory_space<hbm>>
      %dma_start3A_507 = tpu.memref_squeeze %dma_start3A_506 : memref<1x64xf32, #tpu.memory_space<hbm>> -> memref<64xf32, #tpu.memory_space<hbm>>
      %dma_start3A_508 = arith.constant 0 : i32
      %dma_start3A_509 = tpu.memref_slice %arg1[%get3A_499, %dma_start3A_508] : memref<524288x64xf32, #tpu.memory_space<hbm>> -> memref<1x64xf32, #tpu.memory_space<hbm>>
      %dma_start3A_510 = tpu.memref_squeeze %dma_start3A_509 : memref<1x64xf32, #tpu.memory_space<hbm>> -> memref<64xf32, #tpu.memory_space<hbm>>
      tpu.enqueue_dma source(%dma_start3A_510 : memref<64xf32, #tpu.memory_space<hbm>>) target(%dma_start3A_507 : memref<64xf32, #tpu.memory_space<hbm>>) target_semaphore(%arg7 : memref<!tpu.dma_semaphore, #tpu.memory_space<semaphore_mem>>)
    }
    %scan3A_370 = arith.constant 32 : i32
    %add3A_371 = arith.constant 1792 : i32
    %add3A_372 = arith.addi %mul3A_0, %add3A_371 : i32
    %add3A_373 = arith.constant 128 : i32
    %add3A_374 = arith.addi %add3A_372, %add3A_373 : i32
    %dma_start3A_375 = arith.constant 1 : i32
    %dma_start3A_376 = arith.constant 0 : i32
    %dma_start3A_377 = tpu.memref_slice %arg4[%dma_start3A_375, %dma_start3A_376] : memref<2x128xi32, #tpu.memory_space<smem>> -> memref<1x128xi32, #tpu.memory_space<smem>>
    %dma_start3A_378 = tpu.memref_squeeze %dma_start3A_377 : memref<1x128xi32, #tpu.memory_space<smem>> -> memref<128xi32, #tpu.memory_space<smem>>
    %dma_start3A_379 = tpu.memref_slice %arg2[%add3A_374] : memref<4352xi32, #tpu.memory_space<hbm>> -> memref<128xi32, #tpu.memory_space<hbm>>
    tpu.enqueue_dma source(%dma_start3A_379 : memref<128xi32, #tpu.memory_space<hbm>>) target(%dma_start3A_378 : memref<128xi32, #tpu.memory_space<smem>>) target_semaphore(%arg6 : memref<!tpu.dma_semaphore, #tpu.memory_space<semaphore_mem>>)
    %dma_start3A_380 = arith.constant 1 : i32
    %dma_start3A_381 = arith.constant 0 : i32
    %dma_start3A_382 = tpu.memref_slice %arg4[%dma_start3A_380, %dma_start3A_381] : memref<2x128xi32, #tpu.memory_space<smem>> -> memref<1x128xi32, #tpu.memory_space<smem>>
    %dma_start3A_383 = tpu.memref_squeeze %dma_start3A_382 : memref<1x128xi32, #tpu.memory_space<smem>> -> memref<128xi32, #tpu.memory_space<smem>>
    %dma_start3A_384 = tpu.memref_slice %arg2[%add3A_374] : memref<4352xi32, #tpu.memory_space<hbm>> -> memref<128xi32, #tpu.memory_space<hbm>>
    tpu.enqueue_dma source(%dma_start3A_384 : memref<128xi32, #tpu.memory_space<hbm>>) target(%dma_start3A_383 : memref<128xi32, #tpu.memory_space<smem>>) target_semaphore(%arg6 : memref<!tpu.dma_semaphore, #tpu.memory_space<semaphore_mem>>)
    %add3A_385 = arith.constant 1792 : i32
    %add3A_386 = arith.addi %mul3A_0, %add3A_385 : i32
    %dma_wait3A_387 = arith.constant 0 : i32
    %dma_wait3A_388 = arith.constant 0 : i32
    %dma_wait3A_389 = tpu.memref_slice %arg4[%dma_wait3A_387, %dma_wait3A_388] : memref<2x128xi32, #tpu.memory_space<smem>> -> memref<1x128xi32, #tpu.memory_space<smem>>
    %dma_wait3A_390 = tpu.memref_squeeze %dma_wait3A_389 : memref<1x128xi32, #tpu.memory_space<smem>> -> memref<128xi32, #tpu.memory_space<smem>>
    %dma_wait3A_391 = tpu.memref_slice %arg2[%add3A_386] : memref<4352xi32, #tpu.memory_space<hbm>> -> memref<128xi32, #tpu.memory_space<hbm>>
    tpu.wait_dma2 semaphore(%arg5 : memref<!tpu.dma_semaphore, #tpu.memory_space<semaphore_mem>>) src(%dma_wait3A_391 : memref<128xi32, #tpu.memory_space<hbm>>) dst(%dma_wait3A_390 : memref<128xi32, #tpu.memory_space<smem>>)
    %scan3A_392 = arith.constant 0 : i32
    %scan3A_393 = arith.constant 32 : i32
    %scan3A_394 = arith.addi %scan3A_392, %scan3A_393 : i32
    %scan3A_395 = arith.constant 1 : i32
    scf.for %scan3A_439 = %scan3A_392 to %scan3A_394 step %scan3A_395  : i32 {
      %mul3A_440 = arith.constant 4 : i32
      %mul3A_441 = arith.muli %scan3A_439, %mul3A_440 : i32
      %add3A_442 = arith.constant 0 : i32
      %add3A_443 = arith.addi %add3A_442, %mul3A_441 : i32
      %add3A_444 = arith.constant 0 : i32
      %add3A_445 = arith.addi %add3A_443, %add3A_444 : i32
      %get3A = arith.constant 0 : i32
      %get3A_446 = arith.index_cast %get3A : i32 to index
      %get3A_447 = arith.index_cast %add3A_445 : i32 to index
      %get3A_448 = memref.load %arg4[%get3A_446, %get3A_447] : memref<2x128xi32, #tpu.memory_space<smem>>
      %add3A_449 = arith.constant 1792 : i32
      %add3A_450 = arith.addi %mul3A_0, %add3A_449 : i32
      %add3A_451 = arith.addi %add3A_450, %add3A_443 : i32
      %add3A_452 = arith.constant 0 : i32
      %add3A_453 = arith.addi %add3A_451, %add3A_452 : i32
      %dma_start3A_454 = arith.constant 0 : i32
      %dma_start3A_455 = tpu.memref_slice %arg3[%add3A_453, %dma_start3A_454] : memref<4352x64xf32, #tpu.memory_space<hbm>> -> memref<1x64xf32, #tpu.memory_space<hbm>>
      %dma_start3A_456 = tpu.memref_squeeze %dma_start3A_455 : memref<1x64xf32, #tpu.memory_space<hbm>> -> memref<64xf32, #tpu.memory_space<hbm>>
      %dma_start3A_457 = arith.constant 0 : i32
      %dma_start3A_458 = tpu.memref_slice %arg1[%get3A_448, %dma_start3A_457] : memref<524288x64xf32, #tpu.memory_space<hbm>> -> memref<1x64xf32, #tpu.memory_space<hbm>>
      %dma_start3A_459 = tpu.memref_squeeze %dma_start3A_458 : memref<1x64xf32, #tpu.memory_space<hbm>> -> memref<64xf32, #tpu.memory_space<hbm>>
      tpu.enqueue_dma source(%dma_start3A_459 : memref<64xf32, #tpu.memory_space<hbm>>) target(%dma_start3A_456 : memref<64xf32, #tpu.memory_space<hbm>>) target_semaphore(%arg7 : memref<!tpu.dma_semaphore, #tpu.memory_space<semaphore_mem>>)
      %add3A_460 = arith.constant 1 : i32
      %add3A_461 = arith.addi %add3A_443, %add3A_460 : i32
      %get3A_462 = arith.constant 0 : i32
      %get3A_463 = arith.index_cast %get3A_462 : i32 to index
      %get3A_464 = arith.index_cast %add3A_461 : i32 to index
      %get3A_465 = memref.load %arg4[%get3A_463, %get3A_464] : memref<2x128xi32, #tpu.memory_space<smem>>
      %add3A_466 = arith.constant 1792 : i32
      %add3A_467 = arith.addi %mul3A_0, %add3A_466 : i32
      %add3A_468 = arith.addi %add3A_467, %add3A_443 : i32
      %add3A_469 = arith.constant 1 : i32
      %add3A_470 = arith.addi %add3A_468, %add3A_469 : i32
      %dma_start3A_471 = arith.constant 0 : i32
      %dma_start3A_472 = tpu.memref_slice %arg3[%add3A_470, %dma_start3A_471] : memref<4352x64xf32, #tpu.memory_space<hbm>> -> memref<1x64xf32, #tpu.memory_space<hbm>>
      %dma_start3A_473 = tpu.memref_squeeze %dma_start3A_472 : memref<1x64xf32, #tpu.memory_space<hbm>> -> memref<64xf32, #tpu.memory_space<hbm>>
      %dma_start3A_474 = arith.constant 0 : i32
      %dma_start3A_475 = tpu.memref_slice %arg1[%get3A_465, %dma_start3A_474] : memref<524288x64xf32, #tpu.memory_space<hbm>> -> memref<1x64xf32, #tpu.memory_space<hbm>>
      %dma_start3A_476 = tpu.memref_squeeze %dma_start3A_475 : memref<1x64xf32, #tpu.memory_space<hbm>> -> memref<64xf32, #tpu.memory_space<hbm>>
      tpu.enqueue_dma source(%dma_start3A_476 : memref<64xf32, #tpu.memory_space<hbm>>) target(%dma_start3A_473 : memref<64xf32, #tpu.memory_space<hbm>>) target_semaphore(%arg7 : memref<!tpu.dma_semaphore, #tpu.memory_space<semaphore_mem>>)
      %add3A_477 = arith.constant 2 : i32
      %add3A_478 = arith.addi %add3A_443, %add3A_477 : i32
      %get3A_479 = arith.constant 0 : i32
      %get3A_480 = arith.index_cast %get3A_479 : i32 to index
      %get3A_481 = arith.index_cast %add3A_478 : i32 to index
      %get3A_482 = memref.load %arg4[%get3A_480, %get3A_481] : memref<2x128xi32, #tpu.memory_space<smem>>
      %add3A_483 = arith.constant 1792 : i32
      %add3A_484 = arith.addi %mul3A_0, %add3A_483 : i32
      %add3A_485 = arith.addi %add3A_484, %add3A_443 : i32
      %add3A_486 = arith.constant 2 : i32
      %add3A_487 = arith.addi %add3A_485, %add3A_486 : i32
      %dma_start3A_488 = arith.constant 0 : i32
      %dma_start3A_489 = tpu.memref_slice %arg3[%add3A_487, %dma_start3A_488] : memref<4352x64xf32, #tpu.memory_space<hbm>> -> memref<1x64xf32, #tpu.memory_space<hbm>>
      %dma_start3A_490 = tpu.memref_squeeze %dma_start3A_489 : memref<1x64xf32, #tpu.memory_space<hbm>> -> memref<64xf32, #tpu.memory_space<hbm>>
      %dma_start3A_491 = arith.constant 0 : i32
      %dma_start3A_492 = tpu.memref_slice %arg1[%get3A_482, %dma_start3A_491] : memref<524288x64xf32, #tpu.memory_space<hbm>> -> memref<1x64xf32, #tpu.memory_space<hbm>>
      %dma_start3A_493 = tpu.memref_squeeze %dma_start3A_492 : memref<1x64xf32, #tpu.memory_space<hbm>> -> memref<64xf32, #tpu.memory_space<hbm>>
      tpu.enqueue_dma source(%dma_start3A_493 : memref<64xf32, #tpu.memory_space<hbm>>) target(%dma_start3A_490 : memref<64xf32, #tpu.memory_space<hbm>>) target_semaphore(%arg7 : memref<!tpu.dma_semaphore, #tpu.memory_space<semaphore_mem>>)
      %add3A_494 = arith.constant 3 : i32
      %add3A_495 = arith.addi %add3A_443, %add3A_494 : i32
      %get3A_496 = arith.constant 0 : i32
      %get3A_497 = arith.index_cast %get3A_496 : i32 to index
      %get3A_498 = arith.index_cast %add3A_495 : i32 to index
      %get3A_499 = memref.load %arg4[%get3A_497, %get3A_498] : memref<2x128xi32, #tpu.memory_space<smem>>
      %add3A_500 = arith.constant 1792 : i32
      %add3A_501 = arith.addi %mul3A_0, %add3A_500 : i32
      %add3A_502 = arith.addi %add3A_501, %add3A_443 : i32
      %add3A_503 = arith.constant 3 : i32
      %add3A_504 = arith.addi %add3A_502, %add3A_503 : i32
      %dma_start3A_505 = arith.constant 0 : i32
      %dma_start3A_506 = tpu.memref_slice %arg3[%add3A_504, %dma_start3A_505] : memref<4352x64xf32, #tpu.memory_space<hbm>> -> memref<1x64xf32, #tpu.memory_space<hbm>>
      %dma_start3A_507 = tpu.memref_squeeze %dma_start3A_506 : memref<1x64xf32, #tpu.memory_space<hbm>> -> memref<64xf32, #tpu.memory_space<hbm>>
      %dma_start3A_508 = arith.constant 0 : i32
      %dma_start3A_509 = tpu.memref_slice %arg1[%get3A_499, %dma_start3A_508] : memref<524288x64xf32, #tpu.memory_space<hbm>> -> memref<1x64xf32, #tpu.memory_space<hbm>>
      %dma_start3A_510 = tpu.memref_squeeze %dma_start3A_509 : memref<1x64xf32, #tpu.memory_space<hbm>> -> memref<64xf32, #tpu.memory_space<hbm>>
      tpu.enqueue_dma source(%dma_start3A_510 : memref<64xf32, #tpu.memory_space<hbm>>) target(%dma_start3A_507 : memref<64xf32, #tpu.memory_space<hbm>>) target_semaphore(%arg7 : memref<!tpu.dma_semaphore, #tpu.memory_space<semaphore_mem>>)
    }
    %scan3A_396 = arith.constant 32 : i32
    %add3A_397 = arith.constant 1920 : i32
    %add3A_398 = arith.addi %mul3A_0, %add3A_397 : i32
    %add3A_399 = arith.constant 128 : i32
    %add3A_400 = arith.addi %add3A_398, %add3A_399 : i32
    %dma_start3A_401 = arith.constant 0 : i32
    %dma_start3A_402 = arith.constant 0 : i32
    %dma_start3A_403 = tpu.memref_slice %arg4[%dma_start3A_401, %dma_start3A_402] : memref<2x128xi32, #tpu.memory_space<smem>> -> memref<1x128xi32, #tpu.memory_space<smem>>
    %dma_start3A_404 = tpu.memref_squeeze %dma_start3A_403 : memref<1x128xi32, #tpu.memory_space<smem>> -> memref<128xi32, #tpu.memory_space<smem>>
    %dma_start3A_405 = tpu.memref_slice %arg2[%add3A_400] : memref<4352xi32, #tpu.memory_space<hbm>> -> memref<128xi32, #tpu.memory_space<hbm>>
    tpu.enqueue_dma source(%dma_start3A_405 : memref<128xi32, #tpu.memory_space<hbm>>) target(%dma_start3A_404 : memref<128xi32, #tpu.memory_space<smem>>) target_semaphore(%arg5 : memref<!tpu.dma_semaphore, #tpu.memory_space<semaphore_mem>>)
    %dma_start3A_406 = arith.constant 0 : i32
    %dma_start3A_407 = arith.constant 0 : i32
    %dma_start3A_408 = tpu.memref_slice %arg4[%dma_start3A_406, %dma_start3A_407] : memref<2x128xi32, #tpu.memory_space<smem>> -> memref<1x128xi32, #tpu.memory_space<smem>>
    %dma_start3A_409 = tpu.memref_squeeze %dma_start3A_408 : memref<1x128xi32, #tpu.memory_space<smem>> -> memref<128xi32, #tpu.memory_space<smem>>
    %dma_start3A_410 = tpu.memref_slice %arg2[%add3A_400] : memref<4352xi32, #tpu.memory_space<hbm>> -> memref<128xi32, #tpu.memory_space<hbm>>
    tpu.enqueue_dma source(%dma_start3A_410 : memref<128xi32, #tpu.memory_space<hbm>>) target(%dma_start3A_409 : memref<128xi32, #tpu.memory_space<smem>>) target_semaphore(%arg5 : memref<!tpu.dma_semaphore, #tpu.memory_space<semaphore_mem>>)
    %add3A_411 = arith.constant 1920 : i32
    %add3A_412 = arith.addi %mul3A_0, %add3A_411 : i32
    %dma_wait3A_413 = arith.constant 1 : i32
    %dma_wait3A_414 = arith.constant 0 : i32
    %dma_wait3A_415 = tpu.memref_slice %arg4[%dma_wait3A_413, %dma_wait3A_414] : memref<2x128xi32, #tpu.memory_space<smem>> -> memref<1x128xi32, #tpu.memory_space<smem>>
    %dma_wait3A_416 = tpu.memref_squeeze %dma_wait3A_415 : memref<1x128xi32, #tpu.memory_space<smem>> -> memref<128xi32, #tpu.memory_space<smem>>
    %dma_wait3A_417 = tpu.memref_slice %arg2[%add3A_412] : memref<4352xi32, #tpu.memory_space<hbm>> -> memref<128xi32, #tpu.memory_space<hbm>>
    tpu.wait_dma2 semaphore(%arg6 : memref<!tpu.dma_semaphore, #tpu.memory_space<semaphore_mem>>) src(%dma_wait3A_417 : memref<128xi32, #tpu.memory_space<hbm>>) dst(%dma_wait3A_416 : memref<128xi32, #tpu.memory_space<smem>>)
    %scan3A_418 = arith.constant 0 : i32
    %scan3A_419 = arith.constant 32 : i32
    %scan3A_420 = arith.addi %scan3A_418, %scan3A_419 : i32
    %scan3A_421 = arith.constant 1 : i32
    scf.for %scan3A_439 = %scan3A_418 to %scan3A_420 step %scan3A_421  : i32 {
      %mul3A_440 = arith.constant 4 : i32
      %mul3A_441 = arith.muli %scan3A_439, %mul3A_440 : i32
      %add3A_442 = arith.constant 0 : i32
      %add3A_443 = arith.addi %add3A_442, %mul3A_441 : i32
      %add3A_444 = arith.constant 0 : i32
      %add3A_445 = arith.addi %add3A_443, %add3A_444 : i32
      %get3A = arith.constant 1 : i32
      %get3A_446 = arith.index_cast %get3A : i32 to index
      %get3A_447 = arith.index_cast %add3A_445 : i32 to index
      %get3A_448 = memref.load %arg4[%get3A_446, %get3A_447] : memref<2x128xi32, #tpu.memory_space<smem>>
      %add3A_449 = arith.constant 1920 : i32
      %add3A_450 = arith.addi %mul3A_0, %add3A_449 : i32
      %add3A_451 = arith.addi %add3A_450, %add3A_443 : i32
      %add3A_452 = arith.constant 0 : i32
      %add3A_453 = arith.addi %add3A_451, %add3A_452 : i32
      %dma_start3A_454 = arith.constant 0 : i32
      %dma_start3A_455 = tpu.memref_slice %arg3[%add3A_453, %dma_start3A_454] : memref<4352x64xf32, #tpu.memory_space<hbm>> -> memref<1x64xf32, #tpu.memory_space<hbm>>
      %dma_start3A_456 = tpu.memref_squeeze %dma_start3A_455 : memref<1x64xf32, #tpu.memory_space<hbm>> -> memref<64xf32, #tpu.memory_space<hbm>>
      %dma_start3A_457 = arith.constant 0 : i32
      %dma_start3A_458 = tpu.memref_slice %arg1[%get3A_448, %dma_start3A_457] : memref<524288x64xf32, #tpu.memory_space<hbm>> -> memref<1x64xf32, #tpu.memory_space<hbm>>
      %dma_start3A_459 = tpu.memref_squeeze %dma_start3A_458 : memref<1x64xf32, #tpu.memory_space<hbm>> -> memref<64xf32, #tpu.memory_space<hbm>>
      tpu.enqueue_dma source(%dma_start3A_459 : memref<64xf32, #tpu.memory_space<hbm>>) target(%dma_start3A_456 : memref<64xf32, #tpu.memory_space<hbm>>) target_semaphore(%arg7 : memref<!tpu.dma_semaphore, #tpu.memory_space<semaphore_mem>>)
      %add3A_460 = arith.constant 1 : i32
      %add3A_461 = arith.addi %add3A_443, %add3A_460 : i32
      %get3A_462 = arith.constant 1 : i32
      %get3A_463 = arith.index_cast %get3A_462 : i32 to index
      %get3A_464 = arith.index_cast %add3A_461 : i32 to index
      %get3A_465 = memref.load %arg4[%get3A_463, %get3A_464] : memref<2x128xi32, #tpu.memory_space<smem>>
      %add3A_466 = arith.constant 1920 : i32
      %add3A_467 = arith.addi %mul3A_0, %add3A_466 : i32
      %add3A_468 = arith.addi %add3A_467, %add3A_443 : i32
      %add3A_469 = arith.constant 1 : i32
      %add3A_470 = arith.addi %add3A_468, %add3A_469 : i32
      %dma_start3A_471 = arith.constant 0 : i32
      %dma_start3A_472 = tpu.memref_slice %arg3[%add3A_470, %dma_start3A_471] : memref<4352x64xf32, #tpu.memory_space<hbm>> -> memref<1x64xf32, #tpu.memory_space<hbm>>
      %dma_start3A_473 = tpu.memref_squeeze %dma_start3A_472 : memref<1x64xf32, #tpu.memory_space<hbm>> -> memref<64xf32, #tpu.memory_space<hbm>>
      %dma_start3A_474 = arith.constant 0 : i32
      %dma_start3A_475 = tpu.memref_slice %arg1[%get3A_465, %dma_start3A_474] : memref<524288x64xf32, #tpu.memory_space<hbm>> -> memref<1x64xf32, #tpu.memory_space<hbm>>
      %dma_start3A_476 = tpu.memref_squeeze %dma_start3A_475 : memref<1x64xf32, #tpu.memory_space<hbm>> -> memref<64xf32, #tpu.memory_space<hbm>>
      tpu.enqueue_dma source(%dma_start3A_476 : memref<64xf32, #tpu.memory_space<hbm>>) target(%dma_start3A_473 : memref<64xf32, #tpu.memory_space<hbm>>) target_semaphore(%arg7 : memref<!tpu.dma_semaphore, #tpu.memory_space<semaphore_mem>>)
      %add3A_477 = arith.constant 2 : i32
      %add3A_478 = arith.addi %add3A_443, %add3A_477 : i32
      %get3A_479 = arith.constant 1 : i32
      %get3A_480 = arith.index_cast %get3A_479 : i32 to index
      %get3A_481 = arith.index_cast %add3A_478 : i32 to index
      %get3A_482 = memref.load %arg4[%get3A_480, %get3A_481] : memref<2x128xi32, #tpu.memory_space<smem>>
      %add3A_483 = arith.constant 1920 : i32
      %add3A_484 = arith.addi %mul3A_0, %add3A_483 : i32
      %add3A_485 = arith.addi %add3A_484, %add3A_443 : i32
      %add3A_486 = arith.constant 2 : i32
      %add3A_487 = arith.addi %add3A_485, %add3A_486 : i32
      %dma_start3A_488 = arith.constant 0 : i32
      %dma_start3A_489 = tpu.memref_slice %arg3[%add3A_487, %dma_start3A_488] : memref<4352x64xf32, #tpu.memory_space<hbm>> -> memref<1x64xf32, #tpu.memory_space<hbm>>
      %dma_start3A_490 = tpu.memref_squeeze %dma_start3A_489 : memref<1x64xf32, #tpu.memory_space<hbm>> -> memref<64xf32, #tpu.memory_space<hbm>>
      %dma_start3A_491 = arith.constant 0 : i32
      %dma_start3A_492 = tpu.memref_slice %arg1[%get3A_482, %dma_start3A_491] : memref<524288x64xf32, #tpu.memory_space<hbm>> -> memref<1x64xf32, #tpu.memory_space<hbm>>
      %dma_start3A_493 = tpu.memref_squeeze %dma_start3A_492 : memref<1x64xf32, #tpu.memory_space<hbm>> -> memref<64xf32, #tpu.memory_space<hbm>>
      tpu.enqueue_dma source(%dma_start3A_493 : memref<64xf32, #tpu.memory_space<hbm>>) target(%dma_start3A_490 : memref<64xf32, #tpu.memory_space<hbm>>) target_semaphore(%arg7 : memref<!tpu.dma_semaphore, #tpu.memory_space<semaphore_mem>>)
      %add3A_494 = arith.constant 3 : i32
      %add3A_495 = arith.addi %add3A_443, %add3A_494 : i32
      %get3A_496 = arith.constant 1 : i32
      %get3A_497 = arith.index_cast %get3A_496 : i32 to index
      %get3A_498 = arith.index_cast %add3A_495 : i32 to index
      %get3A_499 = memref.load %arg4[%get3A_497, %get3A_498] : memref<2x128xi32, #tpu.memory_space<smem>>
      %add3A_500 = arith.constant 1920 : i32
      %add3A_501 = arith.addi %mul3A_0, %add3A_500 : i32
      %add3A_502 = arith.addi %add3A_501, %add3A_443 : i32
      %add3A_503 = arith.constant 3 : i32
      %add3A_504 = arith.addi %add3A_502, %add3A_503 : i32
      %dma_start3A_505 = arith.constant 0 : i32
      %dma_start3A_506 = tpu.memref_slice %arg3[%add3A_504, %dma_start3A_505] : memref<4352x64xf32, #tpu.memory_space<hbm>> -> memref<1x64xf32, #tpu.memory_space<hbm>>
      %dma_start3A_507 = tpu.memref_squeeze %dma_start3A_506 : memref<1x64xf32, #tpu.memory_space<hbm>> -> memref<64xf32, #tpu.memory_space<hbm>>
      %dma_start3A_508 = arith.constant 0 : i32
      %dma_start3A_509 = tpu.memref_slice %arg1[%get3A_499, %dma_start3A_508] : memref<524288x64xf32, #tpu.memory_space<hbm>> -> memref<1x64xf32, #tpu.memory_space<hbm>>
      %dma_start3A_510 = tpu.memref_squeeze %dma_start3A_509 : memref<1x64xf32, #tpu.memory_space<hbm>> -> memref<64xf32, #tpu.memory_space<hbm>>
      tpu.enqueue_dma source(%dma_start3A_510 : memref<64xf32, #tpu.memory_space<hbm>>) target(%dma_start3A_507 : memref<64xf32, #tpu.memory_space<hbm>>) target_semaphore(%arg7 : memref<!tpu.dma_semaphore, #tpu.memory_space<semaphore_mem>>)
    }
    %scan3A_422 = arith.constant 32 : i32
    %add3A_423 = arith.constant 2048 : i32
    %add3A_424 = arith.addi %mul3A_0, %add3A_423 : i32
    %dma_wait3A_425 = arith.constant 0 : i32
    %dma_wait3A_426 = arith.constant 0 : i32
    %dma_wait3A_427 = tpu.memref_slice %arg4[%dma_wait3A_425, %dma_wait3A_426] : memref<2x128xi32, #tpu.memory_space<smem>> -> memref<1x128xi32, #tpu.memory_space<smem>>
    %dma_wait3A_428 = tpu.memref_squeeze %dma_wait3A_427 : memref<1x128xi32, #tpu.memory_space<smem>> -> memref<128xi32, #tpu.memory_space<smem>>
    %dma_wait3A_429 = tpu.memref_slice %arg2[%add3A_424] : memref<4352xi32, #tpu.memory_space<hbm>> -> memref<128xi32, #tpu.memory_space<hbm>>
    tpu.wait_dma2 semaphore(%arg5 : memref<!tpu.dma_semaphore, #tpu.memory_space<semaphore_mem>>) src(%dma_wait3A_429 : memref<128xi32, #tpu.memory_space<hbm>>) dst(%dma_wait3A_428 : memref<128xi32, #tpu.memory_space<smem>>)
    %scan3A_430 = arith.constant 0 : i32
    %scan3A_431 = arith.constant 32 : i32
    %scan3A_432 = arith.addi %scan3A_430, %scan3A_431 : i32
    %scan3A_433 = arith.constant 1 : i32
    scf.for %scan3A_439 = %scan3A_430 to %scan3A_432 step %scan3A_433  : i32 {
      %mul3A_440 = arith.constant 4 : i32
      %mul3A_441 = arith.muli %scan3A_439, %mul3A_440 : i32
      %add3A_442 = arith.constant 0 : i32
      %add3A_443 = arith.addi %add3A_442, %mul3A_441 : i32
      %add3A_444 = arith.constant 0 : i32
      %add3A_445 = arith.addi %add3A_443, %add3A_444 : i32
      %get3A = arith.constant 0 : i32
      %get3A_446 = arith.index_cast %get3A : i32 to index
      %get3A_447 = arith.index_cast %add3A_445 : i32 to index
      %get3A_448 = memref.load %arg4[%get3A_446, %get3A_447] : memref<2x128xi32, #tpu.memory_space<smem>>
      %add3A_449 = arith.constant 2048 : i32
      %add3A_450 = arith.addi %mul3A_0, %add3A_449 : i32
      %add3A_451 = arith.addi %add3A_450, %add3A_443 : i32
      %add3A_452 = arith.constant 0 : i32
      %add3A_453 = arith.addi %add3A_451, %add3A_452 : i32
      %dma_start3A_454 = arith.constant 0 : i32
      %dma_start3A_455 = tpu.memref_slice %arg3[%add3A_453, %dma_start3A_454] : memref<4352x64xf32, #tpu.memory_space<hbm>> -> memref<1x64xf32, #tpu.memory_space<hbm>>
      %dma_start3A_456 = tpu.memref_squeeze %dma_start3A_455 : memref<1x64xf32, #tpu.memory_space<hbm>> -> memref<64xf32, #tpu.memory_space<hbm>>
      %dma_start3A_457 = arith.constant 0 : i32
      %dma_start3A_458 = tpu.memref_slice %arg1[%get3A_448, %dma_start3A_457] : memref<524288x64xf32, #tpu.memory_space<hbm>> -> memref<1x64xf32, #tpu.memory_space<hbm>>
      %dma_start3A_459 = tpu.memref_squeeze %dma_start3A_458 : memref<1x64xf32, #tpu.memory_space<hbm>> -> memref<64xf32, #tpu.memory_space<hbm>>
      tpu.enqueue_dma source(%dma_start3A_459 : memref<64xf32, #tpu.memory_space<hbm>>) target(%dma_start3A_456 : memref<64xf32, #tpu.memory_space<hbm>>) target_semaphore(%arg7 : memref<!tpu.dma_semaphore, #tpu.memory_space<semaphore_mem>>)
      %add3A_460 = arith.constant 1 : i32
      %add3A_461 = arith.addi %add3A_443, %add3A_460 : i32
      %get3A_462 = arith.constant 0 : i32
      %get3A_463 = arith.index_cast %get3A_462 : i32 to index
      %get3A_464 = arith.index_cast %add3A_461 : i32 to index
      %get3A_465 = memref.load %arg4[%get3A_463, %get3A_464] : memref<2x128xi32, #tpu.memory_space<smem>>
      %add3A_466 = arith.constant 2048 : i32
      %add3A_467 = arith.addi %mul3A_0, %add3A_466 : i32
      %add3A_468 = arith.addi %add3A_467, %add3A_443 : i32
      %add3A_469 = arith.constant 1 : i32
      %add3A_470 = arith.addi %add3A_468, %add3A_469 : i32
      %dma_start3A_471 = arith.constant 0 : i32
      %dma_start3A_472 = tpu.memref_slice %arg3[%add3A_470, %dma_start3A_471] : memref<4352x64xf32, #tpu.memory_space<hbm>> -> memref<1x64xf32, #tpu.memory_space<hbm>>
      %dma_start3A_473 = tpu.memref_squeeze %dma_start3A_472 : memref<1x64xf32, #tpu.memory_space<hbm>> -> memref<64xf32, #tpu.memory_space<hbm>>
      %dma_start3A_474 = arith.constant 0 : i32
      %dma_start3A_475 = tpu.memref_slice %arg1[%get3A_465, %dma_start3A_474] : memref<524288x64xf32, #tpu.memory_space<hbm>> -> memref<1x64xf32, #tpu.memory_space<hbm>>
      %dma_start3A_476 = tpu.memref_squeeze %dma_start3A_475 : memref<1x64xf32, #tpu.memory_space<hbm>> -> memref<64xf32, #tpu.memory_space<hbm>>
      tpu.enqueue_dma source(%dma_start3A_476 : memref<64xf32, #tpu.memory_space<hbm>>) target(%dma_start3A_473 : memref<64xf32, #tpu.memory_space<hbm>>) target_semaphore(%arg7 : memref<!tpu.dma_semaphore, #tpu.memory_space<semaphore_mem>>)
      %add3A_477 = arith.constant 2 : i32
      %add3A_478 = arith.addi %add3A_443, %add3A_477 : i32
      %get3A_479 = arith.constant 0 : i32
      %get3A_480 = arith.index_cast %get3A_479 : i32 to index
      %get3A_481 = arith.index_cast %add3A_478 : i32 to index
      %get3A_482 = memref.load %arg4[%get3A_480, %get3A_481] : memref<2x128xi32, #tpu.memory_space<smem>>
      %add3A_483 = arith.constant 2048 : i32
      %add3A_484 = arith.addi %mul3A_0, %add3A_483 : i32
      %add3A_485 = arith.addi %add3A_484, %add3A_443 : i32
      %add3A_486 = arith.constant 2 : i32
      %add3A_487 = arith.addi %add3A_485, %add3A_486 : i32
      %dma_start3A_488 = arith.constant 0 : i32
      %dma_start3A_489 = tpu.memref_slice %arg3[%add3A_487, %dma_start3A_488] : memref<4352x64xf32, #tpu.memory_space<hbm>> -> memref<1x64xf32, #tpu.memory_space<hbm>>
      %dma_start3A_490 = tpu.memref_squeeze %dma_start3A_489 : memref<1x64xf32, #tpu.memory_space<hbm>> -> memref<64xf32, #tpu.memory_space<hbm>>
      %dma_start3A_491 = arith.constant 0 : i32
      %dma_start3A_492 = tpu.memref_slice %arg1[%get3A_482, %dma_start3A_491] : memref<524288x64xf32, #tpu.memory_space<hbm>> -> memref<1x64xf32, #tpu.memory_space<hbm>>
      %dma_start3A_493 = tpu.memref_squeeze %dma_start3A_492 : memref<1x64xf32, #tpu.memory_space<hbm>> -> memref<64xf32, #tpu.memory_space<hbm>>
      tpu.enqueue_dma source(%dma_start3A_493 : memref<64xf32, #tpu.memory_space<hbm>>) target(%dma_start3A_490 : memref<64xf32, #tpu.memory_space<hbm>>) target_semaphore(%arg7 : memref<!tpu.dma_semaphore, #tpu.memory_space<semaphore_mem>>)
      %add3A_494 = arith.constant 3 : i32
      %add3A_495 = arith.addi %add3A_443, %add3A_494 : i32
      %get3A_496 = arith.constant 0 : i32
      %get3A_497 = arith.index_cast %get3A_496 : i32 to index
      %get3A_498 = arith.index_cast %add3A_495 : i32 to index
      %get3A_499 = memref.load %arg4[%get3A_497, %get3A_498] : memref<2x128xi32, #tpu.memory_space<smem>>
      %add3A_500 = arith.constant 2048 : i32
      %add3A_501 = arith.addi %mul3A_0, %add3A_500 : i32
      %add3A_502 = arith.addi %add3A_501, %add3A_443 : i32
      %add3A_503 = arith.constant 3 : i32
      %add3A_504 = arith.addi %add3A_502, %add3A_503 : i32
      %dma_start3A_505 = arith.constant 0 : i32
      %dma_start3A_506 = tpu.memref_slice %arg3[%add3A_504, %dma_start3A_505] : memref<4352x64xf32, #tpu.memory_space<hbm>> -> memref<1x64xf32, #tpu.memory_space<hbm>>
      %dma_start3A_507 = tpu.memref_squeeze %dma_start3A_506 : memref<1x64xf32, #tpu.memory_space<hbm>> -> memref<64xf32, #tpu.memory_space<hbm>>
      %dma_start3A_508 = arith.constant 0 : i32
      %dma_start3A_509 = tpu.memref_slice %arg1[%get3A_499, %dma_start3A_508] : memref<524288x64xf32, #tpu.memory_space<hbm>> -> memref<1x64xf32, #tpu.memory_space<hbm>>
      %dma_start3A_510 = tpu.memref_squeeze %dma_start3A_509 : memref<1x64xf32, #tpu.memory_space<hbm>> -> memref<64xf32, #tpu.memory_space<hbm>>
      tpu.enqueue_dma source(%dma_start3A_510 : memref<64xf32, #tpu.memory_space<hbm>>) target(%dma_start3A_507 : memref<64xf32, #tpu.memory_space<hbm>>) target_semaphore(%arg7 : memref<!tpu.dma_semaphore, #tpu.memory_space<semaphore_mem>>)
    }
    %scan3A_434 = arith.constant 32 : i32
    %dma_wait3A_435 = arith.constant 0 : i32
    %dma_wait3A_436 = tpu.memref_slice %arg3[%mul3A_0, %dma_wait3A_435] : memref<4352x64xf32, #tpu.memory_space<hbm>> -> memref<2176x64xf32, #tpu.memory_space<hbm>>
    %dma_wait3A_437 = arith.constant 0 : i32
    %dma_wait3A_438 = tpu.memref_slice %arg3[%mul3A_0, %dma_wait3A_437] : memref<4352x64xf32, #tpu.memory_space<hbm>> -> memref<2176x64xf32, #tpu.memory_space<hbm>>
    tpu.wait_dma2 semaphore(%arg7 : memref<!tpu.dma_semaphore, #tpu.memory_space<semaphore_mem>>) src(%dma_wait3A_438 : memref<2176x64xf32, #tpu.memory_space<hbm>>) dst(%dma_wait3A_436 : memref<2176x64xf32, #tpu.memory_space<hbm>>)
    return
  }
}

module attributes {stable_mosaic.version = 14 : i64} {
  func.func @_tc_iface(%arg0: memref<128x1024xf32, #tpu.memory_space<vmem>>, %arg1: memref<323x1024xf32, #tpu.memory_space<vmem>>, %arg2: memref<1x323xf32, #tpu.memory_space<vmem>>, %arg3: memref<1x322xf32, #tpu.memory_space<vmem>>, %arg4: memref<1x322xf32, #tpu.memory_space<vmem>>, %arg5: memref<128x322xf32, #tpu.memory_space<vmem>>, %arg6: memref<128x1xf32, #tpu.memory_space<vmem>>) attributes {dimension_semantics = [], scalar_prefetch = 0 : i64, scratch_operands = 0 : i64, tpu.core_type = #tpu.core_type<tc>} {
    %get3A = arith.constant 0 : index
    %get3A_0 = arith.constant 0 : index
    %get3A_1 = vector.load %arg0[%get3A, %get3A_0] : memref<128x1024xf32, #tpu.memory_space<vmem>>, vector<128x1024xf32>
    %get3A_2 = arith.constant 0 : index
    %get3A_3 = arith.constant 0 : index
    %get3A_4 = vector.load %arg1[%get3A_2, %get3A_3] : memref<323x1024xf32, #tpu.memory_space<vmem>>, vector<323x1024xf32>
    %dot_general3A = arith.constant dense<0.000000e+00> : vector<128x323xf32>
    %dot_general3A_5 = tpu.matmul %get3A_1, %get3A_4, %dot_general3A {dimension_numbers = #tpu.dot_dimension_numbers<[1], [1], [0], [0], [0, 0, 1, 0], [], []>, precision = #tpu.contract_precision<fp32>, transpose_lhs_hint = false} : vector<128x1024xf32>, vector<323x1024xf32>, vector<128x323xf32> -> vector<128x323xf32>
    %get3A_6 = arith.constant 0 : index
    %get3A_7 = arith.constant 0 : index
    %get3A_8 = vector.load %arg2[%get3A_6, %get3A_7] : memref<1x323xf32, #tpu.memory_space<vmem>>, vector<1x323xf32>
    %add3A = vector.broadcast %get3A_8 : vector<1x323xf32> to vector<128x323xf32>
    %add3A_9 = arith.addf %dot_general3A_5, %add3A : vector<128x323xf32>
    %slice3A = vector.extract_strided_slice %add3A_9 {offsets = [0, 322], sizes = [128, 1], strides = [1, 1]} : vector<128x323xf32> to vector<128x1xf32>
    %custom_jvp_call3A = arith.constant 0.000000e+00 : f32
    %max3A = vector.broadcast %custom_jvp_call3A : f32 to vector<128x1xf32>
    %max3A_10 = arith.maximumf %slice3A, %max3A : vector<128x1xf32>
    %sub3A = vector.broadcast %custom_jvp_call3A : f32 to vector<128x1xf32>
    %sub3A_11 = arith.subf %slice3A, %sub3A : vector<128x1xf32>
    %ne3A = arith.cmpf one, %sub3A_11, %sub3A_11 : vector<128x1xf32>
    %add3A_12 = vector.broadcast %custom_jvp_call3A : f32 to vector<128x1xf32>
    %add3A_13 = arith.addf %slice3A, %add3A_12 : vector<128x1xf32>
    %abs3A = math.absf %sub3A_11 : vector<128x1xf32>
    %neg3A = arith.constant 0.000000e+00 : f32
    %neg3A_14 = vector.broadcast %neg3A : f32 to vector<128x1xf32>
    %neg3A_15 = arith.subf %neg3A_14, %abs3A : vector<128x1xf32>
    %exp3A = math.exp %neg3A_15 : vector<128x1xf32>
    %log1p3A = math.log1p %exp3A : vector<128x1xf32>
    %add3A_16 = arith.addf %max3A_10, %log1p3A : vector<128x1xf32>
    %select_n3A = arith.select %ne3A, %add3A_13, %add3A_16 : vector<128x1xi1>, vector<128x1xf32>
    %add3A_17 = arith.constant 1.000000e+00 : f32
    %add3A_18 = vector.broadcast %add3A_17 : f32 to vector<128x1xf32>
    %add3A_19 = arith.addf %add3A_18, %select_n3A : vector<128x1xf32>
    %swap3A = arith.constant 0 : index
    %swap3A_20 = arith.constant 0 : index
    %swap3A_21 = vector.load %arg6[%swap3A, %swap3A_20] : memref<128x1xf32, #tpu.memory_space<vmem>>, vector<128x1xf32>
    tpu.vector_store %arg6[%swap3A, %swap3A_20], %add3A_19 {strides = array<i32>} : memref<128x1xf32, #tpu.memory_space<vmem>>, vector<128x1xf32>,
    %slice3A_22 = vector.extract_strided_slice %add3A_9 {offsets = [0, 0], sizes = [128, 322], strides = [1, 1]} : vector<128x323xf32> to vector<128x322xf32>
    %reduce_sum3A = arith.constant dense<0.000000e+00> : vector<128xf32>
    %reduce_sum3A_23 = vector.multi_reduction <add>, %slice3A_22, %reduce_sum3A [1] : vector<128x322xf32> to vector<128xf32>
    %broadcast_in_dim3A = vector.shape_cast %reduce_sum3A_23 : vector<128xf32> to vector<128x1xf32>
    %div3A = arith.constant 3.220000e+02 : f32
    %div3A_24 = vector.broadcast %div3A : f32 to vector<128x1xf32>
    %div3A_25 = arith.divf %broadcast_in_dim3A, %div3A_24 : vector<128x1xf32>
    %sub3A_26 = vector.broadcast %div3A_25 : vector<128x1xf32> to vector<128x322xf32>
    %sub3A_27 = arith.subf %slice3A_22, %sub3A_26 : vector<128x322xf32>
    %integer_pow3A = arith.mulf %sub3A_27, %sub3A_27 : vector<128x322xf32>
    %reduce_sum3A_28 = arith.constant dense<0.000000e+00> : vector<128xf32>
    %reduce_sum3A_29 = vector.multi_reduction <add>, %integer_pow3A, %reduce_sum3A_28 [1] : vector<128x322xf32> to vector<128xf32>
    %broadcast_in_dim3A_30 = vector.shape_cast %reduce_sum3A_29 : vector<128xf32> to vector<128x1xf32>
    %div3A_31 = arith.constant 3.220000e+02 : f32
    %div3A_32 = vector.broadcast %div3A_31 : f32 to vector<128x1xf32>
    %div3A_33 = arith.divf %broadcast_in_dim3A_30, %div3A_32 : vector<128x1xf32>
    %get3A_34 = arith.constant 0 : index
    %get3A_35 = arith.constant 0 : index
    %get3A_36 = vector.load %arg3[%get3A_34, %get3A_35] : memref<1x322xf32, #tpu.memory_space<vmem>>, vector<1x322xf32>
    %sub3A_37 = vector.broadcast %div3A_25 : vector<128x1xf32> to vector<128x322xf32>
    %sub3A_38 = arith.subf %slice3A_22, %sub3A_37 : vector<128x322xf32>
    %mul3A = vector.broadcast %get3A_36 : vector<1x322xf32> to vector<128x322xf32>
    %mul3A_39 = arith.mulf %mul3A, %sub3A_38 : vector<128x322xf32>
    %add3A_40 = arith.constant 9.99999996E-13 : f32
    %add3A_41 = vector.broadcast %add3A_40 : f32 to vector<128x1xf32>
    %add3A_42 = arith.addf %div3A_33, %add3A_41 : vector<128x1xf32>
    %sqrt3A = math.sqrt %add3A_42 : vector<128x1xf32>
    %div3A_43 = vector.broadcast %sqrt3A : vector<128x1xf32> to vector<128x322xf32>
    %div3A_44 = arith.divf %mul3A_39, %div3A_43 : vector<128x322xf32>
    %get3A_45 = arith.constant 0 : index
    %get3A_46 = arith.constant 0 : index
    %get3A_47 = vector.load %arg4[%get3A_45, %get3A_46] : memref<1x322xf32, #tpu.memory_space<vmem>>, vector<1x322xf32>
    %add3A_48 = vector.broadcast %get3A_47 : vector<1x322xf32> to vector<128x322xf32>
    %add3A_49 = arith.addf %div3A_44, %add3A_48 : vector<128x322xf32>
    %swap3A_50 = arith.constant 0 : index
    %swap3A_51 = arith.constant 0 : index
    %swap3A_52 = vector.load %arg5[%swap3A_50, %swap3A_51] : memref<128x322xf32, #tpu.memory_space<vmem>>, vector<128x322xf32>
    tpu.vector_store %arg5[%swap3A_50, %swap3A_51], %add3A_49 {strides = array<i32>} : memref<128x322xf32, #tpu.memory_space<vmem>>, vector<128x322xf32>,
    return
  }
}

module attributes {stable_mosaic.version = 14 : i64} {
  func.func @_tc_body(%arg0: memref<128x322xf32, #tpu.memory_space<vmem>>, %arg1: memref<128x1xf32, #tpu.memory_space<vmem>>, %arg2: memref<128x33x64xf32, #tpu.memory_space<vmem>>, %arg3: memref<128x37x64xf32, #tpu.memory_space<vmem>>) attributes {dimension_semantics = [], scalar_prefetch = 0 : i64, scratch_operands = 0 : i64, tpu.core_type = #tpu.core_type<tc>} {
    %get3A = arith.constant 0 : index
    %get3A_0 = arith.constant 0 : index
    %get3A_1 = vector.load %arg0[%get3A, %get3A_0] : memref<128x322xf32, #tpu.memory_space<vmem>>, vector<128x322xf32>
    %get3A_2 = arith.constant 0 : index
    %get3A_3 = arith.constant 0 : index
    %get3A_4 = vector.load %arg1[%get3A_2, %get3A_3] : memref<128x1xf32, #tpu.memory_space<vmem>>, vector<128x1xf32>
    %slice3A = vector.extract_strided_slice %get3A_1 {offsets = [0, 256], sizes = [128, 64], strides = [1, 1]} : vector<128x322xf32> to vector<128x64xf32>
    %broadcast_in_dim3A = vector.shape_cast %slice3A : vector<128x64xf32> to vector<128x1x64xf32>
    %slice3A_5 = vector.extract_strided_slice %get3A_1 {offsets = [0, 320], sizes = [128, 1], strides = [1, 1]} : vector<128x322xf32> to vector<128x1xf32>
    %logistic3A = arith.negf %slice3A_5 : vector<128x1xf32>
    %logistic3A_6 = math.exp %logistic3A : vector<128x1xf32>
    %logistic3A_7 = arith.constant 1.000000e+00 : f32
    %logistic3A_8 = vector.broadcast %logistic3A_7 : f32 to vector<128x1xf32>
    %logistic3A_9 = arith.addf %logistic3A_8, %logistic3A_6 : vector<128x1xf32>
    %logistic3A_10 = arith.divf %logistic3A_8, %logistic3A_9 : vector<128x1xf32>
    %slice3A_11 = vector.extract_strided_slice %get3A_1 {offsets = [0, 321], sizes = [128, 1], strides = [1, 1]} : vector<128x322xf32> to vector<128x1xf32>
    %logistic3A_12 = arith.negf %slice3A_11 : vector<128x1xf32>
    %logistic3A_13 = math.exp %logistic3A_12 : vector<128x1xf32>
    %logistic3A_14 = arith.constant 1.000000e+00 : f32
    %logistic3A_15 = vector.broadcast %logistic3A_14 : f32 to vector<128x1xf32>
    %logistic3A_16 = arith.addf %logistic3A_15, %logistic3A_13 : vector<128x1xf32>
    %logistic3A_17 = arith.divf %logistic3A_15, %logistic3A_16 : vector<128x1xf32>
    %get3A_18 = arith.constant 0 : index
    %get3A_19 = arith.constant 0 : index
    %get3A_20 = arith.constant 0 : index
    %get3A_21 = vector.load %arg2[%get3A_18, %get3A_19, %get3A_20] : memref<128x33x64xf32, #tpu.memory_space<vmem>>, vector<128x33x64xf32>
    %mul3A = arith.mulf %broadcast_in_dim3A, %broadcast_in_dim3A : vector<128x1x64xf32>
    %reduce_sum3A = arith.constant dense<0.000000e+00> : vector<128x1xf32>
    %reduce_sum3A_22 = vector.multi_reduction <add>, %mul3A, %reduce_sum3A [2] : vector<128x1x64xf32> to vector<128x1xf32>
    %broadcast_in_dim3A_23 = vector.shape_cast %reduce_sum3A_22 : vector<128x1xf32> to vector<128x1x1xf32>
    %sqrt3A = math.sqrt %broadcast_in_dim3A_23 : vector<128x1x1xf32>
    %mul3A_24 = arith.mulf %get3A_21, %get3A_21 : vector<128x33x64xf32>
    %reduce_sum3A_25 = arith.constant dense<0.000000e+00> : vector<128x33xf32>
    %reduce_sum3A_26 = vector.multi_reduction <add>, %mul3A_24, %reduce_sum3A_25 [2] : vector<128x33x64xf32> to vector<128x33xf32>
    %broadcast_in_dim3A_27 = vector.shape_cast %reduce_sum3A_26 : vector<128x33xf32> to vector<128x33x1xf32>
    %sqrt3A_28 = math.sqrt %broadcast_in_dim3A_27 : vector<128x33x1xf32>
    %mul3A_29 = vector.broadcast %broadcast_in_dim3A : vector<128x1x64xf32> to vector<128x33x64xf32>
    %mul3A_30 = arith.mulf %get3A_21, %mul3A_29 : vector<128x33x64xf32>
    %reduce_sum3A_31 = arith.constant dense<0.000000e+00> : vector<128x33xf32>
    %reduce_sum3A_32 = vector.multi_reduction <add>, %mul3A_30, %reduce_sum3A_31 [2] : vector<128x33x64xf32> to vector<128x33xf32>
    %broadcast_in_dim3A_33 = vector.shape_cast %reduce_sum3A_32 : vector<128x33xf32> to vector<128x33x1xf32>
    %mul3A_34 = vector.broadcast %sqrt3A : vector<128x1x1xf32> to vector<128x33x1xf32>
    %mul3A_35 = arith.mulf %mul3A_34, %sqrt3A_28 : vector<128x33x1xf32>
    %add3A = arith.constant 9.99999997E-7 : f32
    %add3A_36 = vector.broadcast %add3A : f32 to vector<128x33x1xf32>
    %add3A_37 = arith.addf %mul3A_35, %add3A_36 : vector<128x33x1xf32>
    %div3A = arith.divf %broadcast_in_dim3A_33, %add3A_37 : vector<128x33x1xf32>
    %add3A_38 = arith.constant 1.000000e+00 : f32
    %add3A_39 = vector.broadcast %add3A_38 : f32 to vector<128x1xf32>
    %add3A_40 = arith.addf %add3A_39, %logistic3A_10 : vector<128x1xf32>
    %broadcast_in_dim3A_41 = vector.shape_cast %add3A_40 : vector<128x1xf32> to vector<128x1x1xf32>
    %mul3A_42 = vector.broadcast %broadcast_in_dim3A_41 : vector<128x1x1xf32> to vector<128x33x1xf32>
    %mul3A_43 = arith.mulf %div3A, %mul3A_42 : vector<128x33x1xf32>
    %mul3A_44 = arith.constant 5.000000e+00 : f32
    %mul3A_45 = vector.broadcast %mul3A_44 : f32 to vector<128x33x1xf32>
    %mul3A_46 = arith.mulf %mul3A_43, %mul3A_45 : vector<128x33x1xf32>
    %reduce_max3A = arith.constant dense<0xFF800000> : vector<128x1xf32>
    %reduce_max3A_47 = vector.multi_reduction <maximumf>, %mul3A_46, %reduce_max3A [1] : vector<128x33x1xf32> to vector<128x1xf32>
    %broadcast_in_dim3A_48 = vector.shape_cast %reduce_max3A_47 : vector<128x1xf32> to vector<128x1x1xf32>
    %sub3A = vector.broadcast %broadcast_in_dim3A_48 : vector<128x1x1xf32> to vector<128x33x1xf32>
    %sub3A_49 = arith.subf %mul3A_46, %sub3A : vector<128x33x1xf32>
    %exp3A = math.exp %sub3A_49 : vector<128x33x1xf32>
    %reduce_sum3A_50 = arith.constant dense<0.000000e+00> : vector<128x1xf32>
    %reduce_sum3A_51 = vector.multi_reduction <add>, %exp3A, %reduce_sum3A_50 [1] : vector<128x33x1xf32> to vector<128x1xf32>
    %broadcast_in_dim3A_52 = vector.shape_cast %reduce_sum3A_51 : vector<128x1xf32> to vector<128x1x1xf32>
    %div3A_53 = vector.broadcast %broadcast_in_dim3A_52 : vector<128x1x1xf32> to vector<128x33x1xf32>
    %div3A_54 = arith.divf %exp3A, %div3A_53 : vector<128x33x1xf32>
    %broadcast_in_dim3A_55 = vector.shape_cast %logistic3A_17 : vector<128x1xf32> to vector<128x1x1xf32>
    %mul3A_56 = vector.broadcast %broadcast_in_dim3A_55 : vector<128x1x1xf32> to vector<128x33x1xf32>
    %mul3A_57 = arith.mulf %div3A_54, %mul3A_56 : vector<128x33x1xf32>
    %sub3A_58 = arith.constant 1.000000e+00 : f32
    %sub3A_59 = vector.broadcast %sub3A_58 : f32 to vector<128x33x1xf32>
    %sub3A_60 = arith.subf %sub3A_59, %mul3A_57 : vector<128x33x1xf32>
    %mul3A_61 = vector.broadcast %sub3A_60 : vector<128x33x1xf32> to vector<128x33x64xf32>
    %mul3A_62 = arith.mulf %get3A_21, %mul3A_61 : vector<128x33x64xf32>
    %mul3A_63 = vector.broadcast %mul3A_57 : vector<128x33x1xf32> to vector<128x33x64xf32>
    %mul3A_64 = vector.broadcast %broadcast_in_dim3A : vector<128x1x64xf32> to vector<128x33x64xf32>
    %mul3A_65 = arith.mulf %mul3A_63, %mul3A_64 : vector<128x33x64xf32>
    %add3A_66 = arith.addf %mul3A_62, %mul3A_65 : vector<128x33x64xf32>
    %mul3A_67 = arith.mulf %add3A_66, %add3A_66 : vector<128x33x64xf32>
    %reduce_sum3A_68 = arith.constant dense<0.000000e+00> : vector<128x33xf32>
    %reduce_sum3A_69 = vector.multi_reduction <add>, %mul3A_67, %reduce_sum3A_68 [2] : vector<128x33x64xf32> to vector<128x33xf32>
    %broadcast_in_dim3A_70 = vector.shape_cast %reduce_sum3A_69 : vector<128x33xf32> to vector<128x33x1xf32>
    %sqrt3A_71 = math.sqrt %broadcast_in_dim3A_70 : vector<128x33x1xf32>
    %swap3A = arith.constant 0 : index
    %swap3A_72 = arith.constant 4 : index
    %swap3A_73 = arith.constant 0 : index
    %swap3A_74 = vector.load %arg3[%swap3A, %swap3A_72, %swap3A_73] : memref<128x37x64xf32, #tpu.memory_space<vmem>>, vector<128x33x64xf32>
    tpu.vector_store %arg3[%swap3A, %swap3A_72, %swap3A_73], %add3A_66 {strides = array<i32>} : memref<128x37x64xf32, #tpu.memory_space<vmem>>, vector<128x33x64xf32>,
    %broadcast_in_dim3A_75 = vector.shape_cast %get3A_4 : vector<128x1xf32> to vector<128x1x1xf32>
    %slice3A_76 = vector.extract_strided_slice %get3A_1 {offsets = [0, 0], sizes = [128, 64], strides = [1, 1]} : vector<128x322xf32> to vector<128x64xf32>
    %broadcast_in_dim3A_77 = vector.shape_cast %slice3A_76 : vector<128x64xf32> to vector<128x1x64xf32>
    %mul3A_78 = arith.mulf %broadcast_in_dim3A_77, %broadcast_in_dim3A_77 : vector<128x1x64xf32>
    %reduce_sum3A_79 = arith.constant dense<0.000000e+00> : vector<128x1xf32>
    %reduce_sum3A_80 = vector.multi_reduction <add>, %mul3A_78, %reduce_sum3A_79 [2] : vector<128x1x64xf32> to vector<128x1xf32>
    %broadcast_in_dim3A_81 = vector.shape_cast %reduce_sum3A_80 : vector<128x1xf32> to vector<128x1x1xf32>
    %sqrt3A_82 = math.sqrt %broadcast_in_dim3A_81 : vector<128x1x1xf32>
    %mul3A_83 = vector.broadcast %broadcast_in_dim3A_77 : vector<128x1x64xf32> to vector<128x33x64xf32>
    %mul3A_84 = arith.mulf %add3A_66, %mul3A_83 : vector<128x33x64xf32>
    %reduce_sum3A_85 = arith.constant dense<0.000000e+00> : vector<128x33xf32>
    %reduce_sum3A_86 = vector.multi_reduction <add>, %mul3A_84, %reduce_sum3A_85 [2] : vector<128x33x64xf32> to vector<128x33xf32>
    %broadcast_in_dim3A_87 = vector.shape_cast %reduce_sum3A_86 : vector<128x33xf32> to vector<128x33x1xf32>
    %mul3A_88 = vector.broadcast %sqrt3A_82 : vector<128x1x1xf32> to vector<128x33x1xf32>
    %mul3A_89 = arith.mulf %mul3A_88, %sqrt3A_71 : vector<128x33x1xf32>
    %add3A_90 = arith.constant 9.99999997E-7 : f32
    %add3A_91 = vector.broadcast %add3A_90 : f32 to vector<128x33x1xf32>
    %add3A_92 = arith.addf %mul3A_89, %add3A_91 : vector<128x33x1xf32>
    %div3A_93 = arith.divf %broadcast_in_dim3A_87, %add3A_92 : vector<128x33x1xf32>
    %mul3A_94 = vector.broadcast %broadcast_in_dim3A_75 : vector<128x1x1xf32> to vector<128x33x1xf32>
    %mul3A_95 = arith.mulf %div3A_93, %mul3A_94 : vector<128x33x1xf32>
    %reduce_max3A_96 = arith.constant dense<0xFF800000> : vector<128x1xf32>
    %reduce_max3A_97 = vector.multi_reduction <maximumf>, %mul3A_95, %reduce_max3A_96 [1] : vector<128x33x1xf32> to vector<128x1xf32>
    %broadcast_in_dim3A_98 = vector.shape_cast %reduce_max3A_97 : vector<128x1xf32> to vector<128x1x1xf32>
    %sub3A_99 = vector.broadcast %broadcast_in_dim3A_98 : vector<128x1x1xf32> to vector<128x33x1xf32>
    %sub3A_100 = arith.subf %mul3A_95, %sub3A_99 : vector<128x33x1xf32>
    %exp3A_101 = math.exp %sub3A_100 : vector<128x33x1xf32>
    %reduce_sum3A_102 = arith.constant dense<0.000000e+00> : vector<128x1xf32>
    %reduce_sum3A_103 = vector.multi_reduction <add>, %exp3A_101, %reduce_sum3A_102 [1] : vector<128x33x1xf32> to vector<128x1xf32>
    %broadcast_in_dim3A_104 = vector.shape_cast %reduce_sum3A_103 : vector<128x1xf32> to vector<128x1x1xf32>
    %div3A_105 = vector.broadcast %broadcast_in_dim3A_104 : vector<128x1x1xf32> to vector<128x33x1xf32>
    %div3A_106 = arith.divf %exp3A_101, %div3A_105 : vector<128x33x1xf32>
    %mul3A_107 = vector.broadcast %div3A_106 : vector<128x33x1xf32> to vector<128x33x64xf32>
    %mul3A_108 = arith.mulf %mul3A_107, %add3A_66 : vector<128x33x64xf32>
    %reduce_sum3A_109 = arith.constant dense<0.000000e+00> : vector<128x64xf32>
    %reduce_sum3A_110 = vector.multi_reduction <add>, %mul3A_108, %reduce_sum3A_109 [1] : vector<128x33x64xf32> to vector<128x64xf32>
    %swap3A_111 = arith.constant 0 : index
    %swap3A_112 = arith.constant 0 : index
    %swap3A_113 = arith.constant 0 : index
    %swap3A_114 = vector.load %arg3[%swap3A_111, %swap3A_112, %swap3A_113] : memref<128x37x64xf32, #tpu.memory_space<vmem>>, vector<128x1x64xf32>
    %swap3A_115 = vector.shape_cast %swap3A_114 : vector<128x1x64xf32> to vector<128x64xf32>
    %swap3A_116 = vector.shape_cast %reduce_sum3A_110 : vector<128x64xf32> to vector<128x1x64xf32>
    tpu.vector_store %arg3[%swap3A_111, %swap3A_112, %swap3A_113], %swap3A_116 {strides = array<i32>} : memref<128x37x64xf32, #tpu.memory_space<vmem>>, vector<128x1x64xf32>,
    %slice3A_117 = vector.extract_strided_slice %get3A_1 {offsets = [0, 64], sizes = [128, 64], strides = [1, 1]} : vector<128x322xf32> to vector<128x64xf32>
    %broadcast_in_dim3A_118 = vector.shape_cast %slice3A_117 : vector<128x64xf32> to vector<128x1x64xf32>
    %mul3A_119 = arith.mulf %broadcast_in_dim3A_118, %broadcast_in_dim3A_118 : vector<128x1x64xf32>
    %reduce_sum3A_120 = arith.constant dense<0.000000e+00> : vector<128x1xf32>
    %reduce_sum3A_121 = vector.multi_reduction <add>, %mul3A_119, %reduce_sum3A_120 [2] : vector<128x1x64xf32> to vector<128x1xf32>
    %broadcast_in_dim3A_122 = vector.shape_cast %reduce_sum3A_121 : vector<128x1xf32> to vector<128x1x1xf32>
    %sqrt3A_123 = math.sqrt %broadcast_in_dim3A_122 : vector<128x1x1xf32>
    %mul3A_124 = vector.broadcast %broadcast_in_dim3A_118 : vector<128x1x64xf32> to vector<128x33x64xf32>
    %mul3A_125 = arith.mulf %add3A_66, %mul3A_124 : vector<128x33x64xf32>
    %reduce_sum3A_126 = arith.constant dense<0.000000e+00> : vector<128x33xf32>
    %reduce_sum3A_127 = vector.multi_reduction <add>, %mul3A_125, %reduce_sum3A_126 [2] : vector<128x33x64xf32> to vector<128x33xf32>
    %broadcast_in_dim3A_128 = vector.shape_cast %reduce_sum3A_127 : vector<128x33xf32> to vector<128x33x1xf32>
    %mul3A_129 = vector.broadcast %sqrt3A_123 : vector<128x1x1xf32> to vector<128x33x1xf32>
    %mul3A_130 = arith.mulf %mul3A_129, %sqrt3A_71 : vector<128x33x1xf32>
    %add3A_131 = arith.constant 9.99999997E-7 : f32
    %add3A_132 = vector.broadcast %add3A_131 : f32 to vector<128x33x1xf32>
    %add3A_133 = arith.addf %mul3A_130, %add3A_132 : vector<128x33x1xf32>
    %div3A_134 = arith.divf %broadcast_in_dim3A_128, %add3A_133 : vector<128x33x1xf32>
    %mul3A_135 = vector.broadcast %broadcast_in_dim3A_75 : vector<128x1x1xf32> to vector<128x33x1xf32>
    %mul3A_136 = arith.mulf %div3A_134, %mul3A_135 : vector<128x33x1xf32>
    %reduce_max3A_137 = arith.constant dense<0xFF800000> : vector<128x1xf32>
    %reduce_max3A_138 = vector.multi_reduction <maximumf>, %mul3A_136, %reduce_max3A_137 [1] : vector<128x33x1xf32> to vector<128x1xf32>
    %broadcast_in_dim3A_139 = vector.shape_cast %reduce_max3A_138 : vector<128x1xf32> to vector<128x1x1xf32>
    %sub3A_140 = vector.broadcast %broadcast_in_dim3A_139 : vector<128x1x1xf32> to vector<128x33x1xf32>
    %sub3A_141 = arith.subf %mul3A_136, %sub3A_140 : vector<128x33x1xf32>
    %exp3A_142 = math.exp %sub3A_141 : vector<128x33x1xf32>
    %reduce_sum3A_143 = arith.constant dense<0.000000e+00> : vector<128x1xf32>
    %reduce_sum3A_144 = vector.multi_reduction <add>, %exp3A_142, %reduce_sum3A_143 [1] : vector<128x33x1xf32> to vector<128x1xf32>
    %broadcast_in_dim3A_145 = vector.shape_cast %reduce_sum3A_144 : vector<128x1xf32> to vector<128x1x1xf32>
    %div3A_146 = vector.broadcast %broadcast_in_dim3A_145 : vector<128x1x1xf32> to vector<128x33x1xf32>
    %div3A_147 = arith.divf %exp3A_142, %div3A_146 : vector<128x33x1xf32>
    %mul3A_148 = vector.broadcast %div3A_147 : vector<128x33x1xf32> to vector<128x33x64xf32>
    %mul3A_149 = arith.mulf %mul3A_148, %add3A_66 : vector<128x33x64xf32>
    %reduce_sum3A_150 = arith.constant dense<0.000000e+00> : vector<128x64xf32>
    %reduce_sum3A_151 = vector.multi_reduction <add>, %mul3A_149, %reduce_sum3A_150 [1] : vector<128x33x64xf32> to vector<128x64xf32>
    %swap3A_152 = arith.constant 0 : index
    %swap3A_153 = arith.constant 1 : index
    %swap3A_154 = arith.constant 0 : index
    %swap3A_155 = vector.load %arg3[%swap3A_152, %swap3A_153, %swap3A_154] : memref<128x37x64xf32, #tpu.memory_space<vmem>>, vector<128x1x64xf32>
    %swap3A_156 = vector.shape_cast %swap3A_155 : vector<128x1x64xf32> to vector<128x64xf32>
    %swap3A_157 = vector.shape_cast %reduce_sum3A_151 : vector<128x64xf32> to vector<128x1x64xf32>
    tpu.vector_store %arg3[%swap3A_152, %swap3A_153, %swap3A_154], %swap3A_157 {strides = array<i32>} : memref<128x37x64xf32, #tpu.memory_space<vmem>>, vector<128x1x64xf32>,
    %slice3A_158 = vector.extract_strided_slice %get3A_1 {offsets = [0, 128], sizes = [128, 64], strides = [1, 1]} : vector<128x322xf32> to vector<128x64xf32>
    %broadcast_in_dim3A_159 = vector.shape_cast %slice3A_158 : vector<128x64xf32> to vector<128x1x64xf32>
    %mul3A_160 = arith.mulf %broadcast_in_dim3A_159, %broadcast_in_dim3A_159 : vector<128x1x64xf32>
    %reduce_sum3A_161 = arith.constant dense<0.000000e+00> : vector<128x1xf32>
    %reduce_sum3A_162 = vector.multi_reduction <add>, %mul3A_160, %reduce_sum3A_161 [2] : vector<128x1x64xf32> to vector<128x1xf32>
    %broadcast_in_dim3A_163 = vector.shape_cast %reduce_sum3A_162 : vector<128x1xf32> to vector<128x1x1xf32>
    %sqrt3A_164 = math.sqrt %broadcast_in_dim3A_163 : vector<128x1x1xf32>
    %mul3A_165 = vector.broadcast %broadcast_in_dim3A_159 : vector<128x1x64xf32> to vector<128x33x64xf32>
    %mul3A_166 = arith.mulf %add3A_66, %mul3A_165 : vector<128x33x64xf32>
    %reduce_sum3A_167 = arith.constant dense<0.000000e+00> : vector<128x33xf32>
    %reduce_sum3A_168 = vector.multi_reduction <add>, %mul3A_166, %reduce_sum3A_167 [2] : vector<128x33x64xf32> to vector<128x33xf32>
    %broadcast_in_dim3A_169 = vector.shape_cast %reduce_sum3A_168 : vector<128x33xf32> to vector<128x33x1xf32>
    %mul3A_170 = vector.broadcast %sqrt3A_164 : vector<128x1x1xf32> to vector<128x33x1xf32>
    %mul3A_171 = arith.mulf %mul3A_170, %sqrt3A_71 : vector<128x33x1xf32>
    %add3A_172 = arith.constant 9.99999997E-7 : f32
    %add3A_173 = vector.broadcast %add3A_172 : f32 to vector<128x33x1xf32>
    %add3A_174 = arith.addf %mul3A_171, %add3A_173 : vector<128x33x1xf32>
    %div3A_175 = arith.divf %broadcast_in_dim3A_169, %add3A_174 : vector<128x33x1xf32>
    %mul3A_176 = vector.broadcast %broadcast_in_dim3A_75 : vector<128x1x1xf32> to vector<128x33x1xf32>
    %mul3A_177 = arith.mulf %div3A_175, %mul3A_176 : vector<128x33x1xf32>
    %reduce_max3A_178 = arith.constant dense<0xFF800000> : vector<128x1xf32>
    %reduce_max3A_179 = vector.multi_reduction <maximumf>, %mul3A_177, %reduce_max3A_178 [1] : vector<128x33x1xf32> to vector<128x1xf32>
    %broadcast_in_dim3A_180 = vector.shape_cast %reduce_max3A_179 : vector<128x1xf32> to vector<128x1x1xf32>
    %sub3A_181 = vector.broadcast %broadcast_in_dim3A_180 : vector<128x1x1xf32> to vector<128x33x1xf32>
    %sub3A_182 = arith.subf %mul3A_177, %sub3A_181 : vector<128x33x1xf32>
    %exp3A_183 = math.exp %sub3A_182 : vector<128x33x1xf32>
    %reduce_sum3A_184 = arith.constant dense<0.000000e+00> : vector<128x1xf32>
    %reduce_sum3A_185 = vector.multi_reduction <add>, %exp3A_183, %reduce_sum3A_184 [1] : vector<128x33x1xf32> to vector<128x1xf32>
    %broadcast_in_dim3A_186 = vector.shape_cast %reduce_sum3A_185 : vector<128x1xf32> to vector<128x1x1xf32>
    %div3A_187 = vector.broadcast %broadcast_in_dim3A_186 : vector<128x1x1xf32> to vector<128x33x1xf32>
    %div3A_188 = arith.divf %exp3A_183, %div3A_187 : vector<128x33x1xf32>
    %mul3A_189 = vector.broadcast %div3A_188 : vector<128x33x1xf32> to vector<128x33x64xf32>
    %mul3A_190 = arith.mulf %mul3A_189, %add3A_66 : vector<128x33x64xf32>
    %reduce_sum3A_191 = arith.constant dense<0.000000e+00> : vector<128x64xf32>
    %reduce_sum3A_192 = vector.multi_reduction <add>, %mul3A_190, %reduce_sum3A_191 [1] : vector<128x33x64xf32> to vector<128x64xf32>
    %swap3A_193 = arith.constant 0 : index
    %swap3A_194 = arith.constant 2 : index
    %swap3A_195 = arith.constant 0 : index
    %swap3A_196 = vector.load %arg3[%swap3A_193, %swap3A_194, %swap3A_195] : memref<128x37x64xf32, #tpu.memory_space<vmem>>, vector<128x1x64xf32>
    %swap3A_197 = vector.shape_cast %swap3A_196 : vector<128x1x64xf32> to vector<128x64xf32>
    %swap3A_198 = vector.shape_cast %reduce_sum3A_192 : vector<128x64xf32> to vector<128x1x64xf32>
    tpu.vector_store %arg3[%swap3A_193, %swap3A_194, %swap3A_195], %swap3A_198 {strides = array<i32>} : memref<128x37x64xf32, #tpu.memory_space<vmem>>, vector<128x1x64xf32>,
    %slice3A_199 = vector.extract_strided_slice %get3A_1 {offsets = [0, 192], sizes = [128, 64], strides = [1, 1]} : vector<128x322xf32> to vector<128x64xf32>
    %broadcast_in_dim3A_200 = vector.shape_cast %slice3A_199 : vector<128x64xf32> to vector<128x1x64xf32>
    %mul3A_201 = arith.mulf %broadcast_in_dim3A_200, %broadcast_in_dim3A_200 : vector<128x1x64xf32>
    %reduce_sum3A_202 = arith.constant dense<0.000000e+00> : vector<128x1xf32>
    %reduce_sum3A_203 = vector.multi_reduction <add>, %mul3A_201, %reduce_sum3A_202 [2] : vector<128x1x64xf32> to vector<128x1xf32>
    %broadcast_in_dim3A_204 = vector.shape_cast %reduce_sum3A_203 : vector<128x1xf32> to vector<128x1x1xf32>
    %sqrt3A_205 = math.sqrt %broadcast_in_dim3A_204 : vector<128x1x1xf32>
    %mul3A_206 = vector.broadcast %broadcast_in_dim3A_200 : vector<128x1x64xf32> to vector<128x33x64xf32>
    %mul3A_207 = arith.mulf %add3A_66, %mul3A_206 : vector<128x33x64xf32>
    %reduce_sum3A_208 = arith.constant dense<0.000000e+00> : vector<128x33xf32>
    %reduce_sum3A_209 = vector.multi_reduction <add>, %mul3A_207, %reduce_sum3A_208 [2] : vector<128x33x64xf32> to vector<128x33xf32>
    %broadcast_in_dim3A_210 = vector.shape_cast %reduce_sum3A_209 : vector<128x33xf32> to vector<128x33x1xf32>
    %mul3A_211 = vector.broadcast %sqrt3A_205 : vector<128x1x1xf32> to vector<128x33x1xf32>
    %mul3A_212 = arith.mulf %mul3A_211, %sqrt3A_71 : vector<128x33x1xf32>
    %add3A_213 = arith.constant 9.99999997E-7 : f32
    %add3A_214 = vector.broadcast %add3A_213 : f32 to vector<128x33x1xf32>
    %add3A_215 = arith.addf %mul3A_212, %add3A_214 : vector<128x33x1xf32>
    %div3A_216 = arith.divf %broadcast_in_dim3A_210, %add3A_215 : vector<128x33x1xf32>
    %mul3A_217 = vector.broadcast %broadcast_in_dim3A_75 : vector<128x1x1xf32> to vector<128x33x1xf32>
    %mul3A_218 = arith.mulf %div3A_216, %mul3A_217 : vector<128x33x1xf32>
    %reduce_max3A_219 = arith.constant dense<0xFF800000> : vector<128x1xf32>
    %reduce_max3A_220 = vector.multi_reduction <maximumf>, %mul3A_218, %reduce_max3A_219 [1] : vector<128x33x1xf32> to vector<128x1xf32>
    %broadcast_in_dim3A_221 = vector.shape_cast %reduce_max3A_220 : vector<128x1xf32> to vector<128x1x1xf32>
    %sub3A_222 = vector.broadcast %broadcast_in_dim3A_221 : vector<128x1x1xf32> to vector<128x33x1xf32>
    %sub3A_223 = arith.subf %mul3A_218, %sub3A_222 : vector<128x33x1xf32>
    %exp3A_224 = math.exp %sub3A_223 : vector<128x33x1xf32>
    %reduce_sum3A_225 = arith.constant dense<0.000000e+00> : vector<128x1xf32>
    %reduce_sum3A_226 = vector.multi_reduction <add>, %exp3A_224, %reduce_sum3A_225 [1] : vector<128x33x1xf32> to vector<128x1xf32>
    %broadcast_in_dim3A_227 = vector.shape_cast %reduce_sum3A_226 : vector<128x1xf32> to vector<128x1x1xf32>
    %div3A_228 = vector.broadcast %broadcast_in_dim3A_227 : vector<128x1x1xf32> to vector<128x33x1xf32>
    %div3A_229 = arith.divf %exp3A_224, %div3A_228 : vector<128x33x1xf32>
    %mul3A_230 = vector.broadcast %div3A_229 : vector<128x33x1xf32> to vector<128x33x64xf32>
    %mul3A_231 = arith.mulf %mul3A_230, %add3A_66 : vector<128x33x64xf32>
    %reduce_sum3A_232 = arith.constant dense<0.000000e+00> : vector<128x64xf32>
    %reduce_sum3A_233 = vector.multi_reduction <add>, %mul3A_231, %reduce_sum3A_232 [1] : vector<128x33x64xf32> to vector<128x64xf32>
    %swap3A_234 = arith.constant 0 : index
    %swap3A_235 = arith.constant 3 : index
    %swap3A_236 = arith.constant 0 : index
    %swap3A_237 = vector.load %arg3[%swap3A_234, %swap3A_235, %swap3A_236] : memref<128x37x64xf32, #tpu.memory_space<vmem>>, vector<128x1x64xf32>
    %swap3A_238 = vector.shape_cast %swap3A_237 : vector<128x1x64xf32> to vector<128x64xf32>
    %swap3A_239 = vector.shape_cast %reduce_sum3A_233 : vector<128x64xf32> to vector<128x1x64xf32>
    tpu.vector_store %arg3[%swap3A_234, %swap3A_235, %swap3A_236], %swap3A_239 {strides = array<i32>} : memref<128x37x64xf32, #tpu.memory_space<vmem>>, vector<128x1x64xf32>,
    return
  }
}

</mosaic_0001>

<sc_bundles>
// kernel: kernel.5.cloned.1.call-start
scs
__scs_entry_jumppad:
0x0: {  	(pc) =	sbr.rel $0x88, $3  }
0x1: {  	(tag) =	ssettag $0x0;
	lr =	simm.s32 $0x1  }
0x2: {  	[smem:$0x3F9A] =	sst lr;
	_ =	strace $0xD0000000  }
0x3: {  	_ = 	snop  }
0x4: {  	_ = 	snop  }
0x5: {  	_ = 	snop  }
0x6: {  	_ = 	snop  }
0x7: {  	_ = 	snop  }
__scs_overlays_trampoline_lowered:
0x8: {  	[smem:$0x3FA9] =	sst s0  }
0x9: {  	[smem:$0x3FAA] =	sst s1  }
0xa: {  	[smem:$0x3FAB] =	sst s2  }
0xb: {  	[smem:$0x3FAC] =	sst s3  }
0xc: {  	[smem:$0x3FAD] =	sst s4  }
0xd: {  	[smem:$0x3FAE] =	sst s5  }
0xe: {  	[smem:$0x3FAF] =	sst s6  }
0xf: {  	[smem:$0x3FB0] =	sst s7  }
0x10: {  	[smem:$0x3FB1] =	sst s8  }
0x11: {  	[smem:$0x3FB2] =	sst s9;
	s0 =	simm.s32 @!p0 $0x0  }
0x12: {  	s1 =	sld [smem:$0x3F98];
	s0 =	simm.s32 @p0 $0x1  }
0x13: {  	[smem:$0x3FB3] =	sst s0;
	s0 =	simm.s32 @!p1 $0x0  }
0x14: {  	s2 =	sld [smem:$0x3F97];
	s0 =	simm.s32 @p1 $0x1  }
0x15: {  	[smem:$0x3FB4] =	sst s0;
	s0 =	simm.s32 @!p2 $0x0  }
0x16: {  	s3 =	sld [smem:$0x3FDB];
	s0 =	simm.s32 @p2 $0x1  }
0x17: {  	s4 =	simm.s32 $0x1BF5;
	[smem:$0x3FB6] =	sst s0  }
0x18: {  	s0 =	sld [smem:$0x3F99];
	_ =	swait.ge [sflag:s4], $0x0  }
0x19: {  	s7 =	sld [smem:$0x3F9A]  }
0x1a: {  	s8 =	sadd.s32 $0xFFFFE003, lr  }
0x1b: {  	s9 =	sadd.s32 $0xFFFFFEF7, lr;
	s5 =	simm.s32 $0xFFFFFFFF;
	p2 =	slt.u32 s8, $0xFFFFF086  }
0x1c: {  	p1 =	slt.u32 s9, $0xF7A;
	s5 =	simm.s32 @!p2 $0x0  }
0x1d: {  	s5 =	simm.s32 @p1 $0x1;
	p0 =	seq.s32 s7, s2  }
0x1e: {  	s7 =	smul.u32 @!p0 $0xF7A, s2;
	p2 =	seq.s32 @!p0 s5, $0x0  }
0x1f: {  	s9 =	smul.u32 $0xF7A, s1;
	s8 =	simm.s32 @!p0 $0x1BF5;
	p2 =	por !p2, p0  }
0x20: {  	[sflag:s8] =	ssyncset.s32 @!p0 $0xFFFFF086;
	s6 =	sadd.s32 @!p0 s3, s7;
	s7 =	simm.s32 @!p0 $0x108  }
0x21: {  	s3 =	sadd.s32 s3, s9;
	s6 =	sadd.s32 @!p0 $0x88, s6;
	s7 =	simm.s32 @p2 $0x1082  }
0x22: {  	[simem:s7], [sflag:s8] =	dma.local @!p0 [hbm:s6], $0xF7A  }
0x23: {  	s9 =	sor.u32 $0xD0000000, s2;
	s6 =	simm.s32 $0x108;
	_ =	swait.ge @!p0 [sflag:s8], $0x0  }
0x24: {  	s3 =	sadd.s32 $0x88, s3;
	s6 =	simm.s32 @!p1 $0x1082;
	[sflag:s4] =	ssyncset.s32 $0xFFFFF086  }
0x25: {  	[simem:s6], [sflag:s4] =	dma.local [hbm:s3], $0xF7A  }
0x26: {  	[smem:$0x3F9A] =	sst s1;
	(tag) =	ssettag s2;
	_ =	strace s9  }
0x27: {  	s1 =	sld [smem:$0x3FAA]  }
0x28: {  	s2 =	sld [smem:$0x3FAB]  }
0x29: {  	s4 =	sld [smem:$0x3FAD]  }
0x2a: {  	p0 =	seq.s32 s5, $0x0;
	s5 =	sld [smem:$0x3FAE]  }
0x2b: {  	s6 =	sld [smem:$0x3FAF]  }
0x2c: {  	s7 =	sld [smem:$0x3FB0]  }
0x2d: {  	s3 =	simm.s32 $0x108;
	s8 =	sld [smem:$0x3FB1]  }
0x2e: {  	s3 =	simm.s32 @!p0 $0x1082;
	s9 =	sld [smem:$0x3FB2]  }
0x2f: {  	lr =	sadd.s32 s0, s3;
	s0 =	sld [smem:$0x3FA9]  }
0x30: {  	s3 =	sld [smem:$0x3FAC]  }
0x31: {  	[smem:$0x3FB5] =	sst s10  }
0x32: {  	s10 =	sld [smem:$0x3FB3];
	_ =	sdelay $0x3  }
0x33: {  	p0 =	seq.s32 s10, $0x1;
	s10 =	sld [smem:$0x3FB5];
	_ =	sdelay $0x3  }
0x34: {  	[smem:$0x3FB5] =	sst s10  }
0x35: {  	s10 =	sld [smem:$0x3FB4];
	_ =	sdelay $0x3  }
0x36: {  	p1 =	seq.s32 s10, $0x1;
	s10 =	sld [smem:$0x3FB5];
	_ =	sdelay $0x3  }
0x37: {  	[smem:$0x3FB5] =	sst s10  }
0x38: {  	s10 =	sld [smem:$0x3FB6]  }
0x39: {  	_ = 	snop;
	(pc) =	sbr.ind lr, $3  }
0x3a: {  	_ = 	snop  }
0x3b: {  	_ = 	snop  }
0x3c: {  	p2 =	seq.s32 s10, $0x1;
	s10 =	sld [smem:$0x3FB5]  }
0x3d: {  	_ =	shalt  }
0x3e: {  	_ =	shalt  }
0x3f: {  	_ =	shalt  }
0x40: {  	_ =	shalt  }
0x41: {  	_ =	shalt  }
0x42: {  	_ =	shalt  }
0x43: {  	_ =	shalt  }
0x44: {  	_ =	shalt  }
0x45: {  	_ =	shalt  }
0x46: {  	_ =	shalt  }
0x47: {  	_ =	shalt  }
0x48: {  	_ =	shalt  }
0x49: {  	_ =	shalt  }
0x4a: {  	_ =	shalt  }
0x4b: {  	_ =	shalt  }
0x4c: {  	_ =	shalt  }
0x4d: {  	_ =	shalt  }
0x4e: {  	_ =	shalt  }
0x4f: {  	_ =	shalt  }
0x50: {  	_ =	shalt  }
0x51: {  	_ =	shalt  }
0x52: {  	_ =	shalt  }
0x53: {  	_ =	shalt  }
0x54: {  	_ =	shalt  }
0x55: {  	_ =	shalt  }
0x56: {  	_ =	shalt  }
0x57: {  	_ =	shalt  }
0x58: {  	_ =	shalt  }
0x59: {  	_ =	shalt  }
0x5a: {  	_ =	shalt  }
0x5b: {  	_ =	shalt  }
0x5c: {  	_ =	shalt  }
0x5d: {  	_ =	shalt  }
0x5e: {  	_ =	shalt  }
0x5f: {  	_ =	shalt  }
0x60: {  	_ =	shalt  }
0x61: {  	_ =	shalt  }
0x62: {  	_ =	shalt  }
0x63: {  	_ =	shalt  }
0x64: {  	_ =	shalt  }
0x65: {  	_ =	shalt  }
0x66: {  	_ =	shalt  }
0x67: {  	_ =	shalt  }
0x68: {  	_ =	shalt  }
0x69: {  	_ =	shalt  }
0x6a: {  	_ =	shalt  }
0x6b: {  	_ =	shalt  }
0x6c: {  	_ =	shalt  }
0x6d: {  	_ =	shalt  }
0x6e: {  	_ =	shalt  }
0x6f: {  	_ =	shalt  }
0x70: {  	_ =	shalt  }
0x71: {  	_ =	shalt  }
0x72: {  	_ =	shalt  }
0x73: {  	_ =	shalt  }
0x74: {  	_ =	shalt  }
0x75: {  	_ =	shalt  }
0x76: {  	_ =	shalt  }
0x77: {  	_ =	shalt  }
0x78: {  	_ =	shalt  }
0x79: {  	_ =	shalt  }
0x7a: {  	_ =	shalt  }
0x7b: {  	_ =	shalt  }
0x7c: {  	_ =	shalt  }
0x7d: {  	_ =	shalt  }
0x7e: {  	_ =	shalt  }
0x7f: {  	_ =	shalt  }
0x80: {  	_ =	shalt  }
0x81: {  	_ =	shalt  }
0x82: {  	_ =	shalt  }
0x83: {  	_ =	shalt  }
0x84: {  	_ =	shalt  }
0x85: {  	_ =	shalt  }
0x86: {  	_ =	shalt  }
0x87: {  	_ =	shalt  }
.Lfunc_end0:
.L_simem_size_0:
called_computation_lowered:
.L_overlay_start_0:
0x88: {  	s2 =	sld [smem:$0x3FD9]  }
0x89: {  	s3 =	sld [smem:$0x3FFE];
	_ =	sdelay $0x1  }
0x8a: {  	s1 =	srdreg.scid  }
0x8b: {  	s0 =	sand.u32 $0x1, s1  }
0x8c: {  	s22 =	sshll.u32 s0, $0xA;
	s2 =	sadd.s32 s3, s2  }
0x8d: {  	s2 =	sadd.s32 s2, s22  }
0x8e: {  	s4 =	simm.s32 $0x0;
	[smem:$0x3FC1] =	sst s2  }
0x8f: {  	[smem:$0xF] =	sst s4  }
0x90: {  	s2 =	sld [smem:$0x3FD0];
	(tm) =	ssettm $0x1  }
0x91: {  	s23 =	sld [smem:$0x3FFB];
	_ =	sdelay $0x3  }
0x92: {  	_ =	strace s23  }
0x93: {  	s3 =	sld [smem:$0x3FFC];
	_ =	sdelay $0x3  }
0x94: {  	_ =	strace s3  }
0x95: {  	s3 =	sld [smem:$0x3FFD];
	_ =	sdelay $0x3  }
0x96: {  	_ =	strace s3  }
0x97: {  	s24 =	simm.s32 $0x1B8B;
	_ =	strace $0x8FFFFFFF  }
0x98: {  	s7 =	smul.u32 $0x880, s0;
	_ =	swait.ge [sflag:s24], $0x1  }
0x99: {  	s5 =	simm.s32 $0x1B8E;
	s6 =	simm.s32 $0x9;
	[sflag:s24] =	ssyncset.done $0x0  }
0x9a: {  	s26 =	smul.u32 $0x110, s0;
	s28 =	sshrl.u32 s7, $0x3;
	[sflag:s24] =	ssyncadd.s32 $0xFFFFFFFF  }
0x9b: {  	s8 =	simm.s32 $0x10;
	s7 =	sadd.s32 s2, s28;
	[smem:$0x3FD2] =	sst s5  }
0x9c: {  	s25 =	sld [smem:$0x3FFE];
	s5 =	sadd.s32 s26, s2;
	_ =	strace $0x80000046  }
0x9d: {  	[smem:s8], [sflag:s6] =	dma.local [hbm:s5], $0x10  }
0x9e: {  	[smem:s8], [sflag:s6] =	dma.local [hbm:s5], $0x10  }
0x9f: {  	s29 =	simm.s32 $0x90;
	s2 =	sadd.s32 $0x10, s7;
	s8 =	simm.s32 $0xA  }
0xa0: {  	[smem:s29], [sflag:s8] =	dma.local [hbm:s2], $0x10  }
0xa1: {  	[smem:s29], [sflag:s8] =	dma.local [hbm:s2], $0x10  }
0xa2: {  	_ =	swait.ge [sflag:s6], $0x10  }
0xa3: {  	[sflag:s6] =	ssyncset.done $0x0  }
0xa4: {  	[sflag:s6] =	ssyncadd.s32 $0xFFFFFFF0  }
0xa5: {  	s9 =	sld [smem:$0x10];
	_ =	sdelay $0x1  }
0xa6: {  	s5 =	smul.u32 $0x8800, s0  }
0xa7: {  	s4 =	sand.u32 $0x40, s4;
	s3 =	sadd.s32 $0x801400, s25  }
0xa8: {  	s11 =	sadd.s32 s3, s4;
	s10 =	sadd.s32 $0x0, s5;
	s9 =	sshll.u32 s9, $0x4  }
0xa9: {  	s2 =	sadd.s32 $0x1400, s25;
	s10 =	sand.u32 $0xFF80, s10;
	s9 =	sand.u32 $0x1FFFFFF0, s9  }
0xaa: {  	s4 =	simm.s32 $0xB;
	s10 =	sadd.s32 s10, s11;
	s9 =	sadd.s32 s2, s9  }
0xab: {  	[hbm:s10], [sflag:s4] =	dma.local [hbm:s9], $0x10  }
0xac: {  	s9 =	sld [smem:$0x11];
	_ =	sdelay $0x3  }
0xad: {  	s9 =	sshll.u32 s9, $0x4  }
0xae: {  	s9 =	sand.u32 $0x1FFFFFF0, s9  }
0xaf: {  	s11 =	sadd.s32 $0x10, s10;
	s9 =	sadd.s32 s2, s9  }
0xb0: {  	[hbm:s11], [sflag:s4] =	dma.local [hbm:s9], $0x10  }
0xb1: {  	s9 =	sld [smem:$0x12];
	_ =	sdelay $0x3  }
0xb2: {  	s9 =	sshll.u32 s9, $0x4  }
0xb3: {  	s9 =	sand.u32 $0x1FFFFFF0, s9  }
0xb4: {  	s30 =	sadd.s32 $0x20, s10;
	s9 =	sadd.s32 s2, s9  }
0xb5: {  	[hbm:s30], [sflag:s4] =	dma.local [hbm:s9], $0x10  }
0xb6: {  	s9 =	sld [smem:$0x13];
	_ =	sdelay $0x3  }
0xb7: {  	s31 =	sshll.u32 s9, $0x4  }
0xb8: {  	s11 =	sadd.s32 $0x30, s10;
	s12 =	sand.u32 $0x1FFFFFF0, s31  }
0xb9: {  	s10 =	simm.s32 $0x16;
	s9 =	simm.s32 $0x40;
	s12 =	sadd.s32 s2, s12  }
.LBB1_1:
0xba: {  	[hbm:s11], [sflag:s4] =	dma.local [hbm:s12], $0x10  }
0xbb: {  	s11 =	smov.u32 s9  }
0xbc: {  	p0 =	sne.s32 s9, $0x7C0;
	s9 =	sadd.s32 $0x40, s9;
	s12 =	sld [smem:s10+$0xFFFFFFFE]  }
0xbd: {  	_ =	sdelay $0x2  }
0xbe: {  	s13 =	sadd.s32 s11, s5;
	s11 =	sand.u32 $0x40, s11;
	s12 =	sshll.u32 s12, $0x4  }
0xbf: {  	s13 =	sand.u32 $0xFF80, s13;
	s11 =	sadd.s32 s3, s11;
	s12 =	sand.u32 $0x1FFFFFF0, s12  }
0xc0: {  	s11 =	sadd.s32 s13, s11;
	s12 =	sadd.s32 s2, s12  }
0xc1: {  	[hbm:s11], [sflag:s4] =	dma.local [hbm:s12], $0x10  }
0xc2: {  	s12 =	sld [smem:s10+$0xFFFFFFFF];
	_ =	sdelay $0x3  }
0xc3: {  	s12 =	sshll.u32 s12, $0x4  }
0xc4: {  	s12 =	sand.u32 $0x1FFFFFF0, s12  }
0xc5: {  	s13 =	sadd.s32 $0x10, s11;
	s12 =	sadd.s32 s2, s12  }
0xc6: {  	[hbm:s13], [sflag:s4] =	dma.local [hbm:s12], $0x10  }
0xc7: {  	s12 =	sld [smem:s10+$0x0];
	_ =	sdelay $0x3  }
0xc8: {  	s12 =	sshll.u32 s12, $0x4  }
0xc9: {  	s12 =	sand.u32 $0x1FFFFFF0, s12  }
0xca: {  	s13 =	sadd.s32 $0x20, s11;
	s12 =	sadd.s32 s2, s12  }
0xcb: {  	[hbm:s13], [sflag:s4] =	dma.local [hbm:s12], $0x10  }
0xcc: {  	s12 =	sld [smem:s10+$0x1];
	_ =	sdelay $0x2  }
.Ltmp0:
0xcd: {  	(pc) =	sbr.rel @p0 .LBB1_1-.Ltmp0, $3  }
0xce: {  	s12 =	sshll.u32 s12, $0x4  }
0xcf: {  	s12 =	sand.u32 $0x1FFFFFF0, s12  }
0xd0: {  	s11 =	sadd.s32 $0x30, s11;
	s10 =	sadd.s32 $0x4, s10;
	s12 =	sadd.s32 s2, s12  }
0xd1: {  	[hbm:s11], [sflag:s4] =	dma.local [hbm:s12], $0x10  }
0xd2: {  	s9 =	sadd.s32 $0x20, s7;
	s10 =	simm.s32 $0x10;
	s25 =	simm.s32 $0xA  }
0xd3: {  	[smem:s10], [sflag:s6] =	dma.local [hbm:s9], $0x10  }
0xd4: {  	[smem:s10], [sflag:s6] =	dma.local [hbm:s9], $0x10  }
0xd5: {  	_ =	swait.ge [sflag:s25], $0x10  }
0xd6: {  	[sflag:s25] =	ssyncset.done $0x0  }
0xd7: {  	[sflag:s25] =	ssyncadd.s32 $0xFFFFFFF0  }
0xd8: {  	s26 =	sld [smem:$0x90];
	_ =	sdelay $0x2  }
0xd9: {  	s28 =	simm.s32 $0x0;
	s9 =	sadd.s32 $0x800, s5  }
0xda: {  	s11 =	sand.u32 $0x40, s28;
	s29 =	sadd.s32 $0x0, s9;
	s10 =	sshll.u32 s26, $0x4  }
0xdb: {  	s11 =	sadd.s32 s3, s11;
	s12 =	sand.u32 $0x1FF80, s29;
	s10 =	sand.u32 $0x1FFFFFF0, s10  }
0xdc: {  	s11 =	sadd.s32 s12, s11;
	s10 =	sadd.s32 s2, s10  }
0xdd: {  	[hbm:s11], [sflag:s4] =	dma.local [hbm:s10], $0x10  }
0xde: {  	s10 =	sld [smem:$0x91];
	_ =	sdelay $0x3  }
0xdf: {  	s10 =	sshll.u32 s10, $0x4  }
0xe0: {  	s10 =	sand.u32 $0x1FFFFFF0, s10  }
0xe1: {  	s12 =	sadd.s32 $0x10, s11;
	s10 =	sadd.s32 s2, s10  }
0xe2: {  	[hbm:s12], [sflag:s4] =	dma.local [hbm:s10], $0x10  }
0xe3: {  	s10 =	sld [smem:$0x92];
	_ =	sdelay $0x3  }
0xe4: {  	s10 =	sshll.u32 s10, $0x4  }
0xe5: {  	s10 =	sand.u32 $0x1FFFFFF0, s10  }
0xe6: {  	s30 =	sadd.s32 $0x20, s11;
	s10 =	sadd.s32 s2, s10  }
0xe7: {  	[hbm:s30], [sflag:s4] =	dma.local [hbm:s10], $0x10  }
0xe8: {  	s10 =	sld [smem:$0x93];
	_ =	sdelay $0x3  }
0xe9: {  	s31 =	sshll.u32 s10, $0x4  }
0xea: {  	s12 =	sadd.s32 $0x30, s11;
	s13 =	sand.u32 $0x1FFFFFF0, s31  }
0xeb: {  	s11 =	simm.s32 $0x97;
	s10 =	simm.s32 $0x40;
	s13 =	sadd.s32 s2, s13  }
.LBB1_3:
0xec: {  	[hbm:s12], [sflag:s4] =	dma.local [hbm:s13], $0x10  }
0xed: {  	s12 =	smov.u32 s10  }
0xee: {  	p0 =	sne.s32 s10, $0x7C0;
	s10 =	sadd.s32 $0x40, s10;
	s13 =	sld [smem:s11+$0xFFFFFFFD]  }
0xef: {  	_ =	sdelay $0x2  }
0xf0: {  	s14 =	sadd.s32 s12, s9;
	s12 =	sand.u32 $0x40, s12;
	s13 =	sshll.u32 s13, $0x4  }
0xf1: {  	s14 =	sand.u32 $0x1FF80, s14;
	s12 =	sadd.s32 s3, s12;
	s13 =	sand.u32 $0x1FFFFFF0, s13  }
0xf2: {  	s12 =	sadd.s32 s14, s12;
	s13 =	sadd.s32 s2, s13  }
0xf3: {  	[hbm:s12], [sflag:s4] =	dma.local [hbm:s13], $0x10  }
0xf4: {  	s13 =	sld [smem:s11+$0xFFFFFFFE];
	_ =	sdelay $0x3  }
0xf5: {  	s13 =	sshll.u32 s13, $0x4  }
0xf6: {  	s13 =	sand.u32 $0x1FFFFFF0, s13  }
0xf7: {  	s14 =	sadd.s32 $0x10, s12;
	s13 =	sadd.s32 s2, s13  }
0xf8: {  	[hbm:s14], [sflag:s4] =	dma.local [hbm:s13], $0x10  }
0xf9: {  	s13 =	sld [smem:s11+$0xFFFFFFFF];
	_ =	sdelay $0x3  }
0xfa: {  	s13 =	sshll.u32 s13, $0x4  }
0xfb: {  	s13 =	sand.u32 $0x1FFFFFF0, s13  }
0xfc: {  	s14 =	sadd.s32 $0x20, s12;
	s13 =	sadd.s32 s2, s13  }
0xfd: {  	[hbm:s14], [sflag:s4] =	dma.local [hbm:s13], $0x10  }
0xfe: {  	s13 =	sld [smem:s11+$0x0];
	_ =	sdelay $0x2  }
.Ltmp1:
0xff: {  	(pc) =	sbr.rel @p0 .LBB1_3-.Ltmp1, $3  }
0x100: {  	s13 =	sshll.u32 s13, $0x4  }
0x101: {  	s13 =	sand.u32 $0x1FFFFFF0, s13  }
0x102: {  	s12 =	sadd.s32 $0x30, s12;
	s11 =	sadd.s32 $0x4, s11;
	s13 =	sadd.s32 s2, s13  }
0x103: {  	[hbm:s12], [sflag:s4] =	dma.local [hbm:s13], $0x10  }
0x104: {  	s9 =	sadd.s32 $0x30, s7;
	s10 =	simm.s32 $0x90;
	s25 =	simm.s32 $0x9  }
0x105: {  	[smem:s10], [sflag:s8] =	dma.local [hbm:s9], $0x10  }
0x106: {  	[smem:s10], [sflag:s8] =	dma.local [hbm:s9], $0x10  }
0x107: {  	_ =	swait.ge [sflag:s25], $0x10  }
0x108: {  	[sflag:s25] =	ssyncset.done $0x0  }
0x109: {  	[sflag:s25] =	ssyncadd.s32 $0xFFFFFFF0  }
0x10a: {  	s26 =	sld [smem:$0x10];
	_ =	sdelay $0x2  }
0x10b: {  	s11 =	simm.s32 $0x0;
	s9 =	sadd.s32 $0x1000, s5  }
0x10c: {  	s11 =	sand.u32 $0x40, s11;
	s28 =	sadd.s32 $0x0, s9;
	s10 =	sshll.u32 s26, $0x4  }
0x10d: {  	s11 =	sadd.s32 s3, s11;
	s12 =	sand.u32 $0x1FF80, s28;
	s10 =	sand.u32 $0x1FFFFFF0, s10  }
0x10e: {  	s11 =	sadd.s32 s12, s11;
	s10 =	sadd.s32 s2, s10  }
0x10f: {  	[hbm:s11], [sflag:s4] =	dma.local [hbm:s10], $0x10  }
0x110: {  	s10 =	sld [smem:$0x11];
	_ =	sdelay $0x3  }
0x111: {  	s10 =	sshll.u32 s10, $0x4  }
0x112: {  	s10 =	sand.u32 $0x1FFFFFF0, s10  }
0x113: {  	s12 =	sadd.s32 $0x10, s11;
	s10 =	sadd.s32 s2, s10  }
0x114: {  	[hbm:s12], [sflag:s4] =	dma.local [hbm:s10], $0x10  }
0x115: {  	s10 =	sld [smem:$0x12];
	_ =	sdelay $0x3  }
0x116: {  	s10 =	sshll.u32 s10, $0x4  }
0x117: {  	s10 =	sand.u32 $0x1FFFFFF0, s10  }
0x118: {  	s29 =	sadd.s32 $0x20, s11;
	s10 =	sadd.s32 s2, s10  }
0x119: {  	[hbm:s29], [sflag:s4] =	dma.local [hbm:s10], $0x10  }
0x11a: {  	s10 =	sld [smem:$0x13];
	_ =	sdelay $0x3  }
0x11b: {  	s30 =	sshll.u32 s10, $0x4  }
0x11c: {  	s12 =	sadd.s32 $0x30, s11;
	s31 =	sand.u32 $0x1FFFFFF0, s30  }
0x11d: {  	s11 =	simm.s32 $0x16;
	s10 =	simm.s32 $0x40;
	s13 =	sadd.s32 s2, s31  }
.LBB1_5:
0x11e: {  	[hbm:s12], [sflag:s4] =	dma.local [hbm:s13], $0x10  }
0x11f: {  	s12 =	smov.u32 s10  }
0x120: {  	p0 =	sne.s32 s10, $0x7C0;
	s10 =	sadd.s32 $0x40, s10;
	s13 =	sld [smem:s11+$0xFFFFFFFE]  }
0x121: {  	_ =	sdelay $0x2  }
0x122: {  	s14 =	sadd.s32 s12, s9;
	s12 =	sand.u32 $0x40, s12;
	s13 =	sshll.u32 s13, $0x4  }
0x123: {  	s14 =	sand.u32 $0x1FF80, s14;
	s12 =	sadd.s32 s3, s12;
	s13 =	sand.u32 $0x1FFFFFF0, s13  }
0x124: {  	s12 =	sadd.s32 s14, s12;
	s13 =	sadd.s32 s2, s13  }
0x125: {  	[hbm:s12], [sflag:s4] =	dma.local [hbm:s13], $0x10  }
0x126: {  	s13 =	sld [smem:s11+$0xFFFFFFFF];
	_ =	sdelay $0x3  }
0x127: {  	s13 =	sshll.u32 s13, $0x4  }
0x128: {  	s13 =	sand.u32 $0x1FFFFFF0, s13  }
0x129: {  	s14 =	sadd.s32 $0x10, s12;
	s13 =	sadd.s32 s2, s13  }
0x12a: {  	[hbm:s14], [sflag:s4] =	dma.local [hbm:s13], $0x10  }
0x12b: {  	s13 =	sld [smem:s11+$0x0];
	_ =	sdelay $0x3  }
0x12c: {  	s13 =	sshll.u32 s13, $0x4  }
0x12d: {  	s13 =	sand.u32 $0x1FFFFFF0, s13  }
0x12e: {  	s14 =	sadd.s32 $0x20, s12;
	s13 =	sadd.s32 s2, s13  }
0x12f: {  	[hbm:s14], [sflag:s4] =	dma.local [hbm:s13], $0x10  }
0x130: {  	s13 =	sld [smem:s11+$0x1];
	_ =	sdelay $0x2  }
.Ltmp2:
0x131: {  	(pc) =	sbr.rel @p0 .LBB1_5-.Ltmp2, $3  }
0x132: {  	s13 =	sshll.u32 s13, $0x4  }
0x133: {  	s13 =	sand.u32 $0x1FFFFFF0, s13  }
0x134: {  	s12 =	sadd.s32 $0x30, s12;
	s11 =	sadd.s32 $0x4, s11;
	s13 =	sadd.s32 s2, s13  }
0x135: {  	[hbm:s12], [sflag:s4] =	dma.local [hbm:s13], $0x10  }
0x136: {  	s9 =	sadd.s32 $0x40, s7;
	s10 =	simm.s32 $0x10;
	s25 =	simm.s32 $0xA  }
0x137: {  	[smem:s10], [sflag:s6] =	dma.local [hbm:s9], $0x10  }
0x138: {  	[smem:s10], [sflag:s6] =	dma.local [hbm:s9], $0x10  }
0x139: {  	_ =	swait.ge [sflag:s25], $0x10  }
0x13a: {  	[sflag:s25] =	ssyncset.done $0x0  }
0x13b: {  	[sflag:s25] =	ssyncadd.s32 $0xFFFFFFF0  }
0x13c: {  	s26 =	sld [smem:$0x90];
	_ =	sdelay $0x2  }
0x13d: {  	s11 =	simm.s32 $0x0;
	s9 =	sadd.s32 $0x1800, s5  }
0x13e: {  	s11 =	sand.u32 $0x40, s11;
	s28 =	sadd.s32 $0x0, s9;
	s10 =	sshll.u32 s26, $0x4  }
0x13f: {  	s11 =	sadd.s32 s3, s11;
	s12 =	sand.u32 $0x1FF80, s28;
	s10 =	sand.u32 $0x1FFFFFF0, s10  }
0x140: {  	s11 =	sadd.s32 s12, s11;
	s10 =	sadd.s32 s2, s10  }
0x141: {  	[hbm:s11], [sflag:s4] =	dma.local [hbm:s10], $0x10  }
0x142: {  	s10 =	sld [smem:$0x91];
	_ =	sdelay $0x3  }
0x143: {  	s10 =	sshll.u32 s10, $0x4  }
0x144: {  	s10 =	sand.u32 $0x1FFFFFF0, s10  }
0x145: {  	s12 =	sadd.s32 $0x10, s11;
	s10 =	sadd.s32 s2, s10  }
0x146: {  	[hbm:s12], [sflag:s4] =	dma.local [hbm:s10], $0x10  }
0x147: {  	s10 =	sld [smem:$0x92];
	_ =	sdelay $0x3  }
0x148: {  	s10 =	sshll.u32 s10, $0x4  }
0x149: {  	s10 =	sand.u32 $0x1FFFFFF0, s10  }
0x14a: {  	s29 =	sadd.s32 $0x20, s11;
	s10 =	sadd.s32 s2, s10  }
0x14b: {  	[hbm:s29], [sflag:s4] =	dma.local [hbm:s10], $0x10  }
0x14c: {  	s10 =	sld [smem:$0x93];
	_ =	sdelay $0x3  }
0x14d: {  	s30 =	sshll.u32 s10, $0x4  }
0x14e: {  	s12 =	sadd.s32 $0x30, s11;
	s31 =	sand.u32 $0x1FFFFFF0, s30  }
0x14f: {  	s11 =	simm.s32 $0x97;
	s10 =	simm.s32 $0x40;
	s13 =	sadd.s32 s2, s31  }
.LBB1_7:
0x150: {  	[hbm:s12], [sflag:s4] =	dma.local [hbm:s13], $0x10  }
0x151: {  	s12 =	smov.u32 s10  }
0x152: {  	p0 =	sne.s32 s10, $0x7C0;
	s10 =	sadd.s32 $0x40, s10;
	s13 =	sld [smem:s11+$0xFFFFFFFD]  }
0x153: {  	_ =	sdelay $0x2  }
0x154: {  	s14 =	sadd.s32 s12, s9;
	s12 =	sand.u32 $0x40, s12;
	s13 =	sshll.u32 s13, $0x4  }
0x155: {  	s14 =	sand.u32 $0x1FF80, s14;
	s12 =	sadd.s32 s3, s12;
	s13 =	sand.u32 $0x1FFFFFF0, s13  }
0x156: {  	s12 =	sadd.s32 s14, s12;
	s13 =	sadd.s32 s2, s13  }
0x157: {  	[hbm:s12], [sflag:s4] =	dma.local [hbm:s13], $0x10  }
0x158: {  	s13 =	sld [smem:s11+$0xFFFFFFFE];
	_ =	sdelay $0x3  }
0x159: {  	s13 =	sshll.u32 s13, $0x4  }
0x15a: {  	s13 =	sand.u32 $0x1FFFFFF0, s13  }
0x15b: {  	s14 =	sadd.s32 $0x10, s12;
	s13 =	sadd.s32 s2, s13  }
0x15c: {  	[hbm:s14], [sflag:s4] =	dma.local [hbm:s13], $0x10  }
0x15d: {  	s13 =	sld [smem:s11+$0xFFFFFFFF];
	_ =	sdelay $0x3  }
0x15e: {  	s13 =	sshll.u32 s13, $0x4  }
0x15f: {  	s13 =	sand.u32 $0x1FFFFFF0, s13  }
0x160: {  	s14 =	sadd.s32 $0x20, s12;
	s13 =	sadd.s32 s2, s13  }
0x161: {  	[hbm:s14], [sflag:s4] =	dma.local [hbm:s13], $0x10  }
0x162: {  	s13 =	sld [smem:s11+$0x0];
	_ =	sdelay $0x2  }
.Ltmp3:
0x163: {  	(pc) =	sbr.rel @p0 .LBB1_7-.Ltmp3, $3  }
0x164: {  	s13 =	sshll.u32 s13, $0x4  }
0x165: {  	s13 =	sand.u32 $0x1FFFFFF0, s13  }
0x166: {  	s12 =	sadd.s32 $0x30, s12;
	s11 =	sadd.s32 $0x4, s11;
	s13 =	sadd.s32 s2, s13  }
0x167: {  	[hbm:s12], [sflag:s4] =	dma.local [hbm:s13], $0x10  }
0x168: {  	s9 =	sadd.s32 $0x50, s7;
	s10 =	simm.s32 $0x90;
	s25 =	simm.s32 $0x9  }
0x169: {  	[smem:s10], [sflag:s8] =	dma.local [hbm:s9], $0x10  }
0x16a: {  	[smem:s10], [sflag:s8] =	dma.local [hbm:s9], $0x10  }
0x16b: {  	_ =	swait.ge [sflag:s25], $0x10  }
0x16c: {  	[sflag:s25] =	ssyncset.done $0x0  }
0x16d: {  	[sflag:s25] =	ssyncadd.s32 $0xFFFFFFF0  }
0x16e: {  	s26 =	sld [smem:$0x10];
	_ =	sdelay $0x2  }
0x16f: {  	s11 =	simm.s32 $0x0;
	s9 =	sadd.s32 $0x2000, s5  }
0x170: {  	s11 =	sand.u32 $0x40, s11;
	s28 =	sadd.s32 $0x0, s9;
	s10 =	sshll.u32 s26, $0x4  }
0x171: {  	s11 =	sadd.s32 s3, s11;
	s12 =	sand.u32 $0x1FF80, s28;
	s10 =	sand.u32 $0x1FFFFFF0, s10  }
0x172: {  	s11 =	sadd.s32 s12, s11;
	s10 =	sadd.s32 s2, s10  }
0x173: {  	[hbm:s11], [sflag:s4] =	dma.local [hbm:s10], $0x10  }
0x174: {  	s10 =	sld [smem:$0x11];
	_ =	sdelay $0x3  }
0x175: {  	s10 =	sshll.u32 s10, $0x4  }
0x176: {  	s10 =	sand.u32 $0x1FFFFFF0, s10  }
0x177: {  	s12 =	sadd.s32 $0x10, s11;
	s10 =	sadd.s32 s2, s10  }
0x178: {  	[hbm:s12], [sflag:s4] =	dma.local [hbm:s10], $0x10  }
0x179: {  	s10 =	sld [smem:$0x12];
	_ =	sdelay $0x3  }
0x17a: {  	s10 =	sshll.u32 s10, $0x4  }
0x17b: {  	s10 =	sand.u32 $0x1FFFFFF0, s10  }
0x17c: {  	s29 =	sadd.s32 $0x20, s11;
	s10 =	sadd.s32 s2, s10  }
0x17d: {  	[hbm:s29], [sflag:s4] =	dma.local [hbm:s10], $0x10  }
0x17e: {  	s10 =	sld [smem:$0x13];
	_ =	sdelay $0x3  }
0x17f: {  	s30 =	sshll.u32 s10, $0x4  }
0x180: {  	s12 =	sadd.s32 $0x30, s11;
	s31 =	sand.u32 $0x1FFFFFF0, s30  }
0x181: {  	s11 =	simm.s32 $0x16;
	s10 =	simm.s32 $0x40;
	s13 =	sadd.s32 s2, s31  }
.LBB1_9:
0x182: {  	[hbm:s12], [sflag:s4] =	dma.local [hbm:s13], $0x10  }
0x183: {  	s12 =	smov.u32 s10  }
0x184: {  	p0 =	sne.s32 s10, $0x7C0;
	s10 =	sadd.s32 $0x40, s10;
	s13 =	sld [smem:s11+$0xFFFFFFFE]  }
0x185: {  	_ =	sdelay $0x2  }
0x186: {  	s14 =	sadd.s32 s12, s9;
	s12 =	sand.u32 $0x40, s12;
	s13 =	sshll.u32 s13, $0x4  }
0x187: {  	s14 =	sand.u32 $0x1FF80, s14;
	s12 =	sadd.s32 s3, s12;
	s13 =	sand.u32 $0x1FFFFFF0, s13  }
0x188: {  	s12 =	sadd.s32 s14, s12;
	s13 =	sadd.s32 s2, s13  }
0x189: {  	[hbm:s12], [sflag:s4] =	dma.local [hbm:s13], $0x10  }
0x18a: {  	s13 =	sld [smem:s11+$0xFFFFFFFF];
	_ =	sdelay $0x3  }
0x18b: {  	s13 =	sshll.u32 s13, $0x4  }
0x18c: {  	s13 =	sand.u32 $0x1FFFFFF0, s13  }
0x18d: {  	s14 =	sadd.s32 $0x10, s12;
	s13 =	sadd.s32 s2, s13  }
0x18e: {  	[hbm:s14], [sflag:s4] =	dma.local [hbm:s13], $0x10  }
0x18f: {  	s13 =	sld [smem:s11+$0x0];
	_ =	sdelay $0x3  }
0x190: {  	s13 =	sshll.u32 s13, $0x4  }
0x191: {  	s13 =	sand.u32 $0x1FFFFFF0, s13  }
0x192: {  	s14 =	sadd.s32 $0x20, s12;
	s13 =	sadd.s32 s2, s13  }
0x193: {  	[hbm:s14], [sflag:s4] =	dma.local [hbm:s13], $0x10  }
0x194: {  	s13 =	sld [smem:s11+$0x1];
	_ =	sdelay $0x2  }
.Ltmp4:
0x195: {  	(pc) =	sbr.rel @p0 .LBB1_9-.Ltmp4, $3  }
0x196: {  	s13 =	sshll.u32 s13, $0x4  }
0x197: {  	s13 =	sand.u32 $0x1FFFFFF0, s13  }
0x198: {  	s12 =	sadd.s32 $0x30, s12;
	s11 =	sadd.s32 $0x4, s11;
	s13 =	sadd.s32 s2, s13  }
0x199: {  	[hbm:s12], [sflag:s4] =	dma.local [hbm:s13], $0x10  }
0x19a: {  	s9 =	sadd.s32 $0x60, s7;
	s10 =	simm.s32 $0x10;
	s25 =	simm.s32 $0xA  }
0x19b: {  	[smem:s10], [sflag:s6] =	dma.local [hbm:s9], $0x10  }
0x19c: {  	[smem:s10], [sflag:s6] =	dma.local [hbm:s9], $0x10  }
0x19d: {  	_ =	swait.ge [sflag:s25], $0x10  }
0x19e: {  	[sflag:s25] =	ssyncset.done $0x0  }
0x19f: {  	[sflag:s25] =	ssyncadd.s32 $0xFFFFFFF0  }
0x1a0: {  	s26 =	sld [smem:$0x90];
	_ =	sdelay $0x2  }
0x1a1: {  	s11 =	simm.s32 $0x0;
	s9 =	sadd.s32 $0x2800, s5  }
0x1a2: {  	s11 =	sand.u32 $0x40, s11;
	s28 =	sadd.s32 $0x0, s9;
	s10 =	sshll.u32 s26, $0x4  }
0x1a3: {  	s11 =	sadd.s32 s3, s11;
	s12 =	sand.u32 $0x1FF80, s28;
	s10 =	sand.u32 $0x1FFFFFF0, s10  }
0x1a4: {  	s11 =	sadd.s32 s12, s11;
	s10 =	sadd.s32 s2, s10  }
0x1a5: {  	[hbm:s11], [sflag:s4] =	dma.local [hbm:s10], $0x10  }
0x1a6: {  	s10 =	sld [smem:$0x91];
	_ =	sdelay $0x3  }
0x1a7: {  	s10 =	sshll.u32 s10, $0x4  }
0x1a8: {  	s10 =	sand.u32 $0x1FFFFFF0, s10  }
0x1a9: {  	s12 =	sadd.s32 $0x10, s11;
	s10 =	sadd.s32 s2, s10  }
0x1aa: {  	[hbm:s12], [sflag:s4] =	dma.local [hbm:s10], $0x10  }
0x1ab: {  	s10 =	sld [smem:$0x92];
	_ =	sdelay $0x3  }
0x1ac: {  	s10 =	sshll.u32 s10, $0x4  }
0x1ad: {  	s10 =	sand.u32 $0x1FFFFFF0, s10  }
0x1ae: {  	s29 =	sadd.s32 $0x20, s11;
	s10 =	sadd.s32 s2, s10  }
0x1af: {  	[hbm:s29], [sflag:s4] =	dma.local [hbm:s10], $0x10  }
0x1b0: {  	s10 =	sld [smem:$0x93];
	_ =	sdelay $0x3  }
0x1b1: {  	s30 =	sshll.u32 s10, $0x4  }
0x1b2: {  	s12 =	sadd.s32 $0x30, s11;
	s31 =	sand.u32 $0x1FFFFFF0, s30  }
0x1b3: {  	s11 =	simm.s32 $0x97;
	s10 =	simm.s32 $0x40;
	s13 =	sadd.s32 s2, s31  }
.LBB1_11:
0x1b4: {  	[hbm:s12], [sflag:s4] =	dma.local [hbm:s13], $0x10  }
0x1b5: {  	s12 =	smov.u32 s10  }
0x1b6: {  	p0 =	sne.s32 s10, $0x7C0;
	s10 =	sadd.s32 $0x40, s10;
	s13 =	sld [smem:s11+$0xFFFFFFFD]  }
0x1b7: {  	_ =	sdelay $0x2  }
0x1b8: {  	s14 =	sadd.s32 s12, s9;
	s12 =	sand.u32 $0x40, s12;
	s13 =	sshll.u32 s13, $0x4  }
0x1b9: {  	s14 =	sand.u32 $0x1FF80, s14;
	s12 =	sadd.s32 s3, s12;
	s13 =	sand.u32 $0x1FFFFFF0, s13  }
0x1ba: {  	s12 =	sadd.s32 s14, s12;
	s13 =	sadd.s32 s2, s13  }
0x1bb: {  	[hbm:s12], [sflag:s4] =	dma.local [hbm:s13], $0x10  }
0x1bc: {  	s13 =	sld [smem:s11+$0xFFFFFFFE];
	_ =	sdelay $0x3  }
0x1bd: {  	s13 =	sshll.u32 s13, $0x4  }
0x1be: {  	s13 =	sand.u32 $0x1FFFFFF0, s13  }
0x1bf: {  	s14 =	sadd.s32 $0x10, s12;
	s13 =	sadd.s32 s2, s13  }
0x1c0: {  	[hbm:s14], [sflag:s4] =	dma.local [hbm:s13], $0x10  }
0x1c1: {  	s13 =	sld [smem:s11+$0xFFFFFFFF];
	_ =	sdelay $0x3  }
0x1c2: {  	s13 =	sshll.u32 s13, $0x4  }
0x1c3: {  	s13 =	sand.u32 $0x1FFFFFF0, s13  }
0x1c4: {  	s14 =	sadd.s32 $0x20, s12;
	s13 =	sadd.s32 s2, s13  }
0x1c5: {  	[hbm:s14], [sflag:s4] =	dma.local [hbm:s13], $0x10  }
0x1c6: {  	s13 =	sld [smem:s11+$0x0];
	_ =	sdelay $0x2  }
.Ltmp5:
0x1c7: {  	(pc) =	sbr.rel @p0 .LBB1_11-.Ltmp5, $3  }
0x1c8: {  	s13 =	sshll.u32 s13, $0x4  }
0x1c9: {  	s13 =	sand.u32 $0x1FFFFFF0, s13  }
0x1ca: {  	s12 =	sadd.s32 $0x30, s12;
	s11 =	sadd.s32 $0x4, s11;
	s13 =	sadd.s32 s2, s13  }
0x1cb: {  	[hbm:s12], [sflag:s4] =	dma.local [hbm:s13], $0x10  }
0x1cc: {  	s9 =	sadd.s32 $0x70, s7;
	s10 =	simm.s32 $0x90;
	s25 =	simm.s32 $0x9  }
0x1cd: {  	[smem:s10], [sflag:s8] =	dma.local [hbm:s9], $0x10  }
0x1ce: {  	[smem:s10], [sflag:s8] =	dma.local [hbm:s9], $0x10  }
0x1cf: {  	_ =	swait.ge [sflag:s25], $0x10  }
0x1d0: {  	[sflag:s25] =	ssyncset.done $0x0  }
0x1d1: {  	[sflag:s25] =	ssyncadd.s32 $0xFFFFFFF0  }
0x1d2: {  	s26 =	sld [smem:$0x10];
	_ =	sdelay $0x2  }
0x1d3: {  	s11 =	simm.s32 $0x0;
	s9 =	sadd.s32 $0x3000, s5  }
0x1d4: {  	s11 =	sand.u32 $0x40, s11;
	s28 =	sadd.s32 $0x0, s9;
	s10 =	sshll.u32 s26, $0x4  }
0x1d5: {  	s11 =	sadd.s32 s3, s11;
	s12 =	sand.u32 $0x1FF80, s28;
	s10 =	sand.u32 $0x1FFFFFF0, s10  }
0x1d6: {  	s11 =	sadd.s32 s12, s11;
	s10 =	sadd.s32 s2, s10  }
0x1d7: {  	[hbm:s11], [sflag:s4] =	dma.local [hbm:s10], $0x10  }
0x1d8: {  	s10 =	sld [smem:$0x11];
	_ =	sdelay $0x3  }
0x1d9: {  	s10 =	sshll.u32 s10, $0x4  }
0x1da: {  	s10 =	sand.u32 $0x1FFFFFF0, s10  }
0x1db: {  	s12 =	sadd.s32 $0x10, s11;
	s10 =	sadd.s32 s2, s10  }
0x1dc: {  	[hbm:s12], [sflag:s4] =	dma.local [hbm:s10], $0x10  }
0x1dd: {  	s10 =	sld [smem:$0x12];
	_ =	sdelay $0x3  }
0x1de: {  	s10 =	sshll.u32 s10, $0x4  }
0x1df: {  	s10 =	sand.u32 $0x1FFFFFF0, s10  }
0x1e0: {  	s29 =	sadd.s32 $0x20, s11;
	s10 =	sadd.s32 s2, s10  }
0x1e1: {  	[hbm:s29], [sflag:s4] =	dma.local [hbm:s10], $0x10  }
0x1e2: {  	s10 =	sld [smem:$0x13];
	_ =	sdelay $0x3  }
0x1e3: {  	s30 =	sshll.u32 s10, $0x4  }
0x1e4: {  	s12 =	sadd.s32 $0x30, s11;
	s31 =	sand.u32 $0x1FFFFFF0, s30  }
0x1e5: {  	s11 =	simm.s32 $0x16;
	s10 =	simm.s32 $0x40;
	s13 =	sadd.s32 s2, s31  }
.LBB1_13:
0x1e6: {  	[hbm:s12], [sflag:s4] =	dma.local [hbm:s13], $0x10  }
0x1e7: {  	s12 =	smov.u32 s10  }
0x1e8: {  	p0 =	sne.s32 s10, $0x7C0;
	s10 =	sadd.s32 $0x40, s10;
	s13 =	sld [smem:s11+$0xFFFFFFFE]  }
0x1e9: {  	_ =	sdelay $0x2  }
0x1ea: {  	s14 =	sadd.s32 s12, s9;
	s12 =	sand.u32 $0x40, s12;
	s13 =	sshll.u32 s13, $0x4  }
0x1eb: {  	s14 =	sand.u32 $0x1FF80, s14;
	s12 =	sadd.s32 s3, s12;
	s13 =	sand.u32 $0x1FFFFFF0, s13  }
0x1ec: {  	s12 =	sadd.s32 s14, s12;
	s13 =	sadd.s32 s2, s13  }
0x1ed: {  	[hbm:s12], [sflag:s4] =	dma.local [hbm:s13], $0x10  }
0x1ee: {  	s13 =	sld [smem:s11+$0xFFFFFFFF];
	_ =	sdelay $0x3  }
0x1ef: {  	s13 =	sshll.u32 s13, $0x4  }
0x1f0: {  	s13 =	sand.u32 $0x1FFFFFF0, s13  }
0x1f1: {  	s14 =	sadd.s32 $0x10, s12;
	s13 =	sadd.s32 s2, s13  }
0x1f2: {  	[hbm:s14], [sflag:s4] =	dma.local [hbm:s13], $0x10  }
0x1f3: {  	s13 =	sld [smem:s11+$0x0];
	_ =	sdelay $0x3  }
0x1f4: {  	s13 =	sshll.u32 s13, $0x4  }
0x1f5: {  	s13 =	sand.u32 $0x1FFFFFF0, s13  }
0x1f6: {  	s14 =	sadd.s32 $0x20, s12;
	s13 =	sadd.s32 s2, s13  }
0x1f7: {  	[hbm:s14], [sflag:s4] =	dma.local [hbm:s13], $0x10  }
0x1f8: {  	s13 =	sld [smem:s11+$0x1];
	_ =	sdelay $0x2  }
.Ltmp6:
0x1f9: {  	(pc) =	sbr.rel @p0 .LBB1_13-.Ltmp6, $3  }
0x1fa: {  	s13 =	sshll.u32 s13, $0x4  }
0x1fb: {  	s13 =	sand.u32 $0x1FFFFFF0, s13  }
0x1fc: {  	s12 =	sadd.s32 $0x30, s12;
	s11 =	sadd.s32 $0x4, s11;
	s13 =	sadd.s32 s2, s13  }
0x1fd: {  	[hbm:s12], [sflag:s4] =	dma.local [hbm:s13], $0x10  }
0x1fe: {  	s9 =	sadd.s32 $0x80, s7;
	s10 =	simm.s32 $0x10;
	s25 =	simm.s32 $0xA  }
0x1ff: {  	[smem:s10], [sflag:s6] =	dma.local [hbm:s9], $0x10  }
0x200: {  	[smem:s10], [sflag:s6] =	dma.local [hbm:s9], $0x10  }
0x201: {  	_ =	swait.ge [sflag:s25], $0x10  }
0x202: {  	[sflag:s25] =	ssyncset.done $0x0  }
0x203: {  	[sflag:s25] =	ssyncadd.s32 $0xFFFFFFF0  }
0x204: {  	s26 =	sld [smem:$0x90];
	_ =	sdelay $0x2  }
0x205: {  	s11 =	simm.s32 $0x0;
	s9 =	sadd.s32 $0x3800, s5  }
0x206: {  	s11 =	sand.u32 $0x40, s11;
	s28 =	sadd.s32 $0x0, s9;
	s10 =	sshll.u32 s26, $0x4  }
0x207: {  	s11 =	sadd.s32 s3, s11;
	s12 =	sand.u32 $0x1FF80, s28;
	s10 =	sand.u32 $0x1FFFFFF0, s10  }
0x208: {  	s11 =	sadd.s32 s12, s11;
	s10 =	sadd.s32 s2, s10  }
0x209: {  	[hbm:s11], [sflag:s4] =	dma.local [hbm:s10], $0x10  }
0x20a: {  	s10 =	sld [smem:$0x91];
	_ =	sdelay $0x3  }
0x20b: {  	s10 =	sshll.u32 s10, $0x4  }
0x20c: {  	s10 =	sand.u32 $0x1FFFFFF0, s10  }
0x20d: {  	s12 =	sadd.s32 $0x10, s11;
	s10 =	sadd.s32 s2, s10  }
0x20e: {  	[hbm:s12], [sflag:s4] =	dma.local [hbm:s10], $0x10  }
0x20f: {  	s10 =	sld [smem:$0x92];
	_ =	sdelay $0x3  }
0x210: {  	s10 =	sshll.u32 s10, $0x4  }
0x211: {  	s10 =	sand.u32 $0x1FFFFFF0, s10  }
0x212: {  	s29 =	sadd.s32 $0x20, s11;
	s10 =	sadd.s32 s2, s10  }
0x213: {  	[hbm:s29], [sflag:s4] =	dma.local [hbm:s10], $0x10  }
0x214: {  	s10 =	sld [smem:$0x93];
	_ =	sdelay $0x3  }
0x215: {  	s30 =	sshll.u32 s10, $0x4  }
0x216: {  	s12 =	sadd.s32 $0x30, s11;
	s31 =	sand.u32 $0x1FFFFFF0, s30  }
0x217: {  	s11 =	simm.s32 $0x97;
	s10 =	simm.s32 $0x40;
	s13 =	sadd.s32 s2, s31  }
.LBB1_15:
0x218: {  	[hbm:s12], [sflag:s4] =	dma.local [hbm:s13], $0x10  }
0x219: {  	s12 =	smov.u32 s10  }
0x21a: {  	p0 =	sne.s32 s10, $0x7C0;
	s10 =	sadd.s32 $0x40, s10;
	s13 =	sld [smem:s11+$0xFFFFFFFD]  }
0x21b: {  	_ =	sdelay $0x2  }
0x21c: {  	s14 =	sadd.s32 s12, s9;
	s12 =	sand.u32 $0x40, s12;
	s13 =	sshll.u32 s13, $0x4  }
0x21d: {  	s14 =	sand.u32 $0x1FF80, s14;
	s12 =	sadd.s32 s3, s12;
	s13 =	sand.u32 $0x1FFFFFF0, s13  }
0x21e: {  	s12 =	sadd.s32 s14, s12;
	s13 =	sadd.s32 s2, s13  }
0x21f: {  	[hbm:s12], [sflag:s4] =	dma.local [hbm:s13], $0x10  }
0x220: {  	s13 =	sld [smem:s11+$0xFFFFFFFE];
	_ =	sdelay $0x3  }
0x221: {  	s13 =	sshll.u32 s13, $0x4  }
0x222: {  	s13 =	sand.u32 $0x1FFFFFF0, s13  }
0x223: {  	s14 =	sadd.s32 $0x10, s12;
	s13 =	sadd.s32 s2, s13  }
0x224: {  	[hbm:s14], [sflag:s4] =	dma.local [hbm:s13], $0x10  }
0x225: {  	s13 =	sld [smem:s11+$0xFFFFFFFF];
	_ =	sdelay $0x3  }
0x226: {  	s13 =	sshll.u32 s13, $0x4  }
0x227: {  	s13 =	sand.u32 $0x1FFFFFF0, s13  }
0x228: {  	s14 =	sadd.s32 $0x20, s12;
	s13 =	sadd.s32 s2, s13  }
0x229: {  	[hbm:s14], [sflag:s4] =	dma.local [hbm:s13], $0x10  }
0x22a: {  	s13 =	sld [smem:s11+$0x0];
	_ =	sdelay $0x2  }
.Ltmp7:
0x22b: {  	(pc) =	sbr.rel @p0 .LBB1_15-.Ltmp7, $3  }
0x22c: {  	s13 =	sshll.u32 s13, $0x4  }
0x22d: {  	s13 =	sand.u32 $0x1FFFFFF0, s13  }
0x22e: {  	s12 =	sadd.s32 $0x30, s12;
	s11 =	sadd.s32 $0x4, s11;
	s13 =	sadd.s32 s2, s13  }
0x22f: {  	[hbm:s12], [sflag:s4] =	dma.local [hbm:s13], $0x10  }
0x230: {  	s9 =	sadd.s32 $0x90, s7;
	s10 =	simm.s32 $0x90;
	s25 =	simm.s32 $0x9  }
0x231: {  	[smem:s10], [sflag:s8] =	dma.local [hbm:s9], $0x10  }
0x232: {  	[smem:s10], [sflag:s8] =	dma.local [hbm:s9], $0x10  }
0x233: {  	_ =	swait.ge [sflag:s25], $0x10  }
0x234: {  	[sflag:s25] =	ssyncset.done $0x0  }
0x235: {  	[sflag:s25] =	ssyncadd.s32 $0xFFFFFFF0  }
0x236: {  	s26 =	sld [smem:$0x10];
	_ =	sdelay $0x2  }
0x237: {  	s11 =	simm.s32 $0x0;
	s9 =	sadd.s32 $0x4000, s5  }
0x238: {  	s11 =	sand.u32 $0x40, s11;
	s28 =	sadd.s32 $0x0, s9;
	s10 =	sshll.u32 s26, $0x4  }
0x239: {  	s11 =	sadd.s32 s3, s11;
	s12 =	sand.u32 $0x1FF80, s28;
	s10 =	sand.u32 $0x1FFFFFF0, s10  }
0x23a: {  	s11 =	sadd.s32 s12, s11;
	s10 =	sadd.s32 s2, s10  }
0x23b: {  	[hbm:s11], [sflag:s4] =	dma.local [hbm:s10], $0x10  }
0x23c: {  	s10 =	sld [smem:$0x11];
	_ =	sdelay $0x3  }
0x23d: {  	s10 =	sshll.u32 s10, $0x4  }
0x23e: {  	s10 =	sand.u32 $0x1FFFFFF0, s10  }
0x23f: {  	s12 =	sadd.s32 $0x10, s11;
	s10 =	sadd.s32 s2, s10  }
0x240: {  	[hbm:s12], [sflag:s4] =	dma.local [hbm:s10], $0x10  }
0x241: {  	s10 =	sld [smem:$0x12];
	_ =	sdelay $0x3  }
0x242: {  	s10 =	sshll.u32 s10, $0x4  }
0x243: {  	s10 =	sand.u32 $0x1FFFFFF0, s10  }
0x244: {  	s29 =	sadd.s32 $0x20, s11;
	s10 =	sadd.s32 s2, s10  }
0x245: {  	[hbm:s29], [sflag:s4] =	dma.local [hbm:s10], $0x10  }
0x246: {  	s10 =	sld [smem:$0x13];
	_ =	sdelay $0x3  }
0x247: {  	s30 =	sshll.u32 s10, $0x4  }
0x248: {  	s12 =	sadd.s32 $0x30, s11;
	s31 =	sand.u32 $0x1FFFFFF0, s30  }
0x249: {  	s11 =	simm.s32 $0x16;
	s10 =	simm.s32 $0x40;
	s13 =	sadd.s32 s2, s31  }
.LBB1_17:
0x24a: {  	[hbm:s12], [sflag:s4] =	dma.local [hbm:s13], $0x10  }
0x24b: {  	s12 =	smov.u32 s10  }
0x24c: {  	p0 =	sne.s32 s10, $0x7C0;
	s10 =	sadd.s32 $0x40, s10;
	s13 =	sld [smem:s11+$0xFFFFFFFE]  }
0x24d: {  	_ =	sdelay $0x2  }
0x24e: {  	s14 =	sadd.s32 s12, s9;
	s12 =	sand.u32 $0x40, s12;
	s13 =	sshll.u32 s13, $0x4  }
0x24f: {  	s14 =	sand.u32 $0x1FF80, s14;
	s12 =	sadd.s32 s3, s12;
	s13 =	sand.u32 $0x1FFFFFF0, s13  }
0x250: {  	s12 =	sadd.s32 s14, s12;
	s13 =	sadd.s32 s2, s13  }
0x251: {  	[hbm:s12], [sflag:s4] =	dma.local [hbm:s13], $0x10  }
0x252: {  	s13 =	sld [smem:s11+$0xFFFFFFFF];
	_ =	sdelay $0x3  }
0x253: {  	s13 =	sshll.u32 s13, $0x4  }
0x254: {  	s13 =	sand.u32 $0x1FFFFFF0, s13  }
0x255: {  	s14 =	sadd.s32 $0x10, s12;
	s13 =	sadd.s32 s2, s13  }
0x256: {  	[hbm:s14], [sflag:s4] =	dma.local [hbm:s13], $0x10  }
0x257: {  	s13 =	sld [smem:s11+$0x0];
	_ =	sdelay $0x3  }
0x258: {  	s13 =	sshll.u32 s13, $0x4  }
0x259: {  	s13 =	sand.u32 $0x1FFFFFF0, s13  }
0x25a: {  	s14 =	sadd.s32 $0x20, s12;
	s13 =	sadd.s32 s2, s13  }
0x25b: {  	[hbm:s14], [sflag:s4] =	dma.local [hbm:s13], $0x10  }
0x25c: {  	s13 =	sld [smem:s11+$0x1];
	_ =	sdelay $0x2  }
.Ltmp8:
0x25d: {  	(pc) =	sbr.rel @p0 .LBB1_17-.Ltmp8, $3  }
0x25e: {  	s13 =	sshll.u32 s13, $0x4  }
0x25f: {  	s13 =	sand.u32 $0x1FFFFFF0, s13  }
0x260: {  	s12 =	sadd.s32 $0x30, s12;
	s11 =	sadd.s32 $0x4, s11;
	s13 =	sadd.s32 s2, s13  }
0x261: {  	[hbm:s12], [sflag:s4] =	dma.local [hbm:s13], $0x10  }
0x262: {  	s9 =	sadd.s32 $0xA0, s7;
	s10 =	simm.s32 $0x10;
	s25 =	simm.s32 $0xA  }
0x263: {  	[smem:s10], [sflag:s6] =	dma.local [hbm:s9], $0x10  }
0x264: {  	[smem:s10], [sflag:s6] =	dma.local [hbm:s9], $0x10  }
0x265: {  	_ =	swait.ge [sflag:s25], $0x10  }
0x266: {  	[sflag:s25] =	ssyncset.done $0x0  }
0x267: {  	[sflag:s25] =	ssyncadd.s32 $0xFFFFFFF0  }
0x268: {  	s26 =	sld [smem:$0x90];
	_ =	sdelay $0x2  }
0x269: {  	s11 =	simm.s32 $0x0;
	s9 =	sadd.s32 $0x4800, s5  }
0x26a: {  	s11 =	sand.u32 $0x40, s11;
	s28 =	sadd.s32 $0x0, s9;
	s10 =	sshll.u32 s26, $0x4  }
0x26b: {  	s11 =	sadd.s32 s3, s11;
	s12 =	sand.u32 $0x1FF80, s28;
	s10 =	sand.u32 $0x1FFFFFF0, s10  }
0x26c: {  	s11 =	sadd.s32 s12, s11;
	s10 =	sadd.s32 s2, s10  }
0x26d: {  	[hbm:s11], [sflag:s4] =	dma.local [hbm:s10], $0x10  }
0x26e: {  	s10 =	sld [smem:$0x91];
	_ =	sdelay $0x3  }
0x26f: {  	s10 =	sshll.u32 s10, $0x4  }
0x270: {  	s10 =	sand.u32 $0x1FFFFFF0, s10  }
0x271: {  	s12 =	sadd.s32 $0x10, s11;
	s10 =	sadd.s32 s2, s10  }
0x272: {  	[hbm:s12], [sflag:s4] =	dma.local [hbm:s10], $0x10  }
0x273: {  	s10 =	sld [smem:$0x92];
	_ =	sdelay $0x3  }
0x274: {  	s10 =	sshll.u32 s10, $0x4  }
0x275: {  	s10 =	sand.u32 $0x1FFFFFF0, s10  }
0x276: {  	s29 =	sadd.s32 $0x20, s11;
	s10 =	sadd.s32 s2, s10  }
0x277: {  	[hbm:s29], [sflag:s4] =	dma.local [hbm:s10], $0x10  }
0x278: {  	s10 =	sld [smem:$0x93];
	_ =	sdelay $0x3  }
0x279: {  	s30 =	sshll.u32 s10, $0x4  }
0x27a: {  	s12 =	sadd.s32 $0x30, s11;
	s31 =	sand.u32 $0x1FFFFFF0, s30  }
0x27b: {  	s11 =	simm.s32 $0x97;
	s10 =	simm.s32 $0x40;
	s13 =	sadd.s32 s2, s31  }
.LBB1_19:
0x27c: {  	[hbm:s12], [sflag:s4] =	dma.local [hbm:s13], $0x10  }
0x27d: {  	s12 =	smov.u32 s10  }
0x27e: {  	p0 =	sne.s32 s10, $0x7C0;
	s10 =	sadd.s32 $0x40, s10;
	s13 =	sld [smem:s11+$0xFFFFFFFD]  }
0x27f: {  	_ =	sdelay $0x2  }
0x280: {  	s14 =	sadd.s32 s12, s9;
	s12 =	sand.u32 $0x40, s12;
	s13 =	sshll.u32 s13, $0x4  }
0x281: {  	s14 =	sand.u32 $0x1FF80, s14;
	s12 =	sadd.s32 s3, s12;
	s13 =	sand.u32 $0x1FFFFFF0, s13  }
0x282: {  	s12 =	sadd.s32 s14, s12;
	s13 =	sadd.s32 s2, s13  }
0x283: {  	[hbm:s12], [sflag:s4] =	dma.local [hbm:s13], $0x10  }
0x284: {  	s13 =	sld [smem:s11+$0xFFFFFFFE];
	_ =	sdelay $0x3  }
0x285: {  	s13 =	sshll.u32 s13, $0x4  }
0x286: {  	s13 =	sand.u32 $0x1FFFFFF0, s13  }
0x287: {  	s14 =	sadd.s32 $0x10, s12;
	s13 =	sadd.s32 s2, s13  }
0x288: {  	[hbm:s14], [sflag:s4] =	dma.local [hbm:s13], $0x10  }
0x289: {  	s13 =	sld [smem:s11+$0xFFFFFFFF];
	_ =	sdelay $0x3  }
0x28a: {  	s13 =	sshll.u32 s13, $0x4  }
0x28b: {  	s13 =	sand.u32 $0x1FFFFFF0, s13  }
0x28c: {  	s14 =	sadd.s32 $0x20, s12;
	s13 =	sadd.s32 s2, s13  }
0x28d: {  	[hbm:s14], [sflag:s4] =	dma.local [hbm:s13], $0x10  }
0x28e: {  	s13 =	sld [smem:s11+$0x0];
	_ =	sdelay $0x2  }
.Ltmp9:
0x28f: {  	(pc) =	sbr.rel @p0 .LBB1_19-.Ltmp9, $3  }
0x290: {  	s13 =	sshll.u32 s13, $0x4  }
0x291: {  	s13 =	sand.u32 $0x1FFFFFF0, s13  }
0x292: {  	s12 =	sadd.s32 $0x30, s12;
	s11 =	sadd.s32 $0x4, s11;
	s13 =	sadd.s32 s2, s13  }
0x293: {  	[hbm:s12], [sflag:s4] =	dma.local [hbm:s13], $0x10  }
0x294: {  	s9 =	sadd.s32 $0xB0, s7;
	s10 =	simm.s32 $0x90;
	s25 =	simm.s32 $0x9  }
0x295: {  	[smem:s10], [sflag:s8] =	dma.local [hbm:s9], $0x10  }
0x296: {  	[smem:s10], [sflag:s8] =	dma.local [hbm:s9], $0x10  }
0x297: {  	_ =	swait.ge [sflag:s25], $0x10  }
0x298: {  	[sflag:s25] =	ssyncset.done $0x0  }
0x299: {  	[sflag:s25] =	ssyncadd.s32 $0xFFFFFFF0  }
0x29a: {  	s26 =	sld [smem:$0x10];
	_ =	sdelay $0x2  }
0x29b: {  	s11 =	simm.s32 $0x0;
	s9 =	sadd.s32 $0x5000, s5  }
0x29c: {  	s11 =	sand.u32 $0x40, s11;
	s28 =	sadd.s32 $0x0, s9;
	s10 =	sshll.u32 s26, $0x4  }
0x29d: {  	s11 =	sadd.s32 s3, s11;
	s12 =	sand.u32 $0x1FF80, s28;
	s10 =	sand.u32 $0x1FFFFFF0, s10  }
0x29e: {  	s11 =	sadd.s32 s12, s11;
	s10 =	sadd.s32 s2, s10  }
0x29f: {  	[hbm:s11], [sflag:s4] =	dma.local [hbm:s10], $0x10  }
0x2a0: {  	s10 =	sld [smem:$0x11];
	_ =	sdelay $0x3  }
0x2a1: {  	s10 =	sshll.u32 s10, $0x4  }
0x2a2: {  	s10 =	sand.u32 $0x1FFFFFF0, s10  }
0x2a3: {  	s12 =	sadd.s32 $0x10, s11;
	s10 =	sadd.s32 s2, s10  }
0x2a4: {  	[hbm:s12], [sflag:s4] =	dma.local [hbm:s10], $0x10  }
0x2a5: {  	s10 =	sld [smem:$0x12];
	_ =	sdelay $0x3  }
0x2a6: {  	s10 =	sshll.u32 s10, $0x4  }
0x2a7: {  	s10 =	sand.u32 $0x1FFFFFF0, s10  }
0x2a8: {  	s29 =	sadd.s32 $0x20, s11;
	s10 =	sadd.s32 s2, s10  }
0x2a9: {  	[hbm:s29], [sflag:s4] =	dma.local [hbm:s10], $0x10  }
0x2aa: {  	s10 =	sld [smem:$0x13];
	_ =	sdelay $0x3  }
0x2ab: {  	s30 =	sshll.u32 s10, $0x4  }
0x2ac: {  	s12 =	sadd.s32 $0x30, s11;
	s31 =	sand.u32 $0x1FFFFFF0, s30  }
0x2ad: {  	s11 =	simm.s32 $0x16;
	s10 =	simm.s32 $0x40;
	s13 =	sadd.s32 s2, s31  }
.LBB1_21:
0x2ae: {  	[hbm:s12], [sflag:s4] =	dma.local [hbm:s13], $0x10  }
0x2af: {  	s12 =	smov.u32 s10  }
0x2b0: {  	p0 =	sne.s32 s10, $0x7C0;
	s10 =	sadd.s32 $0x40, s10;
	s13 =	sld [smem:s11+$0xFFFFFFFE]  }
0x2b1: {  	_ =	sdelay $0x2  }
0x2b2: {  	s14 =	sadd.s32 s12, s9;
	s12 =	sand.u32 $0x40, s12;
	s13 =	sshll.u32 s13, $0x4  }
0x2b3: {  	s14 =	sand.u32 $0x1FF80, s14;
	s12 =	sadd.s32 s3, s12;
	s13 =	sand.u32 $0x1FFFFFF0, s13  }
0x2b4: {  	s12 =	sadd.s32 s14, s12;
	s13 =	sadd.s32 s2, s13  }
0x2b5: {  	[hbm:s12], [sflag:s4] =	dma.local [hbm:s13], $0x10  }
0x2b6: {  	s13 =	sld [smem:s11+$0xFFFFFFFF];
	_ =	sdelay $0x3  }
0x2b7: {  	s13 =	sshll.u32 s13, $0x4  }
0x2b8: {  	s13 =	sand.u32 $0x1FFFFFF0, s13  }
0x2b9: {  	s14 =	sadd.s32 $0x10, s12;
	s13 =	sadd.s32 s2, s13  }
0x2ba: {  	[hbm:s14], [sflag:s4] =	dma.local [hbm:s13], $0x10  }
0x2bb: {  	s13 =	sld [smem:s11+$0x0];
	_ =	sdelay $0x3  }
0x2bc: {  	s13 =	sshll.u32 s13, $0x4  }
0x2bd: {  	s13 =	sand.u32 $0x1FFFFFF0, s13  }
0x2be: {  	s14 =	sadd.s32 $0x20, s12;
	s13 =	sadd.s32 s2, s13  }
0x2bf: {  	[hbm:s14], [sflag:s4] =	dma.local [hbm:s13], $0x10  }
0x2c0: {  	s13 =	sld [smem:s11+$0x1];
	_ =	sdelay $0x2  }
.Ltmp10:
0x2c1: {  	(pc) =	sbr.rel @p0 .LBB1_21-.Ltmp10, $3  }
0x2c2: {  	s13 =	sshll.u32 s13, $0x4  }
0x2c3: {  	s13 =	sand.u32 $0x1FFFFFF0, s13  }
0x2c4: {  	s12 =	sadd.s32 $0x30, s12;
	s11 =	sadd.s32 $0x4, s11;
	s13 =	sadd.s32 s2, s13  }
0x2c5: {  	[hbm:s12], [sflag:s4] =	dma.local [hbm:s13], $0x10  }
0x2c6: {  	s9 =	sadd.s32 $0xC0, s7;
	s10 =	simm.s32 $0x10;
	s25 =	simm.s32 $0xA  }
0x2c7: {  	[smem:s10], [sflag:s6] =	dma.local [hbm:s9], $0x10  }
0x2c8: {  	[smem:s10], [sflag:s6] =	dma.local [hbm:s9], $0x10  }
0x2c9: {  	_ =	swait.ge [sflag:s25], $0x10  }
0x2ca: {  	[sflag:s25] =	ssyncset.done $0x0  }
0x2cb: {  	[sflag:s25] =	ssyncadd.s32 $0xFFFFFFF0  }
0x2cc: {  	s26 =	sld [smem:$0x90];
	_ =	sdelay $0x2  }
0x2cd: {  	s11 =	simm.s32 $0x0;
	s9 =	sadd.s32 $0x5800, s5  }
0x2ce: {  	s11 =	sand.u32 $0x40, s11;
	s28 =	sadd.s32 $0x0, s9;
	s10 =	sshll.u32 s26, $0x4  }
0x2cf: {  	s11 =	sadd.s32 s3, s11;
	s12 =	sand.u32 $0x1FF80, s28;
	s10 =	sand.u32 $0x1FFFFFF0, s10  }
0x2d0: {  	s11 =	sadd.s32 s12, s11;
	s10 =	sadd.s32 s2, s10  }
0x2d1: {  	[hbm:s11], [sflag:s4] =	dma.local [hbm:s10], $0x10  }
0x2d2: {  	s10 =	sld [smem:$0x91];
	_ =	sdelay $0x3  }
0x2d3: {  	s10 =	sshll.u32 s10, $0x4  }
0x2d4: {  	s10 =	sand.u32 $0x1FFFFFF0, s10  }
0x2d5: {  	s12 =	sadd.s32 $0x10, s11;
	s10 =	sadd.s32 s2, s10  }
0x2d6: {  	[hbm:s12], [sflag:s4] =	dma.local [hbm:s10], $0x10  }
0x2d7: {  	s10 =	sld [smem:$0x92];
	_ =	sdelay $0x3  }
0x2d8: {  	s10 =	sshll.u32 s10, $0x4  }
0x2d9: {  	s10 =	sand.u32 $0x1FFFFFF0, s10  }
0x2da: {  	s29 =	sadd.s32 $0x20, s11;
	s10 =	sadd.s32 s2, s10  }
0x2db: {  	[hbm:s29], [sflag:s4] =	dma.local [hbm:s10], $0x10  }
0x2dc: {  	s10 =	sld [smem:$0x93];
	_ =	sdelay $0x3  }
0x2dd: {  	s30 =	sshll.u32 s10, $0x4  }
0x2de: {  	s12 =	sadd.s32 $0x30, s11;
	s31 =	sand.u32 $0x1FFFFFF0, s30  }
0x2df: {  	s11 =	simm.s32 $0x97;
	s10 =	simm.s32 $0x40;
	s13 =	sadd.s32 s2, s31  }
.LBB1_23:
0x2e0: {  	[hbm:s12], [sflag:s4] =	dma.local [hbm:s13], $0x10  }
0x2e1: {  	s12 =	smov.u32 s10  }
0x2e2: {  	p0 =	sne.s32 s10, $0x7C0;
	s10 =	sadd.s32 $0x40, s10;
	s13 =	sld [smem:s11+$0xFFFFFFFD]  }
0x2e3: {  	_ =	sdelay $0x2  }
0x2e4: {  	s14 =	sadd.s32 s12, s9;
	s12 =	sand.u32 $0x40, s12;
	s13 =	sshll.u32 s13, $0x4  }
0x2e5: {  	s14 =	sand.u32 $0x1FF80, s14;
	s12 =	sadd.s32 s3, s12;
	s13 =	sand.u32 $0x1FFFFFF0, s13  }
0x2e6: {  	s12 =	sadd.s32 s14, s12;
	s13 =	sadd.s32 s2, s13  }
0x2e7: {  	[hbm:s12], [sflag:s4] =	dma.local [hbm:s13], $0x10  }
0x2e8: {  	s13 =	sld [smem:s11+$0xFFFFFFFE];
	_ =	sdelay $0x3  }
0x2e9: {  	s13 =	sshll.u32 s13, $0x4  }
0x2ea: {  	s13 =	sand.u32 $0x1FFFFFF0, s13  }
0x2eb: {  	s14 =	sadd.s32 $0x10, s12;
	s13 =	sadd.s32 s2, s13  }
0x2ec: {  	[hbm:s14], [sflag:s4] =	dma.local [hbm:s13], $0x10  }
0x2ed: {  	s13 =	sld [smem:s11+$0xFFFFFFFF];
	_ =	sdelay $0x3  }
0x2ee: {  	s13 =	sshll.u32 s13, $0x4  }
0x2ef: {  	s13 =	sand.u32 $0x1FFFFFF0, s13  }
0x2f0: {  	s14 =	sadd.s32 $0x20, s12;
	s13 =	sadd.s32 s2, s13  }
0x2f1: {  	[hbm:s14], [sflag:s4] =	dma.local [hbm:s13], $0x10  }
0x2f2: {  	s13 =	sld [smem:s11+$0x0];
	_ =	sdelay $0x2  }
.Ltmp11:
0x2f3: {  	(pc) =	sbr.rel @p0 .LBB1_23-.Ltmp11, $3  }
0x2f4: {  	s13 =	sshll.u32 s13, $0x4  }
0x2f5: {  	s13 =	sand.u32 $0x1FFFFFF0, s13  }
0x2f6: {  	s12 =	sadd.s32 $0x30, s12;
	s11 =	sadd.s32 $0x4, s11;
	s13 =	sadd.s32 s2, s13  }
0x2f7: {  	[hbm:s12], [sflag:s4] =	dma.local [hbm:s13], $0x10  }
0x2f8: {  	s9 =	sadd.s32 $0xD0, s7;
	s10 =	simm.s32 $0x90;
	s25 =	simm.s32 $0x9  }
0x2f9: {  	[smem:s10], [sflag:s8] =	dma.local [hbm:s9], $0x10  }
0x2fa: {  	[smem:s10], [sflag:s8] =	dma.local [hbm:s9], $0x10  }
0x2fb: {  	_ =	swait.ge [sflag:s25], $0x10  }
0x2fc: {  	[sflag:s25] =	ssyncset.done $0x0  }
0x2fd: {  	[sflag:s25] =	ssyncadd.s32 $0xFFFFFFF0  }
0x2fe: {  	s26 =	sld [smem:$0x10];
	_ =	sdelay $0x2  }
0x2ff: {  	s11 =	simm.s32 $0x0;
	s9 =	sadd.s32 $0x6000, s5  }
0x300: {  	s11 =	sand.u32 $0x40, s11;
	s28 =	sadd.s32 $0x0, s9;
	s10 =	sshll.u32 s26, $0x4  }
0x301: {  	s11 =	sadd.s32 s3, s11;
	s12 =	sand.u32 $0x1FF80, s28;
	s10 =	sand.u32 $0x1FFFFFF0, s10  }
0x302: {  	s11 =	sadd.s32 s12, s11;
	s10 =	sadd.s32 s2, s10  }
0x303: {  	[hbm:s11], [sflag:s4] =	dma.local [hbm:s10], $0x10  }
0x304: {  	s10 =	sld [smem:$0x11];
	_ =	sdelay $0x3  }
0x305: {  	s10 =	sshll.u32 s10, $0x4  }
0x306: {  	s10 =	sand.u32 $0x1FFFFFF0, s10  }
0x307: {  	s12 =	sadd.s32 $0x10, s11;
	s10 =	sadd.s32 s2, s10  }
0x308: {  	[hbm:s12], [sflag:s4] =	dma.local [hbm:s10], $0x10  }
0x309: {  	s10 =	sld [smem:$0x12];
	_ =	sdelay $0x3  }
0x30a: {  	s10 =	sshll.u32 s10, $0x4  }
0x30b: {  	s10 =	sand.u32 $0x1FFFFFF0, s10  }
0x30c: {  	s29 =	sadd.s32 $0x20, s11;
	s10 =	sadd.s32 s2, s10  }
0x30d: {  	[hbm:s29], [sflag:s4] =	dma.local [hbm:s10], $0x10  }
0x30e: {  	s10 =	sld [smem:$0x13];
	_ =	sdelay $0x3  }
0x30f: {  	s30 =	sshll.u32 s10, $0x4  }
0x310: {  	s12 =	sadd.s32 $0x30, s11;
	s31 =	sand.u32 $0x1FFFFFF0, s30  }
0x311: {  	s11 =	simm.s32 $0x16;
	s10 =	simm.s32 $0x40;
	s13 =	sadd.s32 s2, s31  }
.LBB1_25:
0x312: {  	[hbm:s12], [sflag:s4] =	dma.local [hbm:s13], $0x10  }
0x313: {  	s12 =	smov.u32 s10  }
0x314: {  	p0 =	sne.s32 s10, $0x7C0;
	s10 =	sadd.s32 $0x40, s10;
	s13 =	sld [smem:s11+$0xFFFFFFFE]  }
0x315: {  	_ =	sdelay $0x2  }
0x316: {  	s14 =	sadd.s32 s12, s9;
	s12 =	sand.u32 $0x40, s12;
	s13 =	sshll.u32 s13, $0x4  }
0x317: {  	s14 =	sand.u32 $0x1FF80, s14;
	s12 =	sadd.s32 s3, s12;
	s13 =	sand.u32 $0x1FFFFFF0, s13  }
0x318: {  	s12 =	sadd.s32 s14, s12;
	s13 =	sadd.s32 s2, s13  }
0x319: {  	[hbm:s12], [sflag:s4] =	dma.local [hbm:s13], $0x10  }
0x31a: {  	s13 =	sld [smem:s11+$0xFFFFFFFF];
	_ =	sdelay $0x3  }
0x31b: {  	s13 =	sshll.u32 s13, $0x4  }
0x31c: {  	s13 =	sand.u32 $0x1FFFFFF0, s13  }
0x31d: {  	s14 =	sadd.s32 $0x10, s12;
	s13 =	sadd.s32 s2, s13  }
0x31e: {  	[hbm:s14], [sflag:s4] =	dma.local [hbm:s13], $0x10  }
0x31f: {  	s13 =	sld [smem:s11+$0x0];
	_ =	sdelay $0x3  }
0x320: {  	s13 =	sshll.u32 s13, $0x4  }
0x321: {  	s13 =	sand.u32 $0x1FFFFFF0, s13  }
0x322: {  	s14 =	sadd.s32 $0x20, s12;
	s13 =	sadd.s32 s2, s13  }
0x323: {  	[hbm:s14], [sflag:s4] =	dma.local [hbm:s13], $0x10  }
0x324: {  	s13 =	sld [smem:s11+$0x1];
	_ =	sdelay $0x2  }
.Ltmp12:
0x325: {  	(pc) =	sbr.rel @p0 .LBB1_25-.Ltmp12, $3  }
0x326: {  	s13 =	sshll.u32 s13, $0x4  }
0x327: {  	s13 =	sand.u32 $0x1FFFFFF0, s13  }
0x328: {  	s12 =	sadd.s32 $0x30, s12;
	s11 =	sadd.s32 $0x4, s11;
	s13 =	sadd.s32 s2, s13  }
0x329: {  	[hbm:s12], [sflag:s4] =	dma.local [hbm:s13], $0x10  }
0x32a: {  	s9 =	sadd.s32 $0xE0, s7;
	s10 =	simm.s32 $0x10;
	s25 =	simm.s32 $0xA  }
0x32b: {  	[smem:s10], [sflag:s6] =	dma.local [hbm:s9], $0x10  }
0x32c: {  	[smem:s10], [sflag:s6] =	dma.local [hbm:s9], $0x10  }
0x32d: {  	_ =	swait.ge [sflag:s25], $0x10  }
0x32e: {  	[sflag:s25] =	ssyncset.done $0x0  }
0x32f: {  	[sflag:s25] =	ssyncadd.s32 $0xFFFFFFF0  }
0x330: {  	s26 =	sld [smem:$0x90];
	_ =	sdelay $0x2  }
0x331: {  	s11 =	simm.s32 $0x0;
	s9 =	sadd.s32 $0x6800, s5  }
0x332: {  	s11 =	sand.u32 $0x40, s11;
	s28 =	sadd.s32 $0x0, s9;
	s10 =	sshll.u32 s26, $0x4  }
0x333: {  	s11 =	sadd.s32 s3, s11;
	s12 =	sand.u32 $0x1FF80, s28;
	s10 =	sand.u32 $0x1FFFFFF0, s10  }
0x334: {  	s11 =	sadd.s32 s12, s11;
	s10 =	sadd.s32 s2, s10  }
0x335: {  	[hbm:s11], [sflag:s4] =	dma.local [hbm:s10], $0x10  }
0x336: {  	s10 =	sld [smem:$0x91];
	_ =	sdelay $0x3  }
0x337: {  	s10 =	sshll.u32 s10, $0x4  }
0x338: {  	s10 =	sand.u32 $0x1FFFFFF0, s10  }
0x339: {  	s12 =	sadd.s32 $0x10, s11;
	s10 =	sadd.s32 s2, s10  }
0x33a: {  	[hbm:s12], [sflag:s4] =	dma.local [hbm:s10], $0x10  }
0x33b: {  	s10 =	sld [smem:$0x92];
	_ =	sdelay $0x3  }
0x33c: {  	s10 =	sshll.u32 s10, $0x4  }
0x33d: {  	s10 =	sand.u32 $0x1FFFFFF0, s10  }
0x33e: {  	s29 =	sadd.s32 $0x20, s11;
	s10 =	sadd.s32 s2, s10  }
0x33f: {  	[hbm:s29], [sflag:s4] =	dma.local [hbm:s10], $0x10  }
0x340: {  	s10 =	sld [smem:$0x93];
	_ =	sdelay $0x3  }
0x341: {  	s30 =	sshll.u32 s10, $0x4  }
0x342: {  	s12 =	sadd.s32 $0x30, s11;
	s31 =	sand.u32 $0x1FFFFFF0, s30  }
0x343: {  	s11 =	simm.s32 $0x97;
	s10 =	simm.s32 $0x40;
	s13 =	sadd.s32 s2, s31  }
.LBB1_27:
0x344: {  	[hbm:s12], [sflag:s4] =	dma.local [hbm:s13], $0x10  }
0x345: {  	s12 =	smov.u32 s10  }
0x346: {  	p0 =	sne.s32 s10, $0x7C0;
	s10 =	sadd.s32 $0x40, s10;
	s13 =	sld [smem:s11+$0xFFFFFFFD]  }
0x347: {  	_ =	sdelay $0x2  }
0x348: {  	s14 =	sadd.s32 s12, s9;
	s12 =	sand.u32 $0x40, s12;
	s13 =	sshll.u32 s13, $0x4  }
0x349: {  	s14 =	sand.u32 $0x1FF80, s14;
	s12 =	sadd.s32 s3, s12;
	s13 =	sand.u32 $0x1FFFFFF0, s13  }
0x34a: {  	s12 =	sadd.s32 s14, s12;
	s13 =	sadd.s32 s2, s13  }
0x34b: {  	[hbm:s12], [sflag:s4] =	dma.local [hbm:s13], $0x10  }
0x34c: {  	s13 =	sld [smem:s11+$0xFFFFFFFE];
	_ =	sdelay $0x3  }
0x34d: {  	s13 =	sshll.u32 s13, $0x4  }
0x34e: {  	s13 =	sand.u32 $0x1FFFFFF0, s13  }
0x34f: {  	s14 =	sadd.s32 $0x10, s12;
	s13 =	sadd.s32 s2, s13  }
0x350: {  	[hbm:s14], [sflag:s4] =	dma.local [hbm:s13], $0x10  }
0x351: {  	s13 =	sld [smem:s11+$0xFFFFFFFF];
	_ =	sdelay $0x3  }
0x352: {  	s13 =	sshll.u32 s13, $0x4  }
0x353: {  	s13 =	sand.u32 $0x1FFFFFF0, s13  }
0x354: {  	s14 =	sadd.s32 $0x20, s12;
	s13 =	sadd.s32 s2, s13  }
0x355: {  	[hbm:s14], [sflag:s4] =	dma.local [hbm:s13], $0x10  }
0x356: {  	s13 =	sld [smem:s11+$0x0];
	_ =	sdelay $0x2  }
.Ltmp13:
0x357: {  	(pc) =	sbr.rel @p0 .LBB1_27-.Ltmp13, $3  }
0x358: {  	s13 =	sshll.u32 s13, $0x4  }
0x359: {  	s13 =	sand.u32 $0x1FFFFFF0, s13  }
0x35a: {  	s12 =	sadd.s32 $0x30, s12;
	s11 =	sadd.s32 $0x4, s11;
	s13 =	sadd.s32 s2, s13  }
0x35b: {  	[hbm:s12], [sflag:s4] =	dma.local [hbm:s13], $0x10  }
0x35c: {  	s9 =	sadd.s32 $0xF0, s7;
	s10 =	simm.s32 $0x90;
	s25 =	simm.s32 $0x9  }
0x35d: {  	[smem:s10], [sflag:s8] =	dma.local [hbm:s9], $0x10  }
0x35e: {  	[smem:s10], [sflag:s8] =	dma.local [hbm:s9], $0x10  }
0x35f: {  	_ =	swait.ge [sflag:s25], $0x10  }
0x360: {  	[sflag:s25] =	ssyncset.done $0x0  }
0x361: {  	[sflag:s25] =	ssyncadd.s32 $0xFFFFFFF0  }
0x362: {  	s26 =	sld [smem:$0x10];
	_ =	sdelay $0x2  }
0x363: {  	s28 =	simm.s32 $0x0;
	s8 =	sadd.s32 $0x7000, s5  }
0x364: {  	s10 =	sand.u32 $0x40, s28;
	s11 =	sadd.s32 $0x0, s8;
	s9 =	sshll.u32 s26, $0x4  }
0x365: {  	s10 =	sadd.s32 s3, s10;
	s11 =	sand.u32 $0x1FF80, s11;
	s9 =	sand.u32 $0x1FFFFFF0, s9  }
0x366: {  	s10 =	sadd.s32 s11, s10;
	s9 =	sadd.s32 s2, s9  }
0x367: {  	[hbm:s10], [sflag:s4] =	dma.local [hbm:s9], $0x10  }
0x368: {  	s9 =	sld [smem:$0x11];
	_ =	sdelay $0x3  }
0x369: {  	s9 =	sshll.u32 s9, $0x4  }
0x36a: {  	s9 =	sand.u32 $0x1FFFFFF0, s9  }
0x36b: {  	s11 =	sadd.s32 $0x10, s10;
	s9 =	sadd.s32 s2, s9  }
0x36c: {  	[hbm:s11], [sflag:s4] =	dma.local [hbm:s9], $0x10  }
0x36d: {  	s9 =	sld [smem:$0x12];
	_ =	sdelay $0x3  }
0x36e: {  	s9 =	sshll.u32 s9, $0x4  }
0x36f: {  	s9 =	sand.u32 $0x1FFFFFF0, s9  }
0x370: {  	s29 =	sadd.s32 $0x20, s10;
	s9 =	sadd.s32 s2, s9  }
0x371: {  	[hbm:s29], [sflag:s4] =	dma.local [hbm:s9], $0x10  }
0x372: {  	s9 =	sld [smem:$0x13];
	_ =	sdelay $0x3  }
0x373: {  	s30 =	sshll.u32 s9, $0x4  }
0x374: {  	s11 =	sadd.s32 $0x30, s10;
	s31 =	sand.u32 $0x1FFFFFF0, s30  }
0x375: {  	s10 =	simm.s32 $0x16;
	s9 =	simm.s32 $0x40;
	s12 =	sadd.s32 s2, s31  }
.LBB1_29:
0x376: {  	[hbm:s11], [sflag:s4] =	dma.local [hbm:s12], $0x10  }
0x377: {  	s11 =	smov.u32 s9  }
0x378: {  	p0 =	sne.s32 s9, $0x7C0;
	s9 =	sadd.s32 $0x40, s9;
	s12 =	sld [smem:s10+$0xFFFFFFFE]  }
0x379: {  	_ =	sdelay $0x2  }
0x37a: {  	s13 =	sadd.s32 s11, s8;
	s11 =	sand.u32 $0x40, s11;
	s12 =	sshll.u32 s12, $0x4  }
0x37b: {  	s13 =	sand.u32 $0x1FF80, s13;
	s11 =	sadd.s32 s3, s11;
	s12 =	sand.u32 $0x1FFFFFF0, s12  }
0x37c: {  	s11 =	sadd.s32 s13, s11;
	s12 =	sadd.s32 s2, s12  }
0x37d: {  	[hbm:s11], [sflag:s4] =	dma.local [hbm:s12], $0x10  }
0x37e: {  	s12 =	sld [smem:s10+$0xFFFFFFFF];
	_ =	sdelay $0x3  }
0x37f: {  	s12 =	sshll.u32 s12, $0x4  }
0x380: {  	s12 =	sand.u32 $0x1FFFFFF0, s12  }
0x381: {  	s13 =	sadd.s32 $0x10, s11;
	s12 =	sadd.s32 s2, s12  }
0x382: {  	[hbm:s13], [sflag:s4] =	dma.local [hbm:s12], $0x10  }
0x383: {  	s12 =	sld [smem:s10+$0x0];
	_ =	sdelay $0x3  }
0x384: {  	s12 =	sshll.u32 s12, $0x4  }
0x385: {  	s12 =	sand.u32 $0x1FFFFFF0, s12  }
0x386: {  	s13 =	sadd.s32 $0x20, s11;
	s12 =	sadd.s32 s2, s12  }
0x387: {  	[hbm:s13], [sflag:s4] =	dma.local [hbm:s12], $0x10  }
0x388: {  	s12 =	sld [smem:s10+$0x1];
	_ =	sdelay $0x2  }
.Ltmp14:
0x389: {  	(pc) =	sbr.rel @p0 .LBB1_29-.Ltmp14, $3  }
0x38a: {  	s12 =	sshll.u32 s12, $0x4  }
0x38b: {  	s12 =	sand.u32 $0x1FFFFFF0, s12  }
0x38c: {  	s11 =	sadd.s32 $0x30, s11;
	s10 =	sadd.s32 $0x4, s10;
	s12 =	sadd.s32 s2, s12  }
0x38d: {  	[hbm:s11], [sflag:s4] =	dma.local [hbm:s12], $0x10  }
0x38e: {  	s7 =	sadd.s32 $0x100, s7;
	s8 =	simm.s32 $0x10;
	s26 =	simm.s32 $0xA  }
0x38f: {  	[smem:s8], [sflag:s6] =	dma.local [hbm:s7], $0x10  }
0x390: {  	[smem:s8], [sflag:s6] =	dma.local [hbm:s7], $0x10  }
0x391: {  	_ =	swait.ge [sflag:s26], $0x10  }
0x392: {  	[sflag:s26] =	ssyncset.done $0x0  }
0x393: {  	[sflag:s26] =	ssyncadd.s32 $0xFFFFFFF0  }
0x394: {  	s28 =	sld [smem:$0x90];
	_ =	sdelay $0x2  }
0x395: {  	s29 =	simm.s32 $0x0;
	s6 =	sadd.s32 $0x7800, s5  }
0x396: {  	s8 =	sand.u32 $0x40, s29;
	s9 =	sadd.s32 $0x0, s6;
	s7 =	sshll.u32 s28, $0x4  }
0x397: {  	s8 =	sadd.s32 s3, s8;
	s9 =	sand.u32 $0x1FF80, s9;
	s7 =	sand.u32 $0x1FFFFFF0, s7  }
0x398: {  	s8 =	sadd.s32 s9, s8;
	s7 =	sadd.s32 s2, s7  }
0x399: {  	[hbm:s8], [sflag:s4] =	dma.local [hbm:s7], $0x10  }
0x39a: {  	s7 =	sld [smem:$0x91];
	_ =	sdelay $0x3  }
0x39b: {  	s7 =	sshll.u32 s7, $0x4  }
0x39c: {  	s7 =	sand.u32 $0x1FFFFFF0, s7  }
0x39d: {  	s9 =	sadd.s32 $0x10, s8;
	s7 =	sadd.s32 s2, s7  }
0x39e: {  	[hbm:s9], [sflag:s4] =	dma.local [hbm:s7], $0x10  }
0x39f: {  	s7 =	sld [smem:$0x92];
	_ =	sdelay $0x3  }
0x3a0: {  	s7 =	sshll.u32 s7, $0x4  }
0x3a1: {  	s7 =	sand.u32 $0x1FFFFFF0, s7  }
0x3a2: {  	s30 =	sadd.s32 $0x20, s8;
	s7 =	sadd.s32 s2, s7  }
0x3a3: {  	[hbm:s30], [sflag:s4] =	dma.local [hbm:s7], $0x10  }
0x3a4: {  	s7 =	sld [smem:$0x93];
	_ =	sdelay $0x3  }
0x3a5: {  	s31 =	sshll.u32 s7, $0x4  }
0x3a6: {  	s9 =	sadd.s32 $0x30, s8;
	s10 =	sand.u32 $0x1FFFFFF0, s31  }
0x3a7: {  	s8 =	simm.s32 $0x97;
	s7 =	simm.s32 $0x40;
	s10 =	sadd.s32 s2, s10  }
.LBB1_31:
0x3a8: {  	[hbm:s9], [sflag:s4] =	dma.local [hbm:s10], $0x10  }
0x3a9: {  	s9 =	smov.u32 s7  }
0x3aa: {  	p0 =	sne.s32 s7, $0x7C0;
	s7 =	sadd.s32 $0x40, s7;
	s10 =	sld [smem:s8+$0xFFFFFFFD]  }
0x3ab: {  	_ =	sdelay $0x2  }
0x3ac: {  	s11 =	sadd.s32 s9, s6;
	s9 =	sand.u32 $0x40, s9;
	s10 =	sshll.u32 s10, $0x4  }
0x3ad: {  	s11 =	sand.u32 $0x1FF80, s11;
	s9 =	sadd.s32 s3, s9;
	s10 =	sand.u32 $0x1FFFFFF0, s10  }
0x3ae: {  	s9 =	sadd.s32 s11, s9;
	s10 =	sadd.s32 s2, s10  }
0x3af: {  	[hbm:s9], [sflag:s4] =	dma.local [hbm:s10], $0x10  }
0x3b0: {  	s10 =	sld [smem:s8+$0xFFFFFFFE];
	_ =	sdelay $0x3  }
0x3b1: {  	s10 =	sshll.u32 s10, $0x4  }
0x3b2: {  	s10 =	sand.u32 $0x1FFFFFF0, s10  }
0x3b3: {  	s11 =	sadd.s32 $0x10, s9;
	s10 =	sadd.s32 s2, s10  }
0x3b4: {  	[hbm:s11], [sflag:s4] =	dma.local [hbm:s10], $0x10  }
0x3b5: {  	s10 =	sld [smem:s8+$0xFFFFFFFF];
	_ =	sdelay $0x3  }
0x3b6: {  	s10 =	sshll.u32 s10, $0x4  }
0x3b7: {  	s10 =	sand.u32 $0x1FFFFFF0, s10  }
0x3b8: {  	s11 =	sadd.s32 $0x20, s9;
	s10 =	sadd.s32 s2, s10  }
0x3b9: {  	[hbm:s11], [sflag:s4] =	dma.local [hbm:s10], $0x10  }
0x3ba: {  	s10 =	sld [smem:s8+$0x0];
	_ =	sdelay $0x2  }
.Ltmp15:
0x3bb: {  	(pc) =	sbr.rel @p0 .LBB1_31-.Ltmp15, $3  }
0x3bc: {  	s10 =	sshll.u32 s10, $0x4  }
0x3bd: {  	s10 =	sand.u32 $0x1FFFFFF0, s10  }
0x3be: {  	s9 =	sadd.s32 $0x30, s9;
	s8 =	sadd.s32 $0x4, s8;
	s10 =	sadd.s32 s2, s10  }
0x3bf: {  	[hbm:s9], [sflag:s4] =	dma.local [hbm:s10], $0x10  }
0x3c0: {  	s6 =	simm.s32 $0x9  }
0x3c1: {  	_ =	swait.ge [sflag:s6], $0x10  }
0x3c2: {  	[sflag:s6] =	ssyncset.done $0x0  }
0x3c3: {  	[sflag:s6] =	ssyncadd.s32 $0xFFFFFFF0  }
0x3c4: {  	s6 =	sld [smem:$0x10];
	_ =	sdelay $0x2  }
0x3c5: {  	s5 =	sadd.s32 $0x8000, s5;
	s7 =	simm.s32 $0x0  }
0x3c6: {  	s8 =	sadd.s32 $0x0, s5;
	s7 =	sand.u32 $0x40, s7;
	s6 =	sshll.u32 s6, $0x4  }
0x3c7: {  	s8 =	sand.u32 $0x1FF80, s8;
	s7 =	sadd.s32 s3, s7;
	s6 =	sand.u32 $0x1FFFFFF0, s6  }
0x3c8: {  	s7 =	sadd.s32 s8, s7;
	s6 =	sadd.s32 s2, s6  }
0x3c9: {  	[hbm:s7], [sflag:s4] =	dma.local [hbm:s6], $0x10  }
0x3ca: {  	s6 =	sld [smem:$0x11];
	_ =	sdelay $0x3  }
0x3cb: {  	s6 =	sshll.u32 s6, $0x4  }
0x3cc: {  	s6 =	sand.u32 $0x1FFFFFF0, s6  }
0x3cd: {  	s8 =	sadd.s32 $0x10, s7;
	s6 =	sadd.s32 s2, s6  }
0x3ce: {  	[hbm:s8], [sflag:s4] =	dma.local [hbm:s6], $0x10  }
0x3cf: {  	s6 =	sld [smem:$0x12];
	_ =	sdelay $0x3  }
0x3d0: {  	s6 =	sshll.u32 s6, $0x4  }
0x3d1: {  	s6 =	sand.u32 $0x1FFFFFF0, s6  }
0x3d2: {  	s29 =	sadd.s32 $0x20, s7;
	s6 =	sadd.s32 s2, s6  }
0x3d3: {  	[hbm:s29], [sflag:s4] =	dma.local [hbm:s6], $0x10  }
0x3d4: {  	s6 =	sld [smem:$0x13];
	_ =	sdelay $0x3  }
0x3d5: {  	s30 =	sshll.u32 s6, $0x4  }
0x3d6: {  	s8 =	sadd.s32 $0x30, s7;
	s31 =	sand.u32 $0x1FFFFFF0, s30  }
0x3d7: {  	s7 =	simm.s32 $0x16;
	s6 =	simm.s32 $0x40;
	s9 =	sadd.s32 s2, s31  }
.LBB1_33:
0x3d8: {  	[hbm:s8], [sflag:s4] =	dma.local [hbm:s9], $0x10  }
0x3d9: {  	s8 =	smov.u32 s6  }
0x3da: {  	p0 =	sne.s32 s6, $0x7C0;
	s6 =	sadd.s32 $0x40, s6;
	s9 =	sld [smem:s7+$0xFFFFFFFE]  }
0x3db: {  	_ =	sdelay $0x2  }
0x3dc: {  	s10 =	sadd.s32 s8, s5;
	s8 =	sand.u32 $0x40, s8;
	s9 =	sshll.u32 s9, $0x4  }
0x3dd: {  	s10 =	sand.u32 $0x1FF80, s10;
	s8 =	sadd.s32 s3, s8;
	s9 =	sand.u32 $0x1FFFFFF0, s9  }
0x3de: {  	s8 =	sadd.s32 s10, s8;
	s9 =	sadd.s32 s2, s9  }
0x3df: {  	[hbm:s8], [sflag:s4] =	dma.local [hbm:s9], $0x10  }
0x3e0: {  	s9 =	sld [smem:s7+$0xFFFFFFFF];
	_ =	sdelay $0x3  }
0x3e1: {  	s9 =	sshll.u32 s9, $0x4  }
0x3e2: {  	s9 =	sand.u32 $0x1FFFFFF0, s9  }
0x3e3: {  	s10 =	sadd.s32 $0x10, s8;
	s9 =	sadd.s32 s2, s9  }
0x3e4: {  	[hbm:s10], [sflag:s4] =	dma.local [hbm:s9], $0x10  }
0x3e5: {  	s9 =	sld [smem:s7+$0x0];
	_ =	sdelay $0x3  }
0x3e6: {  	s9 =	sshll.u32 s9, $0x4  }
0x3e7: {  	s9 =	sand.u32 $0x1FFFFFF0, s9  }
0x3e8: {  	s10 =	sadd.s32 $0x20, s8;
	s9 =	sadd.s32 s2, s9  }
0x3e9: {  	[hbm:s10], [sflag:s4] =	dma.local [hbm:s9], $0x10  }
0x3ea: {  	s9 =	sld [smem:s7+$0x1];
	_ =	sdelay $0x2  }
.Ltmp16:
0x3eb: {  	(pc) =	sbr.rel @p0 .LBB1_33-.Ltmp16, $3  }
0x3ec: {  	s9 =	sshll.u32 s9, $0x4  }
0x3ed: {  	s9 =	sand.u32 $0x1FFFFFF0, s9  }
0x3ee: {  	s8 =	sadd.s32 $0x30, s8;
	s7 =	sadd.s32 $0x4, s7;
	s9 =	sadd.s32 s2, s9  }
0x3ef: {  	[hbm:s8], [sflag:s4] =	dma.local [hbm:s9], $0x10  }
0x3f0: {  	s2 =	simm.s32 $0xB  }
0x3f1: {  	_ =	swait.ge [sflag:s2], $0x8800  }
0x3f2: {  	[sflag:s2] =	ssyncset.done $0x0  }
0x3f3: {  	[sflag:s2] =	ssyncadd.s32 $0xFFFF7800  }
0x3f4: {  	_ =	strace $0x90000046  }
0x3f5: {  	_ =	sfence  }
0x3f6: {  	s30 =	sld [smem:$0x0];
	_ =	sdelay $0x2  }
0x3f7: {  	s3 =	sshll.u32 s1, $0xD;
	s31 =	sshrl.u32 s1, $0x2  }
0x3f8: {  	s3 =	sand.u32 $0x4000, s3;
	s1 =	sadd.s32 s31, s30  }
0x3f9: {  	s0 =	sor.u32 s3, s0;
	s1 =	sshll.u32 s1, $0x11  }
0x3fa: {  	s0 =	sor.u32 s1, s0  }
0x3fb: {  	s0 =	sadd.s32 $0x8F2B, s0;
	(pc) =	sbr.abs _section_cstart, $3  }
0x3fc: {  	[sflag:s0] =	ssyncadd.remote.s32 $0x1  }
0x3fd: {  	_ =	strace $0x9FFFFFFF  }
0x3fe: {  	(tm) =	ssettm $0x7FFFFFFF  }
0x3ff: {  	_ =	shalt  }

</sc_bundles>
